<compile_context>
chip_gen: v7x
topology: tpu7x:2x2x1
jax: 0.10.2.dev20260603
libtpu: 0.0.44.dev20260713+nightly
codegen_flags: <defaults>
</compile_context>

<pallas_src>
import functools

import jax
import jax.numpy as jnp
from jax import lax
from jax.experimental import pallas as pl
from jax.experimental.pallas import tpu as pltpu
from jax.experimental.pallas import tpu_sc as plsc

D = 64
SCALE = 8.0

_NC = 2
_NS = 16
_NW = _NC * _NS

_IDXW = 128
_CROWS = 5
_CHUNK = _CROWS * _IDXW


def _make_sc_kernel(B):
    rows_per_w = B // _IDXW // _NW
    nchunks = rows_per_w // _CROWS
    mesh = plsc.VectorSubcoreMesh(core_axis_name="c", subcore_axis_name="s")

    @functools.partial(
        pl.kernel,
        mesh=mesh,
        out_type=jax.ShapeDtypeStruct((B, D), jnp.float32),
        scratch_types=[
            pltpu.VMEM((rows_per_w, _IDXW), jnp.int32),
            pltpu.VMEM((2, _CHUNK, D), jnp.float32),
            pltpu.SemaphoreType.DMA,
            pltpu.SemaphoreType.DMA,
            pltpu.SemaphoreType.DMA,
            pltpu.SemaphoreType.DMA,
        ],
        compiler_params=pltpu.CompilerParams(use_tc_tiling_on_sc=False),
    )
    def k(idx_hbm, table_hbm, out_hbm, idx_v, rows_v, g0, g1, w0, w1):
        wid = lax.axis_index("s") * _NC + lax.axis_index("c")
        row0 = wid * rows_per_w
        out0 = row0 * _IDXW
        gsem = (g0, g1)
        wsem = (w0, w1)

        def fire(g, b):
            for j in range(_CROWS):
                pltpu.async_copy(
                    table_hbm.at[idx_v.at[g * _CROWS + j]],
                    rows_v.at[b].at[pl.ds(j * _IDXW, _IDXW)],
                    gsem[b],
                )

        def wait_gather(b):
            pltpu.make_async_copy(
                out_hbm.at[pl.ds(0, _CHUNK)], rows_v.at[b], gsem[b]
            ).wait()

        def scale(b):
            def body(i, c):
                for u in range(8):
                    r = i * 8 + u
                    for j in range(D // 16):
                        sl = pl.ds(j * 16, 16)
                        rows_v[b, r, sl] = rows_v[b, r, sl] * SCALE
                return c

            lax.fori_loop(0, _CHUNK // 8, body, 0)

        def fire_wb(g, b):
            pltpu.async_copy(
                rows_v.at[b], out_hbm.at[pl.ds(out0 + g * _CHUNK, _CHUNK)],
                wsem[b],
            )

        def wait_wb(b):
            pltpu.make_async_copy(
                rows_v.at[b], out_hbm.at[pl.ds(0, _CHUNK)], wsem[b]
            ).wait()

        pltpu.sync_copy(idx_hbm.at[pl.ds(row0, rows_per_w)], idx_v)

        fire(0, 0)
        fire(1, 1)
        wait_gather(0)
        scale(0)
        fire_wb(0, 0)

        def outer(s, carry):
            for par in range(2):
                g = 1 + s * 2 + par
                b = (1 + par) % 2
                nb = 1 - b
                wait_wb(nb)
                fire(g + 1, nb)
                wait_gather(b)
                scale(b)
                fire_wb(g, b)
            return carry

        lax.fori_loop(0, (nchunks - 2) // 2, outer, 0)

        gl = nchunks - 1
        bl = gl % 2
        wait_gather(bl)
        scale(bl)
        fire_wb(gl, bl)
        wait_wb(0)
        wait_wb(1)

    return k


def kernel(tokens, embedding):
    B = tokens.shape[0] * tokens.shape[1]
    idx = tokens.reshape(B // _IDXW, _IDXW).astype(jnp.int32)
    out = _make_sc_kernel(B)(idx, embedding)
    return out.reshape(*tokens.shape, D)

# --- scband reference (transcript-rebuilt; emitter-appended) ---
"""Pipeline reference for scband-token-embedding-46411416600650 (READ-ONLY COPY).

The authoritative reference and input builder live on the scoring server;
editing this copy changes nothing except your own understanding.
"""

import jax, jax.numpy as jnp
import numpy as np
import math

VOCAB = 1000000
D_MODEL = 64

def setup_inputs(seed: int = 0) -> dict:
    key = jax.random.key(seed)
    k_tok, k_emb = jax.random.split(key)
    tokens = jax.random.randint(k_tok, (4096, 200), 0, VOCAB, dtype=jnp.int64 if jax.config.jax_enable_x64 else jnp.int32)
    embedding = jax.random.normal(k_emb, (VOCAB, D_MODEL), dtype=jnp.float32)
    return {"tokens": tokens, "embedding": embedding}

def reference(tokens, embedding):
    # TokenEmbedding.forward: self.embedding(tokens) * sqrt(d_model)
    out = jnp.take(embedding, tokens, axis=0)
    return out * math.sqrt(D_MODEL)

if __name__ == "__main__":
    import jax
    _d = setup_inputs()
    print(jax.jit(kernel)(*tuple(_d.values())))

</pallas_src>

<mosaic_0001>
#map = affine_map<(d0, d1) -> (0, 0)>
module attributes {stable_mosaic.version = 14 : i64} {
  func.func @k(%arg0: i32, %arg1: i32, %arg2: memref<6400x128xi32, #tpu.memory_space<hbm>>, %arg3: memref<1000000x64xf32, #tpu.memory_space<hbm>>, %arg4: memref<819200x64xf32, #tpu.memory_space<hbm>>, %arg5: memref<200x128xi32, #tpu.memory_space<vmem>>, %arg6: memref<2x640x64xf32, #tpu.memory_space<vmem>>, %arg7: memref<!tpu.dma_semaphore, #tpu.memory_space<semaphore_mem>>, %arg8: memref<!tpu.dma_semaphore, #tpu.memory_space<semaphore_mem>>, %arg9: memref<!tpu.dma_semaphore, #tpu.memory_space<semaphore_mem>>, %arg10: memref<!tpu.dma_semaphore, #tpu.memory_space<semaphore_mem>>) attributes {dimension_semantics = [#tpu.dimension_semantics<core_parallel>, #tpu.dimension_semantics<subcore_parallel>], iteration_bounds = array<i64: 2, 16>, scalar_prefetch = 0 : i64, scratch_operands = 6 : i64, tpu.core_type = #tpu.core_type<sc_vector_subcore>, window_params = [{transform_indices = #map}, {transform_indices = #map}, {transform_indices = #map}]} {
    %mul3A = arith.constant 2 : i32
    %mul3A_0 = arith.muli %arg1, %mul3A : i32
    %add3A = arith.addi %mul3A_0, %arg0 : i32
    %mul3A_1 = arith.constant 200 : i32
    %mul3A_2 = arith.muli %add3A, %mul3A_1 : i32
    %mul3A_3 = arith.constant 128 : i32
    %mul3A_4 = arith.muli %mul3A_2, %mul3A_3 : i32
    "tpu.region"() ({
      %run_scoped3A = tpu.sem_alloc : memref<!tpu.dma_semaphore, #tpu.memory_space<semaphore_mem>>
      %dma_start3A_260 = arith.constant 0 : i32
      %dma_start3A_261 = tpu.memref_slice %arg2[%mul3A_2, %dma_start3A_260] : memref<6400x128xi32, #tpu.memory_space<hbm>> -> memref<200x128xi32, #tpu.memory_space<hbm>>
      %dma_start3A_262 = arith.constant 0 : i32
      %dma_start3A_263 = tpu.memref_slice %arg2[%mul3A_2, %dma_start3A_262] : memref<6400x128xi32, #tpu.memory_space<hbm>> -> memref<200x128xi32, #tpu.memory_space<hbm>>
      tpu.enqueue_dma source(%dma_start3A_263 : memref<200x128xi32, #tpu.memory_space<hbm>>) target(%arg5 : memref<200x128xi32, #tpu.memory_space<vmem>>) target_semaphore(%run_scoped3A : memref<!tpu.dma_semaphore, #tpu.memory_space<semaphore_mem>>)
      %dma_wait3A_264 = arith.constant 0 : i32
      %dma_wait3A_265 = tpu.memref_slice %arg2[%mul3A_2, %dma_wait3A_264] : memref<6400x128xi32, #tpu.memory_space<hbm>> -> memref<200x128xi32, #tpu.memory_space<hbm>>
      %dma_wait3A_266 = arith.constant 0 : i32
      %dma_wait3A_267 = tpu.memref_slice %arg2[%mul3A_2, %dma_wait3A_266] : memref<6400x128xi32, #tpu.memory_space<hbm>> -> memref<200x128xi32, #tpu.memory_space<hbm>>
      tpu.wait_dma2 semaphore(%run_scoped3A : memref<!tpu.dma_semaphore, #tpu.memory_space<semaphore_mem>>) src(%dma_wait3A_267 : memref<200x128xi32, #tpu.memory_space<hbm>>) dst(%arg5 : memref<200x128xi32, #tpu.memory_space<vmem>>)
      tpu.yield
    }) : () -> ()
    %dma_start3A = arith.constant 0 : i32
    %dma_start3A_5 = arith.constant 0 : i32
    %dma_start3A_6 = arith.constant 0 : i32
    %dma_start3A_7 = arith.constant 0 : i32
    %dma_start3A_8 = tpu.memref_slice %arg6[%dma_start3A_5, %dma_start3A_6, %dma_start3A_7] : memref<2x640x64xf32, #tpu.memory_space<vmem>> -> memref<1x640x64xf32, #tpu.memory_space<vmem>>
    %dma_start3A_9 = tpu.memref_squeeze %dma_start3A_8 : memref<1x640x64xf32, #tpu.memory_space<vmem>> -> memref<640x64xf32, #tpu.memory_space<vmem>>
    %dma_start3A_10 = arith.constant 0 : i32
    %dma_start3A_11 = arith.constant 0 : i32
    %dma_start3A_12 = tpu.memref_slice %dma_start3A_9[%dma_start3A_10, %dma_start3A_11] : memref<640x64xf32, #tpu.memory_space<vmem>> -> memref<128x64xf32, #tpu.memory_space<vmem>>
    %dma_start3A_13 = arith.constant 0 : i32
    %dma_start3A_14 = tpu.memref_slice %arg5[%dma_start3A, %dma_start3A_13] : memref<200x128xi32, #tpu.memory_space<vmem>> -> memref<1x128xi32, #tpu.memory_space<vmem>>
    %dma_start3A_15 = tpu.memref_squeeze %dma_start3A_14 : memref<1x128xi32, #tpu.memory_space<vmem>> -> memref<128xi32, #tpu.memory_space<vmem>>
    %dma_start3A_16 = arith.constant 0 : i32
    %dma_start3A_17 = arith.constant 0 : i32
    %dma_start3A_18 = tpu.memref_slice %arg3[%dma_start3A_16, %dma_start3A_17] : memref<1000000x64xf32, #tpu.memory_space<hbm>> -> memref<1000000x64xf32, #tpu.memory_space<hbm>>
    tpu.enqueue_indirect_dma source(%dma_start3A_18 : memref<1000000x64xf32, #tpu.memory_space<hbm>>) target(%dma_start3A_12 : memref<128x64xf32, #tpu.memory_space<vmem>>) offsets(%dma_start3A_15 : memref<128xi32, #tpu.memory_space<vmem>>) semaphore(%arg7 : memref<!tpu.dma_semaphore, #tpu.memory_space<semaphore_mem>>)
    %dma_start3A_19 = arith.constant 1 : i32
    %dma_start3A_20 = arith.constant 0 : i32
    %dma_start3A_21 = arith.constant 0 : i32
    %dma_start3A_22 = arith.constant 0 : i32
    %dma_start3A_23 = tpu.memref_slice %arg6[%dma_start3A_20, %dma_start3A_21, %dma_start3A_22] : memref<2x640x64xf32, #tpu.memory_space<vmem>> -> memref<1x640x64xf32, #tpu.memory_space<vmem>>
    %dma_start3A_24 = tpu.memref_squeeze %dma_start3A_23 : memref<1x640x64xf32, #tpu.memory_space<vmem>> -> memref<640x64xf32, #tpu.memory_space<vmem>>
    %dma_start3A_25 = arith.constant 128 : i32
    %dma_start3A_26 = arith.constant 0 : i32
    %dma_start3A_27 = tpu.memref_slice %dma_start3A_24[%dma_start3A_25, %dma_start3A_26] : memref<640x64xf32, #tpu.memory_space<vmem>> -> memref<128x64xf32, #tpu.memory_space<vmem>>
    %dma_start3A_28 = arith.constant 0 : i32
    %dma_start3A_29 = tpu.memref_slice %arg5[%dma_start3A_19, %dma_start3A_28] : memref<200x128xi32, #tpu.memory_space<vmem>> -> memref<1x128xi32, #tpu.memory_space<vmem>>
    %dma_start3A_30 = tpu.memref_squeeze %dma_start3A_29 : memref<1x128xi32, #tpu.memory_space<vmem>> -> memref<128xi32, #tpu.memory_space<vmem>>
    %dma_start3A_31 = arith.constant 0 : i32
    %dma_start3A_32 = arith.constant 0 : i32
    %dma_start3A_33 = tpu.memref_slice %arg3[%dma_start3A_31, %dma_start3A_32] : memref<1000000x64xf32, #tpu.memory_space<hbm>> -> memref<1000000x64xf32, #tpu.memory_space<hbm>>
    tpu.enqueue_indirect_dma source(%dma_start3A_33 : memref<1000000x64xf32, #tpu.memory_space<hbm>>) target(%dma_start3A_27 : memref<128x64xf32, #tpu.memory_space<vmem>>) offsets(%dma_start3A_30 : memref<128xi32, #tpu.memory_space<vmem>>) semaphore(%arg7 : memref<!tpu.dma_semaphore, #tpu.memory_space<semaphore_mem>>)
    %dma_start3A_34 = arith.constant 2 : i32
    %dma_start3A_35 = arith.constant 0 : i32
    %dma_start3A_36 = arith.constant 0 : i32
    %dma_start3A_37 = arith.constant 0 : i32
    %dma_start3A_38 = tpu.memref_slice %arg6[%dma_start3A_35, %dma_start3A_36, %dma_start3A_37] : memref<2x640x64xf32, #tpu.memory_space<vmem>> -> memref<1x640x64xf32, #tpu.memory_space<vmem>>
    %dma_start3A_39 = tpu.memref_squeeze %dma_start3A_38 : memref<1x640x64xf32, #tpu.memory_space<vmem>> -> memref<640x64xf32, #tpu.memory_space<vmem>>
    %dma_start3A_40 = arith.constant 256 : i32
    %dma_start3A_41 = arith.constant 0 : i32
    %dma_start3A_42 = tpu.memref_slice %dma_start3A_39[%dma_start3A_40, %dma_start3A_41] : memref<640x64xf32, #tpu.memory_space<vmem>> -> memref<128x64xf32, #tpu.memory_space<vmem>>
    %dma_start3A_43 = arith.constant 0 : i32
    %dma_start3A_44 = tpu.memref_slice %arg5[%dma_start3A_34, %dma_start3A_43] : memref<200x128xi32, #tpu.memory_space<vmem>> -> memref<1x128xi32, #tpu.memory_space<vmem>>
    %dma_start3A_45 = tpu.memref_squeeze %dma_start3A_44 : memref<1x128xi32, #tpu.memory_space<vmem>> -> memref<128xi32, #tpu.memory_space<vmem>>
    %dma_start3A_46 = arith.constant 0 : i32
    %dma_start3A_47 = arith.constant 0 : i32
    %dma_start3A_48 = tpu.memref_slice %arg3[%dma_start3A_46, %dma_start3A_47] : memref<1000000x64xf32, #tpu.memory_space<hbm>> -> memref<1000000x64xf32, #tpu.memory_space<hbm>>
    tpu.enqueue_indirect_dma source(%dma_start3A_48 : memref<1000000x64xf32, #tpu.memory_space<hbm>>) target(%dma_start3A_42 : memref<128x64xf32, #tpu.memory_space<vmem>>) offsets(%dma_start3A_45 : memref<128xi32, #tpu.memory_space<vmem>>) semaphore(%arg7 : memref<!tpu.dma_semaphore, #tpu.memory_space<semaphore_mem>>)
    %dma_start3A_49 = arith.constant 3 : i32
    %dma_start3A_50 = arith.constant 0 : i32
    %dma_start3A_51 = arith.constant 0 : i32
    %dma_start3A_52 = arith.constant 0 : i32
    %dma_start3A_53 = tpu.memref_slice %arg6[%dma_start3A_50, %dma_start3A_51, %dma_start3A_52] : memref<2x640x64xf32, #tpu.memory_space<vmem>> -> memref<1x640x64xf32, #tpu.memory_space<vmem>>
    %dma_start3A_54 = tpu.memref_squeeze %dma_start3A_53 : memref<1x640x64xf32, #tpu.memory_space<vmem>> -> memref<640x64xf32, #tpu.memory_space<vmem>>
    %dma_start3A_55 = arith.constant 384 : i32
    %dma_start3A_56 = arith.constant 0 : i32
    %dma_start3A_57 = tpu.memref_slice %dma_start3A_54[%dma_start3A_55, %dma_start3A_56] : memref<640x64xf32, #tpu.memory_space<vmem>> -> memref<128x64xf32, #tpu.memory_space<vmem>>
    %dma_start3A_58 = arith.constant 0 : i32
    %dma_start3A_59 = tpu.memref_slice %arg5[%dma_start3A_49, %dma_start3A_58] : memref<200x128xi32, #tpu.memory_space<vmem>> -> memref<1x128xi32, #tpu.memory_space<vmem>>
    %dma_start3A_60 = tpu.memref_squeeze %dma_start3A_59 : memref<1x128xi32, #tpu.memory_space<vmem>> -> memref<128xi32, #tpu.memory_space<vmem>>
    %dma_start3A_61 = arith.constant 0 : i32
    %dma_start3A_62 = arith.constant 0 : i32
    %dma_start3A_63 = tpu.memref_slice %arg3[%dma_start3A_61, %dma_start3A_62] : memref<1000000x64xf32, #tpu.memory_space<hbm>> -> memref<1000000x64xf32, #tpu.memory_space<hbm>>
    tpu.enqueue_indirect_dma source(%dma_start3A_63 : memref<1000000x64xf32, #tpu.memory_space<hbm>>) target(%dma_start3A_57 : memref<128x64xf32, #tpu.memory_space<vmem>>) offsets(%dma_start3A_60 : memref<128xi32, #tpu.memory_space<vmem>>) semaphore(%arg7 : memref<!tpu.dma_semaphore, #tpu.memory_space<semaphore_mem>>)
    %dma_start3A_64 = arith.constant 4 : i32
    %dma_start3A_65 = arith.constant 0 : i32
    %dma_start3A_66 = arith.constant 0 : i32
    %dma_start3A_67 = arith.constant 0 : i32
    %dma_start3A_68 = tpu.memref_slice %arg6[%dma_start3A_65, %dma_start3A_66, %dma_start3A_67] : memref<2x640x64xf32, #tpu.memory_space<vmem>> -> memref<1x640x64xf32, #tpu.memory_space<vmem>>
    %dma_start3A_69 = tpu.memref_squeeze %dma_start3A_68 : memref<1x640x64xf32, #tpu.memory_space<vmem>> -> memref<640x64xf32, #tpu.memory_space<vmem>>
    %dma_start3A_70 = arith.constant 512 : i32
    %dma_start3A_71 = arith.constant 0 : i32
    %dma_start3A_72 = tpu.memref_slice %dma_start3A_69[%dma_start3A_70, %dma_start3A_71] : memref<640x64xf32, #tpu.memory_space<vmem>> -> memref<128x64xf32, #tpu.memory_space<vmem>>
    %dma_start3A_73 = arith.constant 0 : i32
    %dma_start3A_74 = tpu.memref_slice %arg5[%dma_start3A_64, %dma_start3A_73] : memref<200x128xi32, #tpu.memory_space<vmem>> -> memref<1x128xi32, #tpu.memory_space<vmem>>
    %dma_start3A_75 = tpu.memref_squeeze %dma_start3A_74 : memref<1x128xi32, #tpu.memory_space<vmem>> -> memref<128xi32, #tpu.memory_space<vmem>>
    %dma_start3A_76 = arith.constant 0 : i32
    %dma_start3A_77 = arith.constant 0 : i32
    %dma_start3A_78 = tpu.memref_slice %arg3[%dma_start3A_76, %dma_start3A_77] : memref<1000000x64xf32, #tpu.memory_space<hbm>> -> memref<1000000x64xf32, #tpu.memory_space<hbm>>
    tpu.enqueue_indirect_dma source(%dma_start3A_78 : memref<1000000x64xf32, #tpu.memory_space<hbm>>) target(%dma_start3A_72 : memref<128x64xf32, #tpu.memory_space<vmem>>) offsets(%dma_start3A_75 : memref<128xi32, #tpu.memory_space<vmem>>) semaphore(%arg7 : memref<!tpu.dma_semaphore, #tpu.memory_space<semaphore_mem>>)
    %dma_start3A_79 = arith.constant 5 : i32
    %dma_start3A_80 = arith.constant 1 : i32
    %dma_start3A_81 = arith.constant 0 : i32
    %dma_start3A_82 = arith.constant 0 : i32
    %dma_start3A_83 = tpu.memref_slice %arg6[%dma_start3A_80, %dma_start3A_81, %dma_start3A_82] : memref<2x640x64xf32, #tpu.memory_space<vmem>> -> memref<1x640x64xf32, #tpu.memory_space<vmem>>
    %dma_start3A_84 = tpu.memref_squeeze %dma_start3A_83 : memref<1x640x64xf32, #tpu.memory_space<vmem>> -> memref<640x64xf32, #tpu.memory_space<vmem>>
    %dma_start3A_85 = arith.constant 0 : i32
    %dma_start3A_86 = arith.constant 0 : i32
    %dma_start3A_87 = tpu.memref_slice %dma_start3A_84[%dma_start3A_85, %dma_start3A_86] : memref<640x64xf32, #tpu.memory_space<vmem>> -> memref<128x64xf32, #tpu.memory_space<vmem>>
    %dma_start3A_88 = arith.constant 0 : i32
    %dma_start3A_89 = tpu.memref_slice %arg5[%dma_start3A_79, %dma_start3A_88] : memref<200x128xi32, #tpu.memory_space<vmem>> -> memref<1x128xi32, #tpu.memory_space<vmem>>
    %dma_start3A_90 = tpu.memref_squeeze %dma_start3A_89 : memref<1x128xi32, #tpu.memory_space<vmem>> -> memref<128xi32, #tpu.memory_space<vmem>>
    %dma_start3A_91 = arith.constant 0 : i32
    %dma_start3A_92 = arith.constant 0 : i32
    %dma_start3A_93 = tpu.memref_slice %arg3[%dma_start3A_91, %dma_start3A_92] : memref<1000000x64xf32, #tpu.memory_space<hbm>> -> memref<1000000x64xf32, #tpu.memory_space<hbm>>
    tpu.enqueue_indirect_dma source(%dma_start3A_93 : memref<1000000x64xf32, #tpu.memory_space<hbm>>) target(%dma_start3A_87 : memref<128x64xf32, #tpu.memory_space<vmem>>) offsets(%dma_start3A_90 : memref<128xi32, #tpu.memory_space<vmem>>) semaphore(%arg8 : memref<!tpu.dma_semaphore, #tpu.memory_space<semaphore_mem>>)
    %dma_start3A_94 = arith.constant 6 : i32
    %dma_start3A_95 = arith.constant 1 : i32
    %dma_start3A_96 = arith.constant 0 : i32
    %dma_start3A_97 = arith.constant 0 : i32
    %dma_start3A_98 = tpu.memref_slice %arg6[%dma_start3A_95, %dma_start3A_96, %dma_start3A_97] : memref<2x640x64xf32, #tpu.memory_space<vmem>> -> memref<1x640x64xf32, #tpu.memory_space<vmem>>
    %dma_start3A_99 = tpu.memref_squeeze %dma_start3A_98 : memref<1x640x64xf32, #tpu.memory_space<vmem>> -> memref<640x64xf32, #tpu.memory_space<vmem>>
    %dma_start3A_100 = arith.constant 128 : i32
    %dma_start3A_101 = arith.constant 0 : i32
    %dma_start3A_102 = tpu.memref_slice %dma_start3A_99[%dma_start3A_100, %dma_start3A_101] : memref<640x64xf32, #tpu.memory_space<vmem>> -> memref<128x64xf32, #tpu.memory_space<vmem>>
    %dma_start3A_103 = arith.constant 0 : i32
    %dma_start3A_104 = tpu.memref_slice %arg5[%dma_start3A_94, %dma_start3A_103] : memref<200x128xi32, #tpu.memory_space<vmem>> -> memref<1x128xi32, #tpu.memory_space<vmem>>
    %dma_start3A_105 = tpu.memref_squeeze %dma_start3A_104 : memref<1x128xi32, #tpu.memory_space<vmem>> -> memref<128xi32, #tpu.memory_space<vmem>>
    %dma_start3A_106 = arith.constant 0 : i32
    %dma_start3A_107 = arith.constant 0 : i32
    %dma_start3A_108 = tpu.memref_slice %arg3[%dma_start3A_106, %dma_start3A_107] : memref<1000000x64xf32, #tpu.memory_space<hbm>> -> memref<1000000x64xf32, #tpu.memory_space<hbm>>
    tpu.enqueue_indirect_dma source(%dma_start3A_108 : memref<1000000x64xf32, #tpu.memory_space<hbm>>) target(%dma_start3A_102 : memref<128x64xf32, #tpu.memory_space<vmem>>) offsets(%dma_start3A_105 : memref<128xi32, #tpu.memory_space<vmem>>) semaphore(%arg8 : memref<!tpu.dma_semaphore, #tpu.memory_space<semaphore_mem>>)
    %dma_start3A_109 = arith.constant 7 : i32
    %dma_start3A_110 = arith.constant 1 : i32
    %dma_start3A_111 = arith.constant 0 : i32
    %dma_start3A_112 = arith.constant 0 : i32
    %dma_start3A_113 = tpu.memref_slice %arg6[%dma_start3A_110, %dma_start3A_111, %dma_start3A_112] : memref<2x640x64xf32, #tpu.memory_space<vmem>> -> memref<1x640x64xf32, #tpu.memory_space<vmem>>
    %dma_start3A_114 = tpu.memref_squeeze %dma_start3A_113 : memref<1x640x64xf32, #tpu.memory_space<vmem>> -> memref<640x64xf32, #tpu.memory_space<vmem>>
    %dma_start3A_115 = arith.constant 256 : i32
    %dma_start3A_116 = arith.constant 0 : i32
    %dma_start3A_117 = tpu.memref_slice %dma_start3A_114[%dma_start3A_115, %dma_start3A_116] : memref<640x64xf32, #tpu.memory_space<vmem>> -> memref<128x64xf32, #tpu.memory_space<vmem>>
    %dma_start3A_118 = arith.constant 0 : i32
    %dma_start3A_119 = tpu.memref_slice %arg5[%dma_start3A_109, %dma_start3A_118] : memref<200x128xi32, #tpu.memory_space<vmem>> -> memref<1x128xi32, #tpu.memory_space<vmem>>
    %dma_start3A_120 = tpu.memref_squeeze %dma_start3A_119 : memref<1x128xi32, #tpu.memory_space<vmem>> -> memref<128xi32, #tpu.memory_space<vmem>>
    %dma_start3A_121 = arith.constant 0 : i32
    %dma_start3A_122 = arith.constant 0 : i32
    %dma_start3A_123 = tpu.memref_slice %arg3[%dma_start3A_121, %dma_start3A_122] : memref<1000000x64xf32, #tpu.memory_space<hbm>> -> memref<1000000x64xf32, #tpu.memory_space<hbm>>
    tpu.enqueue_indirect_dma source(%dma_start3A_123 : memref<1000000x64xf32, #tpu.memory_space<hbm>>) target(%dma_start3A_117 : memref<128x64xf32, #tpu.memory_space<vmem>>) offsets(%dma_start3A_120 : memref<128xi32, #tpu.memory_space<vmem>>) semaphore(%arg8 : memref<!tpu.dma_semaphore, #tpu.memory_space<semaphore_mem>>)
    %dma_start3A_124 = arith.constant 8 : i32
    %dma_start3A_125 = arith.constant 1 : i32
    %dma_start3A_126 = arith.constant 0 : i32
    %dma_start3A_127 = arith.constant 0 : i32
    %dma_start3A_128 = tpu.memref_slice %arg6[%dma_start3A_125, %dma_start3A_126, %dma_start3A_127] : memref<2x640x64xf32, #tpu.memory_space<vmem>> -> memref<1x640x64xf32, #tpu.memory_space<vmem>>
    %dma_start3A_129 = tpu.memref_squeeze %dma_start3A_128 : memref<1x640x64xf32, #tpu.memory_space<vmem>> -> memref<640x64xf32, #tpu.memory_space<vmem>>
    %dma_start3A_130 = arith.constant 384 : i32
    %dma_start3A_131 = arith.constant 0 : i32
    %dma_start3A_132 = tpu.memref_slice %dma_start3A_129[%dma_start3A_130, %dma_start3A_131] : memref<640x64xf32, #tpu.memory_space<vmem>> -> memref<128x64xf32, #tpu.memory_space<vmem>>
    %dma_start3A_133 = arith.constant 0 : i32
    %dma_start3A_134 = tpu.memref_slice %arg5[%dma_start3A_124, %dma_start3A_133] : memref<200x128xi32, #tpu.memory_space<vmem>> -> memref<1x128xi32, #tpu.memory_space<vmem>>
    %dma_start3A_135 = tpu.memref_squeeze %dma_start3A_134 : memref<1x128xi32, #tpu.memory_space<vmem>> -> memref<128xi32, #tpu.memory_space<vmem>>
    %dma_start3A_136 = arith.constant 0 : i32
    %dma_start3A_137 = arith.constant 0 : i32
    %dma_start3A_138 = tpu.memref_slice %arg3[%dma_start3A_136, %dma_start3A_137] : memref<1000000x64xf32, #tpu.memory_space<hbm>> -> memref<1000000x64xf32, #tpu.memory_space<hbm>>
    tpu.enqueue_indirect_dma source(%dma_start3A_138 : memref<1000000x64xf32, #tpu.memory_space<hbm>>) target(%dma_start3A_132 : memref<128x64xf32, #tpu.memory_space<vmem>>) offsets(%dma_start3A_135 : memref<128xi32, #tpu.memory_space<vmem>>) semaphore(%arg8 : memref<!tpu.dma_semaphore, #tpu.memory_space<semaphore_mem>>)
    %dma_start3A_139 = arith.constant 9 : i32
    %dma_start3A_140 = arith.constant 1 : i32
    %dma_start3A_141 = arith.constant 0 : i32
    %dma_start3A_142 = arith.constant 0 : i32
    %dma_start3A_143 = tpu.memref_slice %arg6[%dma_start3A_140, %dma_start3A_141, %dma_start3A_142] : memref<2x640x64xf32, #tpu.memory_space<vmem>> -> memref<1x640x64xf32, #tpu.memory_space<vmem>>
    %dma_start3A_144 = tpu.memref_squeeze %dma_start3A_143 : memref<1x640x64xf32, #tpu.memory_space<vmem>> -> memref<640x64xf32, #tpu.memory_space<vmem>>
    %dma_start3A_145 = arith.constant 512 : i32
    %dma_start3A_146 = arith.constant 0 : i32
    %dma_start3A_147 = tpu.memref_slice %dma_start3A_144[%dma_start3A_145, %dma_start3A_146] : memref<640x64xf32, #tpu.memory_space<vmem>> -> memref<128x64xf32, #tpu.memory_space<vmem>>
    %dma_start3A_148 = arith.constant 0 : i32
    %dma_start3A_149 = tpu.memref_slice %arg5[%dma_start3A_139, %dma_start3A_148] : memref<200x128xi32, #tpu.memory_space<vmem>> -> memref<1x128xi32, #tpu.memory_space<vmem>>
    %dma_start3A_150 = tpu.memref_squeeze %dma_start3A_149 : memref<1x128xi32, #tpu.memory_space<vmem>> -> memref<128xi32, #tpu.memory_space<vmem>>
    %dma_start3A_151 = arith.constant 0 : i32
    %dma_start3A_152 = arith.constant 0 : i32
    %dma_start3A_153 = tpu.memref_slice %arg3[%dma_start3A_151, %dma_start3A_152] : memref<1000000x64xf32, #tpu.memory_space<hbm>> -> memref<1000000x64xf32, #tpu.memory_space<hbm>>
    tpu.enqueue_indirect_dma source(%dma_start3A_153 : memref<1000000x64xf32, #tpu.memory_space<hbm>>) target(%dma_start3A_147 : memref<128x64xf32, #tpu.memory_space<vmem>>) offsets(%dma_start3A_150 : memref<128xi32, #tpu.memory_space<vmem>>) semaphore(%arg8 : memref<!tpu.dma_semaphore, #tpu.memory_space<semaphore_mem>>)
    %dma_wait3A = arith.constant 0 : i32
    %dma_wait3A_154 = arith.constant 0 : i32
    %dma_wait3A_155 = arith.constant 0 : i32
    %dma_wait3A_156 = tpu.memref_slice %arg6[%dma_wait3A, %dma_wait3A_154, %dma_wait3A_155] : memref<2x640x64xf32, #tpu.memory_space<vmem>> -> memref<1x640x64xf32, #tpu.memory_space<vmem>>
    %dma_wait3A_157 = tpu.memref_squeeze %dma_wait3A_156 : memref<1x640x64xf32, #tpu.memory_space<vmem>> -> memref<640x64xf32, #tpu.memory_space<vmem>>
    %dma_wait3A_158 = arith.constant 0 : i32
    %dma_wait3A_159 = arith.constant 0 : i32
    %dma_wait3A_160 = tpu.memref_slice %arg4[%dma_wait3A_158, %dma_wait3A_159] : memref<819200x64xf32, #tpu.memory_space<hbm>> -> memref<640x64xf32, #tpu.memory_space<hbm>>
    %dma_wait3A_161 = arith.constant 0 : i32
    %dma_wait3A_162 = arith.constant 0 : i32
    %dma_wait3A_163 = tpu.memref_slice %arg6[%dma_wait3A, %dma_wait3A_161, %dma_wait3A_162] : memref<2x640x64xf32, #tpu.memory_space<vmem>> -> memref<1x640x64xf32, #tpu.memory_space<vmem>>
    %dma_wait3A_164 = tpu.memref_squeeze %dma_wait3A_163 : memref<1x640x64xf32, #tpu.memory_space<vmem>> -> memref<640x64xf32, #tpu.memory_space<vmem>>
    %dma_wait3A_165 = arith.constant 0 : i32
    %dma_wait3A_166 = arith.constant 0 : i32
    %dma_wait3A_167 = tpu.memref_slice %arg4[%dma_wait3A_165, %dma_wait3A_166] : memref<819200x64xf32, #tpu.memory_space<hbm>> -> memref<640x64xf32, #tpu.memory_space<hbm>>
    tpu.wait_dma2 semaphore(%arg7 : memref<!tpu.dma_semaphore, #tpu.memory_space<semaphore_mem>>) src(%dma_wait3A_167 : memref<640x64xf32, #tpu.memory_space<hbm>>) dst(%dma_wait3A_164 : memref<640x64xf32, #tpu.memory_space<vmem>>)
    %scan3A = arith.constant 0 : i32
    %scan3A_168 = arith.constant 0 : i32
    %scan3A_169 = arith.constant 80 : i32
    %scan3A_170 = arith.addi %scan3A_168, %scan3A_169 : i32
    %scan3A_171 = arith.constant 1 : i32
    scf.for %scan3A_260 = %scan3A_168 to %scan3A_170 step %scan3A_171  : i32 {
      %mul3A_261 = arith.constant 8 : i32
      %mul3A_262 = arith.muli %scan3A_260, %mul3A_261 : i32
      %add3A_263 = arith.constant 0 : i32
      %add3A_264 = arith.addi %mul3A_262, %add3A_263 : i32
      %get3A = arith.constant 0 : i32
      %get3A_265 = arith.index_cast %get3A : i32 to index
      %get3A_266 = arith.index_cast %add3A_264 : i32 to index
      %get3A_267 = arith.constant 0 : index
      %get3A_268 = tpu.vector_load %arg6[%get3A_265, %get3A_266, %get3A_267] {strides = array<i32>} : memref<2x640x64xf32, #tpu.memory_space<vmem>>, vector<1x1x16xf32>,
      %get3A_269 = vector.shape_cast %get3A_268 : vector<1x1x16xf32> to vector<16xf32>
      %mul3A_270 = arith.constant 8.000000e+00 : f32
      %mul3A_271 = vector.broadcast %mul3A_270 : f32 to vector<16xf32>
      %mul3A_272 = arith.mulf %get3A_269, %mul3A_271 : vector<16xf32>
      %swap3A = arith.constant 0 : i32
      %swap3A_273 = arith.index_cast %swap3A : i32 to index
      %swap3A_274 = arith.index_cast %add3A_264 : i32 to index
      %swap3A_275 = arith.constant 0 : index
      %swap3A_276 = tpu.vector_load %arg6[%swap3A_273, %swap3A_274, %swap3A_275] {strides = array<i32>} : memref<2x640x64xf32, #tpu.memory_space<vmem>>, vector<1x1x16xf32>,
      %swap3A_277 = vector.shape_cast %swap3A_276 : vector<1x1x16xf32> to vector<16xf32>
      %swap3A_278 = vector.shape_cast %mul3A_272 : vector<16xf32> to vector<1x1x16xf32>
      tpu.vector_store %arg6[%swap3A_273, %swap3A_274, %swap3A_275], %swap3A_278 {strides = array<i32>} : memref<2x640x64xf32, #tpu.memory_space<vmem>>, vector<1x1x16xf32>,
      %get3A_279 = arith.constant 0 : i32
      %get3A_280 = arith.index_cast %get3A_279 : i32 to index
      %get3A_281 = arith.index_cast %add3A_264 : i32 to index
      %get3A_282 = arith.constant 16 : index
      %get3A_283 = tpu.vector_load %arg6[%get3A_280, %get3A_281, %get3A_282] {strides = array<i32>} : memref<2x640x64xf32, #tpu.memory_space<vmem>>, vector<1x1x16xf32>,
      %get3A_284 = vector.shape_cast %get3A_283 : vector<1x1x16xf32> to vector<16xf32>
      %mul3A_285 = arith.constant 8.000000e+00 : f32
      %mul3A_286 = vector.broadcast %mul3A_285 : f32 to vector<16xf32>
      %mul3A_287 = arith.mulf %get3A_284, %mul3A_286 : vector<16xf32>
      %swap3A_288 = arith.constant 0 : i32
      %swap3A_289 = arith.index_cast %swap3A_288 : i32 to index
      %swap3A_290 = arith.index_cast %add3A_264 : i32 to index
      %swap3A_291 = arith.constant 16 : index
      %swap3A_292 = tpu.vector_load %arg6[%swap3A_289, %swap3A_290, %swap3A_291] {strides = array<i32>} : memref<2x640x64xf32, #tpu.memory_space<vmem>>, vector<1x1x16xf32>,
      %swap3A_293 = vector.shape_cast %swap3A_292 : vector<1x1x16xf32> to vector<16xf32>
      %swap3A_294 = vector.shape_cast %mul3A_287 : vector<16xf32> to vector<1x1x16xf32>
      tpu.vector_store %arg6[%swap3A_289, %swap3A_290, %swap3A_291], %swap3A_294 {strides = array<i32>} : memref<2x640x64xf32, #tpu.memory_space<vmem>>, vector<1x1x16xf32>,
      %get3A_295 = arith.constant 0 : i32
      %get3A_296 = arith.index_cast %get3A_295 : i32 to index
      %get3A_297 = arith.index_cast %add3A_264 : i32 to index
      %get3A_298 = arith.constant 32 : index
      %get3A_299 = tpu.vector_load %arg6[%get3A_296, %get3A_297, %get3A_298] {strides = array<i32>} : memref<2x640x64xf32, #tpu.memory_space<vmem>>, vector<1x1x16xf32>,
      %get3A_300 = vector.shape_cast %get3A_299 : vector<1x1x16xf32> to vector<16xf32>
      %mul3A_301 = arith.constant 8.000000e+00 : f32
      %mul3A_302 = vector.broadcast %mul3A_301 : f32 to vector<16xf32>
      %mul3A_303 = arith.mulf %get3A_300, %mul3A_302 : vector<16xf32>
      %swap3A_304 = arith.constant 0 : i32
      %swap3A_305 = arith.index_cast %swap3A_304 : i32 to index
      %swap3A_306 = arith.index_cast %add3A_264 : i32 to index
      %swap3A_307 = arith.constant 32 : index
      %swap3A_308 = tpu.vector_load %arg6[%swap3A_305, %swap3A_306, %swap3A_307] {strides = array<i32>} : memref<2x640x64xf32, #tpu.memory_space<vmem>>, vector<1x1x16xf32>,
      %swap3A_309 = vector.shape_cast %swap3A_308 : vector<1x1x16xf32> to vector<16xf32>
      %swap3A_310 = vector.shape_cast %mul3A_303 : vector<16xf32> to vector<1x1x16xf32>
      tpu.vector_store %arg6[%swap3A_305, %swap3A_306, %swap3A_307], %swap3A_310 {strides = array<i32>} : memref<2x640x64xf32, #tpu.memory_space<vmem>>, vector<1x1x16xf32>,
      %get3A_311 = arith.constant 0 : i32
      %get3A_312 = arith.index_cast %get3A_311 : i32 to index
      %get3A_313 = arith.index_cast %add3A_264 : i32 to index
      %get3A_314 = arith.constant 48 : index
      %get3A_315 = tpu.vector_load %arg6[%get3A_312, %get3A_313, %get3A_314] {strides = array<i32>} : memref<2x640x64xf32, #tpu.memory_space<vmem>>, vector<1x1x16xf32>,
      %get3A_316 = vector.shape_cast %get3A_315 : vector<1x1x16xf32> to vector<16xf32>
      %mul3A_317 = arith.constant 8.000000e+00 : f32
      %mul3A_318 = vector.broadcast %mul3A_317 : f32 to vector<16xf32>
      %mul3A_319 = arith.mulf %get3A_316, %mul3A_318 : vector<16xf32>
      %swap3A_320 = arith.constant 0 : i32
      %swap3A_321 = arith.index_cast %swap3A_320 : i32 to index
      %swap3A_322 = arith.index_cast %add3A_264 : i32 to index
      %swap3A_323 = arith.constant 48 : index
      %swap3A_324 = tpu.vector_load %arg6[%swap3A_321, %swap3A_322, %swap3A_323] {strides = array<i32>} : memref<2x640x64xf32, #tpu.memory_space<vmem>>, vector<1x1x16xf32>,
      %swap3A_325 = vector.shape_cast %swap3A_324 : vector<1x1x16xf32> to vector<16xf32>
      %swap3A_326 = vector.shape_cast %mul3A_319 : vector<16xf32> to vector<1x1x16xf32>
      tpu.vector_store %arg6[%swap3A_321, %swap3A_322, %swap3A_323], %swap3A_326 {strides = array<i32>} : memref<2x640x64xf32, #tpu.memory_space<vmem>>, vector<1x1x16xf32>,
      %mul3A_327 = arith.constant 8 : i32
      %mul3A_328 = arith.muli %scan3A_260, %mul3A_327 : i32
      %add3A_329 = arith.constant 1 : i32
      %add3A_330 = arith.addi %mul3A_328, %add3A_329 : i32
      %get3A_331 = arith.constant 0 : i32
      %get3A_332 = arith.index_cast %get3A_331 : i32 to index
      %get3A_333 = arith.index_cast %add3A_330 : i32 to index
      %get3A_334 = arith.constant 0 : index
      %get3A_335 = tpu.vector_load %arg6[%get3A_332, %get3A_333, %get3A_334] {strides = array<i32>} : memref<2x640x64xf32, #tpu.memory_space<vmem>>, vector<1x1x16xf32>,
      %get3A_336 = vector.shape_cast %get3A_335 : vector<1x1x16xf32> to vector<16xf32>
      %mul3A_337 = arith.constant 8.000000e+00 : f32
      %mul3A_338 = vector.broadcast %mul3A_337 : f32 to vector<16xf32>
      %mul3A_339 = arith.mulf %get3A_336, %mul3A_338 : vector<16xf32>
      %swap3A_340 = arith.constant 0 : i32
      %swap3A_341 = arith.index_cast %swap3A_340 : i32 to index
      %swap3A_342 = arith.index_cast %add3A_330 : i32 to index
      %swap3A_343 = arith.constant 0 : index
      %swap3A_344 = tpu.vector_load %arg6[%swap3A_341, %swap3A_342, %swap3A_343] {strides = array<i32>} : memref<2x640x64xf32, #tpu.memory_space<vmem>>, vector<1x1x16xf32>,
      %swap3A_345 = vector.shape_cast %swap3A_344 : vector<1x1x16xf32> to vector<16xf32>
      %swap3A_346 = vector.shape_cast %mul3A_339 : vector<16xf32> to vector<1x1x16xf32>
      tpu.vector_store %arg6[%swap3A_341, %swap3A_342, %swap3A_343], %swap3A_346 {strides = array<i32>} : memref<2x640x64xf32, #tpu.memory_space<vmem>>, vector<1x1x16xf32>,
      %get3A_347 = arith.constant 0 : i32
      %get3A_348 = arith.index_cast %get3A_347 : i32 to index
      %get3A_349 = arith.index_cast %add3A_330 : i32 to index
      %get3A_350 = arith.constant 16 : index
      %get3A_351 = tpu.vector_load %arg6[%get3A_348, %get3A_349, %get3A_350] {strides = array<i32>} : memref<2x640x64xf32, #tpu.memory_space<vmem>>, vector<1x1x16xf32>,
      %get3A_352 = vector.shape_cast %get3A_351 : vector<1x1x16xf32> to vector<16xf32>
      %mul3A_353 = arith.constant 8.000000e+00 : f32
      %mul3A_354 = vector.broadcast %mul3A_353 : f32 to vector<16xf32>
      %mul3A_355 = arith.mulf %get3A_352, %mul3A_354 : vector<16xf32>
      %swap3A_356 = arith.constant 0 : i32
      %swap3A_357 = arith.index_cast %swap3A_356 : i32 to index
      %swap3A_358 = arith.index_cast %add3A_330 : i32 to index
      %swap3A_359 = arith.constant 16 : index
      %swap3A_360 = tpu.vector_load %arg6[%swap3A_357, %swap3A_358, %swap3A_359] {strides = array<i32>} : memref<2x640x64xf32, #tpu.memory_space<vmem>>, vector<1x1x16xf32>,
      %swap3A_361 = vector.shape_cast %swap3A_360 : vector<1x1x16xf32> to vector<16xf32>
      %swap3A_362 = vector.shape_cast %mul3A_355 : vector<16xf32> to vector<1x1x16xf32>
      tpu.vector_store %arg6[%swap3A_357, %swap3A_358, %swap3A_359], %swap3A_362 {strides = array<i32>} : memref<2x640x64xf32, #tpu.memory_space<vmem>>, vector<1x1x16xf32>,
      %get3A_363 = arith.constant 0 : i32
      %get3A_364 = arith.index_cast %get3A_363 : i32 to index
      %get3A_365 = arith.index_cast %add3A_330 : i32 to index
      %get3A_366 = arith.constant 32 : index
      %get3A_367 = tpu.vector_load %arg6[%get3A_364, %get3A_365, %get3A_366] {strides = array<i32>} : memref<2x640x64xf32, #tpu.memory_space<vmem>>, vector<1x1x16xf32>,
      %get3A_368 = vector.shape_cast %get3A_367 : vector<1x1x16xf32> to vector<16xf32>
      %mul3A_369 = arith.constant 8.000000e+00 : f32
      %mul3A_370 = vector.broadcast %mul3A_369 : f32 to vector<16xf32>
      %mul3A_371 = arith.mulf %get3A_368, %mul3A_370 : vector<16xf32>
      %swap3A_372 = arith.constant 0 : i32
      %swap3A_373 = arith.index_cast %swap3A_372 : i32 to index
      %swap3A_374 = arith.index_cast %add3A_330 : i32 to index
      %swap3A_375 = arith.constant 32 : index
      %swap3A_376 = tpu.vector_load %arg6[%swap3A_373, %swap3A_374, %swap3A_375] {strides = array<i32>} : memref<2x640x64xf32, #tpu.memory_space<vmem>>, vector<1x1x16xf32>,
      %swap3A_377 = vector.shape_cast %swap3A_376 : vector<1x1x16xf32> to vector<16xf32>
      %swap3A_378 = vector.shape_cast %mul3A_371 : vector<16xf32> to vector<1x1x16xf32>
      tpu.vector_store %arg6[%swap3A_373, %swap3A_374, %swap3A_375], %swap3A_378 {strides = array<i32>} : memref<2x640x64xf32, #tpu.memory_space<vmem>>, vector<1x1x16xf32>,
      %get3A_379 = arith.constant 0 : i32
      %get3A_380 = arith.index_cast %get3A_379 : i32 to index
      %get3A_381 = arith.index_cast %add3A_330 : i32 to index
      %get3A_382 = arith.constant 48 : index
      %get3A_383 = tpu.vector_load %arg6[%get3A_380, %get3A_381, %get3A_382] {strides = array<i32>} : memref<2x640x64xf32, #tpu.memory_space<vmem>>, vector<1x1x16xf32>,
      %get3A_384 = vector.shape_cast %get3A_383 : vector<1x1x16xf32> to vector<16xf32>
      %mul3A_385 = arith.constant 8.000000e+00 : f32
      %mul3A_386 = vector.broadcast %mul3A_385 : f32 to vector<16xf32>
      %mul3A_387 = arith.mulf %get3A_384, %mul3A_386 : vector<16xf32>
      %swap3A_388 = arith.constant 0 : i32
      %swap3A_389 = arith.index_cast %swap3A_388 : i32 to index
      %swap3A_390 = arith.index_cast %add3A_330 : i32 to index
      %swap3A_391 = arith.constant 48 : index
      %swap3A_392 = tpu.vector_load %arg6[%swap3A_389, %swap3A_390, %swap3A_391] {strides = array<i32>} : memref<2x640x64xf32, #tpu.memory_space<vmem>>, vector<1x1x16xf32>,
      %swap3A_393 = vector.shape_cast %swap3A_392 : vector<1x1x16xf32> to vector<16xf32>
      %swap3A_394 = vector.shape_cast %mul3A_387 : vector<16xf32> to vector<1x1x16xf32>
      tpu.vector_store %arg6[%swap3A_389, %swap3A_390, %swap3A_391], %swap3A_394 {strides = array<i32>} : memref<2x640x64xf32, #tpu.memory_space<vmem>>, vector<1x1x16xf32>,
      %mul3A_395 = arith.constant 8 : i32
      %mul3A_396 = arith.muli %scan3A_260, %mul3A_395 : i32
      %add3A_397 = arith.constant 2 : i32
      %add3A_398 = arith.addi %mul3A_396, %add3A_397 : i32
      %get3A_399 = arith.constant 0 : i32
      %get3A_400 = arith.index_cast %get3A_399 : i32 to index
      %get3A_401 = arith.index_cast %add3A_398 : i32 to index
      %get3A_402 = arith.constant 0 : index
      %get3A_403 = tpu.vector_load %arg6[%get3A_400, %get3A_401, %get3A_402] {strides = array<i32>} : memref<2x640x64xf32, #tpu.memory_space<vmem>>, vector<1x1x16xf32>,
      %get3A_404 = vector.shape_cast %get3A_403 : vector<1x1x16xf32> to vector<16xf32>
      %mul3A_405 = arith.constant 8.000000e+00 : f32
      %mul3A_406 = vector.broadcast %mul3A_405 : f32 to vector<16xf32>
      %mul3A_407 = arith.mulf %get3A_404, %mul3A_406 : vector<16xf32>
      %swap3A_408 = arith.constant 0 : i32
      %swap3A_409 = arith.index_cast %swap3A_408 : i32 to index
      %swap3A_410 = arith.index_cast %add3A_398 : i32 to index
      %swap3A_411 = arith.constant 0 : index
      %swap3A_412 = tpu.vector_load %arg6[%swap3A_409, %swap3A_410, %swap3A_411] {strides = array<i32>} : memref<2x640x64xf32, #tpu.memory_space<vmem>>, vector<1x1x16xf32>,
      %swap3A_413 = vector.shape_cast %swap3A_412 : vector<1x1x16xf32> to vector<16xf32>
      %swap3A_414 = vector.shape_cast %mul3A_407 : vector<16xf32> to vector<1x1x16xf32>
      tpu.vector_store %arg6[%swap3A_409, %swap3A_410, %swap3A_411], %swap3A_414 {strides = array<i32>} : memref<2x640x64xf32, #tpu.memory_space<vmem>>, vector<1x1x16xf32>,
      %get3A_415 = arith.constant 0 : i32
      %get3A_416 = arith.index_cast %get3A_415 : i32 to index
      %get3A_417 = arith.index_cast %add3A_398 : i32 to index
      %get3A_418 = arith.constant 16 : index
      %get3A_419 = tpu.vector_load %arg6[%get3A_416, %get3A_417, %get3A_418] {strides = array<i32>} : memref<2x640x64xf32, #tpu.memory_space<vmem>>, vector<1x1x16xf32>,
      %get3A_420 = vector.shape_cast %get3A_419 : vector<1x1x16xf32> to vector<16xf32>
      %mul3A_421 = arith.constant 8.000000e+00 : f32
      %mul3A_422 = vector.broadcast %mul3A_421 : f32 to vector<16xf32>
      %mul3A_423 = arith.mulf %get3A_420, %mul3A_422 : vector<16xf32>
      %swap3A_424 = arith.constant 0 : i32
      %swap3A_425 = arith.index_cast %swap3A_424 : i32 to index
      %swap3A_426 = arith.index_cast %add3A_398 : i32 to index
      %swap3A_427 = arith.constant 16 : index
      %swap3A_428 = tpu.vector_load %arg6[%swap3A_425, %swap3A_426, %swap3A_427] {strides = array<i32>} : memref<2x640x64xf32, #tpu.memory_space<vmem>>, vector<1x1x16xf32>,
      %swap3A_429 = vector.shape_cast %swap3A_428 : vector<1x1x16xf32> to vector<16xf32>
      %swap3A_430 = vector.shape_cast %mul3A_423 : vector<16xf32> to vector<1x1x16xf32>
      tpu.vector_store %arg6[%swap3A_425, %swap3A_426, %swap3A_427], %swap3A_430 {strides = array<i32>} : memref<2x640x64xf32, #tpu.memory_space<vmem>>, vector<1x1x16xf32>,
      %get3A_431 = arith.constant 0 : i32
      %get3A_432 = arith.index_cast %get3A_431 : i32 to index
      %get3A_433 = arith.index_cast %add3A_398 : i32 to index
      %get3A_434 = arith.constant 32 : index
      %get3A_435 = tpu.vector_load %arg6[%get3A_432, %get3A_433, %get3A_434] {strides = array<i32>} : memref<2x640x64xf32, #tpu.memory_space<vmem>>, vector<1x1x16xf32>,
      %get3A_436 = vector.shape_cast %get3A_435 : vector<1x1x16xf32> to vector<16xf32>
      %mul3A_437 = arith.constant 8.000000e+00 : f32
      %mul3A_438 = vector.broadcast %mul3A_437 : f32 to vector<16xf32>
      %mul3A_439 = arith.mulf %get3A_436, %mul3A_438 : vector<16xf32>
      %swap3A_440 = arith.constant 0 : i32
      %swap3A_441 = arith.index_cast %swap3A_440 : i32 to index
      %swap3A_442 = arith.index_cast %add3A_398 : i32 to index
      %swap3A_443 = arith.constant 32 : index
      %swap3A_444 = tpu.vector_load %arg6[%swap3A_441, %swap3A_442, %swap3A_443] {strides = array<i32>} : memref<2x640x64xf32, #tpu.memory_space<vmem>>, vector<1x1x16xf32>,
      %swap3A_445 = vector.shape_cast %swap3A_444 : vector<1x1x16xf32> to vector<16xf32>
      %swap3A_446 = vector.shape_cast %mul3A_439 : vector<16xf32> to vector<1x1x16xf32>
      tpu.vector_store %arg6[%swap3A_441, %swap3A_442, %swap3A_443], %swap3A_446 {strides = array<i32>} : memref<2x640x64xf32, #tpu.memory_space<vmem>>, vector<1x1x16xf32>,
      %get3A_447 = arith.constant 0 : i32
      %get3A_448 = arith.index_cast %get3A_447 : i32 to index
      %get3A_449 = arith.index_cast %add3A_398 : i32 to index
      %get3A_450 = arith.constant 48 : index
      %get3A_451 = tpu.vector_load %arg6[%get3A_448, %get3A_449, %get3A_450] {strides = array<i32>} : memref<2x640x64xf32, #tpu.memory_space<vmem>>, vector<1x1x16xf32>,
      %get3A_452 = vector.shape_cast %get3A_451 : vector<1x1x16xf32> to vector<16xf32>
      %mul3A_453 = arith.constant 8.000000e+00 : f32
      %mul3A_454 = vector.broadcast %mul3A_453 : f32 to vector<16xf32>
      %mul3A_455 = arith.mulf %get3A_452, %mul3A_454 : vector<16xf32>
      %swap3A_456 = arith.constant 0 : i32
      %swap3A_457 = arith.index_cast %swap3A_456 : i32 to index
      %swap3A_458 = arith.index_cast %add3A_398 : i32 to index
      %swap3A_459 = arith.constant 48 : index
      %swap3A_460 = tpu.vector_load %arg6[%swap3A_457, %swap3A_458, %swap3A_459] {strides = array<i32>} : memref<2x640x64xf32, #tpu.memory_space<vmem>>, vector<1x1x16xf32>,
      %swap3A_461 = vector.shape_cast %swap3A_460 : vector<1x1x16xf32> to vector<16xf32>
      %swap3A_462 = vector.shape_cast %mul3A_455 : vector<16xf32> to vector<1x1x16xf32>
      tpu.vector_store %arg6[%swap3A_457, %swap3A_458, %swap3A_459], %swap3A_462 {strides = array<i32>} : memref<2x640x64xf32, #tpu.memory_space<vmem>>, vector<1x1x16xf32>,
      %mul3A_463 = arith.constant 8 : i32
      %mul3A_464 = arith.muli %scan3A_260, %mul3A_463 : i32
      %add3A_465 = arith.constant 3 : i32
      %add3A_466 = arith.addi %mul3A_464, %add3A_465 : i32
      %get3A_467 = arith.constant 0 : i32
      %get3A_468 = arith.index_cast %get3A_467 : i32 to index
      %get3A_469 = arith.index_cast %add3A_466 : i32 to index
      %get3A_470 = arith.constant 0 : index
      %get3A_471 = tpu.vector_load %arg6[%get3A_468, %get3A_469, %get3A_470] {strides = array<i32>} : memref<2x640x64xf32, #tpu.memory_space<vmem>>, vector<1x1x16xf32>,
      %get3A_472 = vector.shape_cast %get3A_471 : vector<1x1x16xf32> to vector<16xf32>
      %mul3A_473 = arith.constant 8.000000e+00 : f32
      %mul3A_474 = vector.broadcast %mul3A_473 : f32 to vector<16xf32>
      %mul3A_475 = arith.mulf %get3A_472, %mul3A_474 : vector<16xf32>
      %swap3A_476 = arith.constant 0 : i32
      %swap3A_477 = arith.index_cast %swap3A_476 : i32 to index
      %swap3A_478 = arith.index_cast %add3A_466 : i32 to index
      %swap3A_479 = arith.constant 0 : index
      %swap3A_480 = tpu.vector_load %arg6[%swap3A_477, %swap3A_478, %swap3A_479] {strides = array<i32>} : memref<2x640x64xf32, #tpu.memory_space<vmem>>, vector<1x1x16xf32>,
      %swap3A_481 = vector.shape_cast %swap3A_480 : vector<1x1x16xf32> to vector<16xf32>
      %swap3A_482 = vector.shape_cast %mul3A_475 : vector<16xf32> to vector<1x1x16xf32>
      tpu.vector_store %arg6[%swap3A_477, %swap3A_478, %swap3A_479], %swap3A_482 {strides = array<i32>} : memref<2x640x64xf32, #tpu.memory_space<vmem>>, vector<1x1x16xf32>,
      %get3A_483 = arith.constant 0 : i32
      %get3A_484 = arith.index_cast %get3A_483 : i32 to index
      %get3A_485 = arith.index_cast %add3A_466 : i32 to index
      %get3A_486 = arith.constant 16 : index
      %get3A_487 = tpu.vector_load %arg6[%get3A_484, %get3A_485, %get3A_486] {strides = array<i32>} : memref<2x640x64xf32, #tpu.memory_space<vmem>>, vector<1x1x16xf32>,
      %get3A_488 = vector.shape_cast %get3A_487 : vector<1x1x16xf32> to vector<16xf32>
      %mul3A_489 = arith.constant 8.000000e+00 : f32
      %mul3A_490 = vector.broadcast %mul3A_489 : f32 to vector<16xf32>
      %mul3A_491 = arith.mulf %get3A_488, %mul3A_490 : vector<16xf32>
      %swap3A_492 = arith.constant 0 : i32
      %swap3A_493 = arith.index_cast %swap3A_492 : i32 to index
      %swap3A_494 = arith.index_cast %add3A_466 : i32 to index
      %swap3A_495 = arith.constant 16 : index
      %swap3A_496 = tpu.vector_load %arg6[%swap3A_493, %swap3A_494, %swap3A_495] {strides = array<i32>} : memref<2x640x64xf32, #tpu.memory_space<vmem>>, vector<1x1x16xf32>,
      %swap3A_497 = vector.shape_cast %swap3A_496 : vector<1x1x16xf32> to vector<16xf32>
      %swap3A_498 = vector.shape_cast %mul3A_491 : vector<16xf32> to vector<1x1x16xf32>
      tpu.vector_store %arg6[%swap3A_493, %swap3A_494, %swap3A_495], %swap3A_498 {strides = array<i32>} : memref<2x640x64xf32, #tpu.memory_space<vmem>>, vector<1x1x16xf32>,
      %get3A_499 = arith.constant 0 : i32
      %get3A_500 = arith.index_cast %get3A_499 : i32 to index
      %get3A_501 = arith.index_cast %add3A_466 : i32 to index
      %get3A_502 = arith.constant 32 : index
      %get3A_503 = tpu.vector_load %arg6[%get3A_500, %get3A_501, %get3A_502] {strides = array<i32>} : memref<2x640x64xf32, #tpu.memory_space<vmem>>, vector<1x1x16xf32>,
      %get3A_504 = vector.shape_cast %get3A_503 : vector<1x1x16xf32> to vector<16xf32>
      %mul3A_505 = arith.constant 8.000000e+00 : f32
      %mul3A_506 = vector.broadcast %mul3A_505 : f32 to vector<16xf32>
      %mul3A_507 = arith.mulf %get3A_504, %mul3A_506 : vector<16xf32>
      %swap3A_508 = arith.constant 0 : i32
      %swap3A_509 = arith.index_cast %swap3A_508 : i32 to index
      %swap3A_510 = arith.index_cast %add3A_466 : i32 to index
      %swap3A_511 = arith.constant 32 : index
      %swap3A_512 = tpu.vector_load %arg6[%swap3A_509, %swap3A_510, %swap3A_511] {strides = array<i32>} : memref<2x640x64xf32, #tpu.memory_space<vmem>>, vector<1x1x16xf32>,
      %swap3A_513 = vector.shape_cast %swap3A_512 : vector<1x1x16xf32> to vector<16xf32>
      %swap3A_514 = vector.shape_cast %mul3A_507 : vector<16xf32> to vector<1x1x16xf32>
      tpu.vector_store %arg6[%swap3A_509, %swap3A_510, %swap3A_511], %swap3A_514 {strides = array<i32>} : memref<2x640x64xf32, #tpu.memory_space<vmem>>, vector<1x1x16xf32>,
      %get3A_515 = arith.constant 0 : i32
      %get3A_516 = arith.index_cast %get3A_515 : i32 to index
      %get3A_517 = arith.index_cast %add3A_466 : i32 to index
      %get3A_518 = arith.constant 48 : index
      %get3A_519 = tpu.vector_load %arg6[%get3A_516, %get3A_517, %get3A_518] {strides = array<i32>} : memref<2x640x64xf32, #tpu.memory_space<vmem>>, vector<1x1x16xf32>,
      %get3A_520 = vector.shape_cast %get3A_519 : vector<1x1x16xf32> to vector<16xf32>
      %mul3A_521 = arith.constant 8.000000e+00 : f32
      %mul3A_522 = vector.broadcast %mul3A_521 : f32 to vector<16xf32>
      %mul3A_523 = arith.mulf %get3A_520, %mul3A_522 : vector<16xf32>
      %swap3A_524 = arith.constant 0 : i32
      %swap3A_525 = arith.index_cast %swap3A_524 : i32 to index
      %swap3A_526 = arith.index_cast %add3A_466 : i32 to index
      %swap3A_527 = arith.constant 48 : index
      %swap3A_528 = tpu.vector_load %arg6[%swap3A_525, %swap3A_526, %swap3A_527] {strides = array<i32>} : memref<2x640x64xf32, #tpu.memory_space<vmem>>, vector<1x1x16xf32>,
      %swap3A_529 = vector.shape_cast %swap3A_528 : vector<1x1x16xf32> to vector<16xf32>
      %swap3A_530 = vector.shape_cast %mul3A_523 : vector<16xf32> to vector<1x1x16xf32>
      tpu.vector_store %arg6[%swap3A_525, %swap3A_526, %swap3A_527], %swap3A_530 {strides = array<i32>} : memref<2x640x64xf32, #tpu.memory_space<vmem>>, vector<1x1x16xf32>,
      %mul3A_531 = arith.constant 8 : i32
      %mul3A_532 = arith.muli %scan3A_260, %mul3A_531 : i32
      %add3A_533 = arith.constant 4 : i32
      %add3A_534 = arith.addi %mul3A_532, %add3A_533 : i32
      %get3A_535 = arith.constant 0 : i32
      %get3A_536 = arith.index_cast %get3A_535 : i32 to index
      %get3A_537 = arith.index_cast %add3A_534 : i32 to index
      %get3A_538 = arith.constant 0 : index
      %get3A_539 = tpu.vector_load %arg6[%get3A_536, %get3A_537, %get3A_538] {strides = array<i32>} : memref<2x640x64xf32, #tpu.memory_space<vmem>>, vector<1x1x16xf32>,
      %get3A_540 = vector.shape_cast %get3A_539 : vector<1x1x16xf32> to vector<16xf32>
      %mul3A_541 = arith.constant 8.000000e+00 : f32
      %mul3A_542 = vector.broadcast %mul3A_541 : f32 to vector<16xf32>
      %mul3A_543 = arith.mulf %get3A_540, %mul3A_542 : vector<16xf32>
      %swap3A_544 = arith.constant 0 : i32
      %swap3A_545 = arith.index_cast %swap3A_544 : i32 to index
      %swap3A_546 = arith.index_cast %add3A_534 : i32 to index
      %swap3A_547 = arith.constant 0 : index
      %swap3A_548 = tpu.vector_load %arg6[%swap3A_545, %swap3A_546, %swap3A_547] {strides = array<i32>} : memref<2x640x64xf32, #tpu.memory_space<vmem>>, vector<1x1x16xf32>,
      %swap3A_549 = vector.shape_cast %swap3A_548 : vector<1x1x16xf32> to vector<16xf32>
      %swap3A_550 = vector.shape_cast %mul3A_543 : vector<16xf32> to vector<1x1x16xf32>
      tpu.vector_store %arg6[%swap3A_545, %swap3A_546, %swap3A_547], %swap3A_550 {strides = array<i32>} : memref<2x640x64xf32, #tpu.memory_space<vmem>>, vector<1x1x16xf32>,
      %get3A_551 = arith.constant 0 : i32
      %get3A_552 = arith.index_cast %get3A_551 : i32 to index
      %get3A_553 = arith.index_cast %add3A_534 : i32 to index
      %get3A_554 = arith.constant 16 : index
      %get3A_555 = tpu.vector_load %arg6[%get3A_552, %get3A_553, %get3A_554] {strides = array<i32>} : memref<2x640x64xf32, #tpu.memory_space<vmem>>, vector<1x1x16xf32>,
      %get3A_556 = vector.shape_cast %get3A_555 : vector<1x1x16xf32> to vector<16xf32>
      %mul3A_557 = arith.constant 8.000000e+00 : f32
      %mul3A_558 = vector.broadcast %mul3A_557 : f32 to vector<16xf32>
      %mul3A_559 = arith.mulf %get3A_556, %mul3A_558 : vector<16xf32>
      %swap3A_560 = arith.constant 0 : i32
      %swap3A_561 = arith.index_cast %swap3A_560 : i32 to index
      %swap3A_562 = arith.index_cast %add3A_534 : i32 to index
      %swap3A_563 = arith.constant 16 : index
      %swap3A_564 = tpu.vector_load %arg6[%swap3A_561, %swap3A_562, %swap3A_563] {strides = array<i32>} : memref<2x640x64xf32, #tpu.memory_space<vmem>>, vector<1x1x16xf32>,
      %swap3A_565 = vector.shape_cast %swap3A_564 : vector<1x1x16xf32> to vector<16xf32>
      %swap3A_566 = vector.shape_cast %mul3A_559 : vector<16xf32> to vector<1x1x16xf32>
      tpu.vector_store %arg6[%swap3A_561, %swap3A_562, %swap3A_563], %swap3A_566 {strides = array<i32>} : memref<2x640x64xf32, #tpu.memory_space<vmem>>, vector<1x1x16xf32>,
      %get3A_567 = arith.constant 0 : i32
      %get3A_568 = arith.index_cast %get3A_567 : i32 to index
      %get3A_569 = arith.index_cast %add3A_534 : i32 to index
      %get3A_570 = arith.constant 32 : index
      %get3A_571 = tpu.vector_load %arg6[%get3A_568, %get3A_569, %get3A_570] {strides = array<i32>} : memref<2x640x64xf32, #tpu.memory_space<vmem>>, vector<1x1x16xf32>,
      %get3A_572 = vector.shape_cast %get3A_571 : vector<1x1x16xf32> to vector<16xf32>
      %mul3A_573 = arith.constant 8.000000e+00 : f32
      %mul3A_574 = vector.broadcast %mul3A_573 : f32 to vector<16xf32>
      %mul3A_575 = arith.mulf %get3A_572, %mul3A_574 : vector<16xf32>
      %swap3A_576 = arith.constant 0 : i32
      %swap3A_577 = arith.index_cast %swap3A_576 : i32 to index
      %swap3A_578 = arith.index_cast %add3A_534 : i32 to index
      %swap3A_579 = arith.constant 32 : index
      %swap3A_580 = tpu.vector_load %arg6[%swap3A_577, %swap3A_578, %swap3A_579] {strides = array<i32>} : memref<2x640x64xf32, #tpu.memory_space<vmem>>, vector<1x1x16xf32>,
      %swap3A_581 = vector.shape_cast %swap3A_580 : vector<1x1x16xf32> to vector<16xf32>
      %swap3A_582 = vector.shape_cast %mul3A_575 : vector<16xf32> to vector<1x1x16xf32>
      tpu.vector_store %arg6[%swap3A_577, %swap3A_578, %swap3A_579], %swap3A_582 {strides = array<i32>} : memref<2x640x64xf32, #tpu.memory_space<vmem>>, vector<1x1x16xf32>,
      %get3A_583 = arith.constant 0 : i32
      %get3A_584 = arith.index_cast %get3A_583 : i32 to index
      %get3A_585 = arith.index_cast %add3A_534 : i32 to index
      %get3A_586 = arith.constant 48 : index
      %get3A_587 = tpu.vector_load %arg6[%get3A_584, %get3A_585, %get3A_586] {strides = array<i32>} : memref<2x640x64xf32, #tpu.memory_space<vmem>>, vector<1x1x16xf32>,
      %get3A_588 = vector.shape_cast %get3A_587 : vector<1x1x16xf32> to vector<16xf32>
      %mul3A_589 = arith.constant 8.000000e+00 : f32
      %mul3A_590 = vector.broadcast %mul3A_589 : f32 to vector<16xf32>
      %mul3A_591 = arith.mulf %get3A_588, %mul3A_590 : vector<16xf32>
      %swap3A_592 = arith.constant 0 : i32
      %swap3A_593 = arith.index_cast %swap3A_592 : i32 to index
      %swap3A_594 = arith.index_cast %add3A_534 : i32 to index
      %swap3A_595 = arith.constant 48 : index
      %swap3A_596 = tpu.vector_load %arg6[%swap3A_593, %swap3A_594, %swap3A_595] {strides = array<i32>} : memref<2x640x64xf32, #tpu.memory_space<vmem>>, vector<1x1x16xf32>,
      %swap3A_597 = vector.shape_cast %swap3A_596 : vector<1x1x16xf32> to vector<16xf32>
      %swap3A_598 = vector.shape_cast %mul3A_591 : vector<16xf32> to vector<1x1x16xf32>
      tpu.vector_store %arg6[%swap3A_593, %swap3A_594, %swap3A_595], %swap3A_598 {strides = array<i32>} : memref<2x640x64xf32, #tpu.memory_space<vmem>>, vector<1x1x16xf32>,
      %mul3A_599 = arith.constant 8 : i32
      %mul3A_600 = arith.muli %scan3A_260, %mul3A_599 : i32
      %add3A_601 = arith.constant 5 : i32
      %add3A_602 = arith.addi %mul3A_600, %add3A_601 : i32
      %get3A_603 = arith.constant 0 : i32
      %get3A_604 = arith.index_cast %get3A_603 : i32 to index
      %get3A_605 = arith.index_cast %add3A_602 : i32 to index
      %get3A_606 = arith.constant 0 : index
      %get3A_607 = tpu.vector_load %arg6[%get3A_604, %get3A_605, %get3A_606] {strides = array<i32>} : memref<2x640x64xf32, #tpu.memory_space<vmem>>, vector<1x1x16xf32>,
      %get3A_608 = vector.shape_cast %get3A_607 : vector<1x1x16xf32> to vector<16xf32>
      %mul3A_609 = arith.constant 8.000000e+00 : f32
      %mul3A_610 = vector.broadcast %mul3A_609 : f32 to vector<16xf32>
      %mul3A_611 = arith.mulf %get3A_608, %mul3A_610 : vector<16xf32>
      %swap3A_612 = arith.constant 0 : i32
      %swap3A_613 = arith.index_cast %swap3A_612 : i32 to index
      %swap3A_614 = arith.index_cast %add3A_602 : i32 to index
      %swap3A_615 = arith.constant 0 : index
      %swap3A_616 = tpu.vector_load %arg6[%swap3A_613, %swap3A_614, %swap3A_615] {strides = array<i32>} : memref<2x640x64xf32, #tpu.memory_space<vmem>>, vector<1x1x16xf32>,
      %swap3A_617 = vector.shape_cast %swap3A_616 : vector<1x1x16xf32> to vector<16xf32>
      %swap3A_618 = vector.shape_cast %mul3A_611 : vector<16xf32> to vector<1x1x16xf32>
      tpu.vector_store %arg6[%swap3A_613, %swap3A_614, %swap3A_615], %swap3A_618 {strides = array<i32>} : memref<2x640x64xf32, #tpu.memory_space<vmem>>, vector<1x1x16xf32>,
      %get3A_619 = arith.constant 0 : i32
      %get3A_620 = arith.index_cast %get3A_619 : i32 to index
      %get3A_621 = arith.index_cast %add3A_602 : i32 to index
      %get3A_622 = arith.constant 16 : index
      %get3A_623 = tpu.vector_load %arg6[%get3A_620, %get3A_621, %get3A_622] {strides = array<i32>} : memref<2x640x64xf32, #tpu.memory_space<vmem>>, vector<1x1x16xf32>,
      %get3A_624 = vector.shape_cast %get3A_623 : vector<1x1x16xf32> to vector<16xf32>
      %mul3A_625 = arith.constant 8.000000e+00 : f32
      %mul3A_626 = vector.broadcast %mul3A_625 : f32 to vector<16xf32>
      %mul3A_627 = arith.mulf %get3A_624, %mul3A_626 : vector<16xf32>
      %swap3A_628 = arith.constant 0 : i32
      %swap3A_629 = arith.index_cast %swap3A_628 : i32 to index
      %swap3A_630 = arith.index_cast %add3A_602 : i32 to index
      %swap3A_631 = arith.constant 16 : index
      %swap3A_632 = tpu.vector_load %arg6[%swap3A_629, %swap3A_630, %swap3A_631] {strides = array<i32>} : memref<2x640x64xf32, #tpu.memory_space<vmem>>, vector<1x1x16xf32>,
      %swap3A_633 = vector.shape_cast %swap3A_632 : vector<1x1x16xf32> to vector<16xf32>
      %swap3A_634 = vector.shape_cast %mul3A_627 : vector<16xf32> to vector<1x1x16xf32>
      tpu.vector_store %arg6[%swap3A_629, %swap3A_630, %swap3A_631], %swap3A_634 {strides = array<i32>} : memref<2x640x64xf32, #tpu.memory_space<vmem>>, vector<1x1x16xf32>,
      %get3A_635 = arith.constant 0 : i32
      %get3A_636 = arith.index_cast %get3A_635 : i32 to index
      %get3A_637 = arith.index_cast %add3A_602 : i32 to index
      %get3A_638 = arith.constant 32 : index
      %get3A_639 = tpu.vector_load %arg6[%get3A_636, %get3A_637, %get3A_638] {strides = array<i32>} : memref<2x640x64xf32, #tpu.memory_space<vmem>>, vector<1x1x16xf32>,
      %get3A_640 = vector.shape_cast %get3A_639 : vector<1x1x16xf32> to vector<16xf32>
      %mul3A_641 = arith.constant 8.000000e+00 : f32
      %mul3A_642 = vector.broadcast %mul3A_641 : f32 to vector<16xf32>
      %mul3A_643 = arith.mulf %get3A_640, %mul3A_642 : vector<16xf32>
      %swap3A_644 = arith.constant 0 : i32
      %swap3A_645 = arith.index_cast %swap3A_644 : i32 to index
      %swap3A_646 = arith.index_cast %add3A_602 : i32 to index
      %swap3A_647 = arith.constant 32 : index
      %swap3A_648 = tpu.vector_load %arg6[%swap3A_645, %swap3A_646, %swap3A_647] {strides = array<i32>} : memref<2x640x64xf32, #tpu.memory_space<vmem>>, vector<1x1x16xf32>,
      %swap3A_649 = vector.shape_cast %swap3A_648 : vector<1x1x16xf32> to vector<16xf32>
      %swap3A_650 = vector.shape_cast %mul3A_643 : vector<16xf32> to vector<1x1x16xf32>
      tpu.vector_store %arg6[%swap3A_645, %swap3A_646, %swap3A_647], %swap3A_650 {strides = array<i32>} : memref<2x640x64xf32, #tpu.memory_space<vmem>>, vector<1x1x16xf32>,
      %get3A_651 = arith.constant 0 : i32
      %get3A_652 = arith.index_cast %get3A_651 : i32 to index
      %get3A_653 = arith.index_cast %add3A_602 : i32 to index
      %get3A_654 = arith.constant 48 : index
      %get3A_655 = tpu.vector_load %arg6[%get3A_652, %get3A_653, %get3A_654] {strides = array<i32>} : memref<2x640x64xf32, #tpu.memory_space<vmem>>, vector<1x1x16xf32>,
      %get3A_656 = vector.shape_cast %get3A_655 : vector<1x1x16xf32> to vector<16xf32>
      %mul3A_657 = arith.constant 8.000000e+00 : f32
      %mul3A_658 = vector.broadcast %mul3A_657 : f32 to vector<16xf32>
      %mul3A_659 = arith.mulf %get3A_656, %mul3A_658 : vector<16xf32>
      %swap3A_660 = arith.constant 0 : i32
      %swap3A_661 = arith.index_cast %swap3A_660 : i32 to index
      %swap3A_662 = arith.index_cast %add3A_602 : i32 to index
      %swap3A_663 = arith.constant 48 : index
      %swap3A_664 = tpu.vector_load %arg6[%swap3A_661, %swap3A_662, %swap3A_663] {strides = array<i32>} : memref<2x640x64xf32, #tpu.memory_space<vmem>>, vector<1x1x16xf32>,
      %swap3A_665 = vector.shape_cast %swap3A_664 : vector<1x1x16xf32> to vector<16xf32>
      %swap3A_666 = vector.shape_cast %mul3A_659 : vector<16xf32> to vector<1x1x16xf32>
      tpu.vector_store %arg6[%swap3A_661, %swap3A_662, %swap3A_663], %swap3A_666 {strides = array<i32>} : memref<2x640x64xf32, #tpu.memory_space<vmem>>, vector<1x1x16xf32>,
      %mul3A_667 = arith.constant 8 : i32
      %mul3A_668 = arith.muli %scan3A_260, %mul3A_667 : i32
      %add3A_669 = arith.constant 6 : i32
      %add3A_670 = arith.addi %mul3A_668, %add3A_669 : i32
      %get3A_671 = arith.constant 0 : i32
      %get3A_672 = arith.index_cast %get3A_671 : i32 to index
      %get3A_673 = arith.index_cast %add3A_670 : i32 to index
      %get3A_674 = arith.constant 0 : index
      %get3A_675 = tpu.vector_load %arg6[%get3A_672, %get3A_673, %get3A_674] {strides = array<i32>} : memref<2x640x64xf32, #tpu.memory_space<vmem>>, vector<1x1x16xf32>,
      %get3A_676 = vector.shape_cast %get3A_675 : vector<1x1x16xf32> to vector<16xf32>
      %mul3A_677 = arith.constant 8.000000e+00 : f32
      %mul3A_678 = vector.broadcast %mul3A_677 : f32 to vector<16xf32>
      %mul3A_679 = arith.mulf %get3A_676, %mul3A_678 : vector<16xf32>
      %swap3A_680 = arith.constant 0 : i32
      %swap3A_681 = arith.index_cast %swap3A_680 : i32 to index
      %swap3A_682 = arith.index_cast %add3A_670 : i32 to index
      %swap3A_683 = arith.constant 0 : index
      %swap3A_684 = tpu.vector_load %arg6[%swap3A_681, %swap3A_682, %swap3A_683] {strides = array<i32>} : memref<2x640x64xf32, #tpu.memory_space<vmem>>, vector<1x1x16xf32>,
      %swap3A_685 = vector.shape_cast %swap3A_684 : vector<1x1x16xf32> to vector<16xf32>
      %swap3A_686 = vector.shape_cast %mul3A_679 : vector<16xf32> to vector<1x1x16xf32>
      tpu.vector_store %arg6[%swap3A_681, %swap3A_682, %swap3A_683], %swap3A_686 {strides = array<i32>} : memref<2x640x64xf32, #tpu.memory_space<vmem>>, vector<1x1x16xf32>,
      %get3A_687 = arith.constant 0 : i32
      %get3A_688 = arith.index_cast %get3A_687 : i32 to index
      %get3A_689 = arith.index_cast %add3A_670 : i32 to index
      %get3A_690 = arith.constant 16 : index
      %get3A_691 = tpu.vector_load %arg6[%get3A_688, %get3A_689, %get3A_690] {strides = array<i32>} : memref<2x640x64xf32, #tpu.memory_space<vmem>>, vector<1x1x16xf32>,
      %get3A_692 = vector.shape_cast %get3A_691 : vector<1x1x16xf32> to vector<16xf32>
      %mul3A_693 = arith.constant 8.000000e+00 : f32
      %mul3A_694 = vector.broadcast %mul3A_693 : f32 to vector<16xf32>
      %mul3A_695 = arith.mulf %get3A_692, %mul3A_694 : vector<16xf32>
      %swap3A_696 = arith.constant 0 : i32
      %swap3A_697 = arith.index_cast %swap3A_696 : i32 to index
      %swap3A_698 = arith.index_cast %add3A_670 : i32 to index
      %swap3A_699 = arith.constant 16 : index
      %swap3A_700 = tpu.vector_load %arg6[%swap3A_697, %swap3A_698, %swap3A_699] {strides = array<i32>} : memref<2x640x64xf32, #tpu.memory_space<vmem>>, vector<1x1x16xf32>,
      %swap3A_701 = vector.shape_cast %swap3A_700 : vector<1x1x16xf32> to vector<16xf32>
      %swap3A_702 = vector.shape_cast %mul3A_695 : vector<16xf32> to vector<1x1x16xf32>
      tpu.vector_store %arg6[%swap3A_697, %swap3A_698, %swap3A_699], %swap3A_702 {strides = array<i32>} : memref<2x640x64xf32, #tpu.memory_space<vmem>>, vector<1x1x16xf32>,
      %get3A_703 = arith.constant 0 : i32
      %get3A_704 = arith.index_cast %get3A_703 : i32 to index
      %get3A_705 = arith.index_cast %add3A_670 : i32 to index
      %get3A_706 = arith.constant 32 : index
      %get3A_707 = tpu.vector_load %arg6[%get3A_704, %get3A_705, %get3A_706] {strides = array<i32>} : memref<2x640x64xf32, #tpu.memory_space<vmem>>, vector<1x1x16xf32>,
      %get3A_708 = vector.shape_cast %get3A_707 : vector<1x1x16xf32> to vector<16xf32>
      %mul3A_709 = arith.constant 8.000000e+00 : f32
      %mul3A_710 = vector.broadcast %mul3A_709 : f32 to vector<16xf32>
      %mul3A_711 = arith.mulf %get3A_708, %mul3A_710 : vector<16xf32>
      %swap3A_712 = arith.constant 0 : i32
      %swap3A_713 = arith.index_cast %swap3A_712 : i32 to index
      %swap3A_714 = arith.index_cast %add3A_670 : i32 to index
      %swap3A_715 = arith.constant 32 : index
      %swap3A_716 = tpu.vector_load %arg6[%swap3A_713, %swap3A_714, %swap3A_715] {strides = array<i32>} : memref<2x640x64xf32, #tpu.memory_space<vmem>>, vector<1x1x16xf32>,
      %swap3A_717 = vector.shape_cast %swap3A_716 : vector<1x1x16xf32> to vector<16xf32>
      %swap3A_718 = vector.shape_cast %mul3A_711 : vector<16xf32> to vector<1x1x16xf32>
      tpu.vector_store %arg6[%swap3A_713, %swap3A_714, %swap3A_715], %swap3A_718 {strides = array<i32>} : memref<2x640x64xf32, #tpu.memory_space<vmem>>, vector<1x1x16xf32>,
      %get3A_719 = arith.constant 0 : i32
      %get3A_720 = arith.index_cast %get3A_719 : i32 to index
      %get3A_721 = arith.index_cast %add3A_670 : i32 to index
      %get3A_722 = arith.constant 48 : index
      %get3A_723 = tpu.vector_load %arg6[%get3A_720, %get3A_721, %get3A_722] {strides = array<i32>} : memref<2x640x64xf32, #tpu.memory_space<vmem>>, vector<1x1x16xf32>,
      %get3A_724 = vector.shape_cast %get3A_723 : vector<1x1x16xf32> to vector<16xf32>
      %mul3A_725 = arith.constant 8.000000e+00 : f32
      %mul3A_726 = vector.broadcast %mul3A_725 : f32 to vector<16xf32>
      %mul3A_727 = arith.mulf %get3A_724, %mul3A_726 : vector<16xf32>
      %swap3A_728 = arith.constant 0 : i32
      %swap3A_729 = arith.index_cast %swap3A_728 : i32 to index
      %swap3A_730 = arith.index_cast %add3A_670 : i32 to index
      %swap3A_731 = arith.constant 48 : index
      %swap3A_732 = tpu.vector_load %arg6[%swap3A_729, %swap3A_730, %swap3A_731] {strides = array<i32>} : memref<2x640x64xf32, #tpu.memory_space<vmem>>, vector<1x1x16xf32>,
      %swap3A_733 = vector.shape_cast %swap3A_732 : vector<1x1x16xf32> to vector<16xf32>
      %swap3A_734 = vector.shape_cast %mul3A_727 : vector<16xf32> to vector<1x1x16xf32>
      tpu.vector_store %arg6[%swap3A_729, %swap3A_730, %swap3A_731], %swap3A_734 {strides = array<i32>} : memref<2x640x64xf32, #tpu.memory_space<vmem>>, vector<1x1x16xf32>,
      %mul3A_735 = arith.constant 8 : i32
      %mul3A_736 = arith.muli %scan3A_260, %mul3A_735 : i32
      %add3A_737 = arith.constant 7 : i32
      %add3A_738 = arith.addi %mul3A_736, %add3A_737 : i32
      %get3A_739 = arith.constant 0 : i32
      %get3A_740 = arith.index_cast %get3A_739 : i32 to index
      %get3A_741 = arith.index_cast %add3A_738 : i32 to index
      %get3A_742 = arith.constant 0 : index
      %get3A_743 = tpu.vector_load %arg6[%get3A_740, %get3A_741, %get3A_742] {strides = array<i32>} : memref<2x640x64xf32, #tpu.memory_space<vmem>>, vector<1x1x16xf32>,
      %get3A_744 = vector.shape_cast %get3A_743 : vector<1x1x16xf32> to vector<16xf32>
      %mul3A_745 = arith.constant 8.000000e+00 : f32
      %mul3A_746 = vector.broadcast %mul3A_745 : f32 to vector<16xf32>
      %mul3A_747 = arith.mulf %get3A_744, %mul3A_746 : vector<16xf32>
      %swap3A_748 = arith.constant 0 : i32
      %swap3A_749 = arith.index_cast %swap3A_748 : i32 to index
      %swap3A_750 = arith.index_cast %add3A_738 : i32 to index
      %swap3A_751 = arith.constant 0 : index
      %swap3A_752 = tpu.vector_load %arg6[%swap3A_749, %swap3A_750, %swap3A_751] {strides = array<i32>} : memref<2x640x64xf32, #tpu.memory_space<vmem>>, vector<1x1x16xf32>,
      %swap3A_753 = vector.shape_cast %swap3A_752 : vector<1x1x16xf32> to vector<16xf32>
      %swap3A_754 = vector.shape_cast %mul3A_747 : vector<16xf32> to vector<1x1x16xf32>
      tpu.vector_store %arg6[%swap3A_749, %swap3A_750, %swap3A_751], %swap3A_754 {strides = array<i32>} : memref<2x640x64xf32, #tpu.memory_space<vmem>>, vector<1x1x16xf32>,
      %get3A_755 = arith.constant 0 : i32
      %get3A_756 = arith.index_cast %get3A_755 : i32 to index
      %get3A_757 = arith.index_cast %add3A_738 : i32 to index
      %get3A_758 = arith.constant 16 : index
      %get3A_759 = tpu.vector_load %arg6[%get3A_756, %get3A_757, %get3A_758] {strides = array<i32>} : memref<2x640x64xf32, #tpu.memory_space<vmem>>, vector<1x1x16xf32>,
      %get3A_760 = vector.shape_cast %get3A_759 : vector<1x1x16xf32> to vector<16xf32>
      %mul3A_761 = arith.constant 8.000000e+00 : f32
      %mul3A_762 = vector.broadcast %mul3A_761 : f32 to vector<16xf32>
      %mul3A_763 = arith.mulf %get3A_760, %mul3A_762 : vector<16xf32>
      %swap3A_764 = arith.constant 0 : i32
      %swap3A_765 = arith.index_cast %swap3A_764 : i32 to index
      %swap3A_766 = arith.index_cast %add3A_738 : i32 to index
      %swap3A_767 = arith.constant 16 : index
      %swap3A_768 = tpu.vector_load %arg6[%swap3A_765, %swap3A_766, %swap3A_767] {strides = array<i32>} : memref<2x640x64xf32, #tpu.memory_space<vmem>>, vector<1x1x16xf32>,
      %swap3A_769 = vector.shape_cast %swap3A_768 : vector<1x1x16xf32> to vector<16xf32>
      %swap3A_770 = vector.shape_cast %mul3A_763 : vector<16xf32> to vector<1x1x16xf32>
      tpu.vector_store %arg6[%swap3A_765, %swap3A_766, %swap3A_767], %swap3A_770 {strides = array<i32>} : memref<2x640x64xf32, #tpu.memory_space<vmem>>, vector<1x1x16xf32>,
      %get3A_771 = arith.constant 0 : i32
      %get3A_772 = arith.index_cast %get3A_771 : i32 to index
      %get3A_773 = arith.index_cast %add3A_738 : i32 to index
      %get3A_774 = arith.constant 32 : index
      %get3A_775 = tpu.vector_load %arg6[%get3A_772, %get3A_773, %get3A_774] {strides = array<i32>} : memref<2x640x64xf32, #tpu.memory_space<vmem>>, vector<1x1x16xf32>,
      %get3A_776 = vector.shape_cast %get3A_775 : vector<1x1x16xf32> to vector<16xf32>
      %mul3A_777 = arith.constant 8.000000e+00 : f32
      %mul3A_778 = vector.broadcast %mul3A_777 : f32 to vector<16xf32>
      %mul3A_779 = arith.mulf %get3A_776, %mul3A_778 : vector<16xf32>
      %swap3A_780 = arith.constant 0 : i32
      %swap3A_781 = arith.index_cast %swap3A_780 : i32 to index
      %swap3A_782 = arith.index_cast %add3A_738 : i32 to index
      %swap3A_783 = arith.constant 32 : index
      %swap3A_784 = tpu.vector_load %arg6[%swap3A_781, %swap3A_782, %swap3A_783] {strides = array<i32>} : memref<2x640x64xf32, #tpu.memory_space<vmem>>, vector<1x1x16xf32>,
      %swap3A_785 = vector.shape_cast %swap3A_784 : vector<1x1x16xf32> to vector<16xf32>
      %swap3A_786 = vector.shape_cast %mul3A_779 : vector<16xf32> to vector<1x1x16xf32>
      tpu.vector_store %arg6[%swap3A_781, %swap3A_782, %swap3A_783], %swap3A_786 {strides = array<i32>} : memref<2x640x64xf32, #tpu.memory_space<vmem>>, vector<1x1x16xf32>,
      %get3A_787 = arith.constant 0 : i32
      %get3A_788 = arith.index_cast %get3A_787 : i32 to index
      %get3A_789 = arith.index_cast %add3A_738 : i32 to index
      %get3A_790 = arith.constant 48 : index
      %get3A_791 = tpu.vector_load %arg6[%get3A_788, %get3A_789, %get3A_790] {strides = array<i32>} : memref<2x640x64xf32, #tpu.memory_space<vmem>>, vector<1x1x16xf32>,
      %get3A_792 = vector.shape_cast %get3A_791 : vector<1x1x16xf32> to vector<16xf32>
      %mul3A_793 = arith.constant 8.000000e+00 : f32
      %mul3A_794 = vector.broadcast %mul3A_793 : f32 to vector<16xf32>
      %mul3A_795 = arith.mulf %get3A_792, %mul3A_794 : vector<16xf32>
      %swap3A_796 = arith.constant 0 : i32
      %swap3A_797 = arith.index_cast %swap3A_796 : i32 to index
      %swap3A_798 = arith.index_cast %add3A_738 : i32 to index
      %swap3A_799 = arith.constant 48 : index
      %swap3A_800 = tpu.vector_load %arg6[%swap3A_797, %swap3A_798, %swap3A_799] {strides = array<i32>} : memref<2x640x64xf32, #tpu.memory_space<vmem>>, vector<1x1x16xf32>,
      %swap3A_801 = vector.shape_cast %swap3A_800 : vector<1x1x16xf32> to vector<16xf32>
      %swap3A_802 = vector.shape_cast %mul3A_795 : vector<16xf32> to vector<1x1x16xf32>
      tpu.vector_store %arg6[%swap3A_797, %swap3A_798, %swap3A_799], %swap3A_802 {strides = array<i32>} : memref<2x640x64xf32, #tpu.memory_space<vmem>>, vector<1x1x16xf32>,
    }
    %scan3A_172 = arith.constant 80 : i32
    %add3A_173 = arith.constant 0 : i32
    %add3A_174 = arith.addi %mul3A_4, %add3A_173 : i32
    %dma_start3A_175 = arith.constant 0 : i32
    %dma_start3A_176 = arith.constant 0 : i32
    %dma_start3A_177 = arith.constant 0 : i32
    %dma_start3A_178 = tpu.memref_slice %arg6[%dma_start3A_175, %dma_start3A_176, %dma_start3A_177] : memref<2x640x64xf32, #tpu.memory_space<vmem>> -> memref<1x640x64xf32, #tpu.memory_space<vmem>>
    %dma_start3A_179 = tpu.memref_squeeze %dma_start3A_178 : memref<1x640x64xf32, #tpu.memory_space<vmem>> -> memref<640x64xf32, #tpu.memory_space<vmem>>
    %dma_start3A_180 = arith.constant 0 : i32
    %dma_start3A_181 = tpu.memref_slice %arg4[%add3A_174, %dma_start3A_180] : memref<819200x64xf32, #tpu.memory_space<hbm>> -> memref<640x64xf32, #tpu.memory_space<hbm>>
    %dma_start3A_182 = arith.constant 0 : i32
    %dma_start3A_183 = tpu.memref_slice %arg4[%add3A_174, %dma_start3A_182] : memref<819200x64xf32, #tpu.memory_space<hbm>> -> memref<640x64xf32, #tpu.memory_space<hbm>>
    %dma_start3A_184 = arith.constant 0 : i32
    %dma_start3A_185 = arith.constant 0 : i32
    %dma_start3A_186 = tpu.memref_slice %arg6[%dma_start3A_175, %dma_start3A_184, %dma_start3A_185] : memref<2x640x64xf32, #tpu.memory_space<vmem>> -> memref<1x640x64xf32, #tpu.memory_space<vmem>>
    %dma_start3A_187 = tpu.memref_squeeze %dma_start3A_186 : memref<1x640x64xf32, #tpu.memory_space<vmem>> -> memref<640x64xf32, #tpu.memory_space<vmem>>
    tpu.enqueue_dma source(%dma_start3A_187 : memref<640x64xf32, #tpu.memory_space<vmem>>) target(%dma_start3A_183 : memref<640x64xf32, #tpu.memory_space<hbm>>) target_semaphore(%arg9 : memref<!tpu.dma_semaphore, #tpu.memory_space<semaphore_mem>>)
    %scan3A_188 = arith.constant 0 : i32
    %scan3A_189 = arith.constant 0 : i32
    %scan3A_190 = arith.constant 19 : i32
    %scan3A_191 = arith.addi %scan3A_189, %scan3A_190 : i32
    %scan3A_192 = arith.constant 1 : i32
    scf.for %scan3A_260 = %scan3A_189 to %scan3A_191 step %scan3A_192  : i32 {
      %mul3A_261 = arith.constant 2 : i32
      %mul3A_262 = arith.muli %scan3A_260, %mul3A_261 : i32
      %add3A_263 = arith.constant 1 : i32
      %add3A_264 = arith.addi %add3A_263, %mul3A_262 : i32
      %add3A_265 = arith.constant 0 : i32
      %add3A_266 = arith.addi %add3A_264, %add3A_265 : i32
      %dma_wait3A_267 = arith.constant 0 : i32
      %dma_wait3A_268 = arith.constant 0 : i32
      %dma_wait3A_269 = arith.constant 0 : i32
      %dma_wait3A_270 = tpu.memref_slice %arg6[%dma_wait3A_267, %dma_wait3A_268, %dma_wait3A_269] : memref<2x640x64xf32, #tpu.memory_space<vmem>> -> memref<1x640x64xf32, #tpu.memory_space<vmem>>
      %dma_wait3A_271 = tpu.memref_squeeze %dma_wait3A_270 : memref<1x640x64xf32, #tpu.memory_space<vmem>> -> memref<640x64xf32, #tpu.memory_space<vmem>>
      %dma_wait3A_272 = arith.constant 0 : i32
      %dma_wait3A_273 = arith.constant 0 : i32
      %dma_wait3A_274 = tpu.memref_slice %arg4[%dma_wait3A_272, %dma_wait3A_273] : memref<819200x64xf32, #tpu.memory_space<hbm>> -> memref<640x64xf32, #tpu.memory_space<hbm>>
      %dma_wait3A_275 = arith.constant 0 : i32
      %dma_wait3A_276 = arith.constant 0 : i32
      %dma_wait3A_277 = tpu.memref_slice %arg4[%dma_wait3A_275, %dma_wait3A_276] : memref<819200x64xf32, #tpu.memory_space<hbm>> -> memref<640x64xf32, #tpu.memory_space<hbm>>
      %dma_wait3A_278 = arith.constant 0 : i32
      %dma_wait3A_279 = arith.constant 0 : i32
      %dma_wait3A_280 = tpu.memref_slice %arg6[%dma_wait3A_267, %dma_wait3A_278, %dma_wait3A_279] : memref<2x640x64xf32, #tpu.memory_space<vmem>> -> memref<1x640x64xf32, #tpu.memory_space<vmem>>
      %dma_wait3A_281 = tpu.memref_squeeze %dma_wait3A_280 : memref<1x640x64xf32, #tpu.memory_space<vmem>> -> memref<640x64xf32, #tpu.memory_space<vmem>>
      tpu.wait_dma2 semaphore(%arg9 : memref<!tpu.dma_semaphore, #tpu.memory_space<semaphore_mem>>) src(%dma_wait3A_281 : memref<640x64xf32, #tpu.memory_space<vmem>>) dst(%dma_wait3A_277 : memref<640x64xf32, #tpu.memory_space<hbm>>)
      %add3A_282 = arith.constant 1 : i32
      %add3A_283 = arith.addi %add3A_266, %add3A_282 : i32
      %mul3A_284 = arith.constant 5 : i32
      %mul3A_285 = arith.muli %add3A_283, %mul3A_284 : i32
      %add3A_286 = arith.constant 0 : i32
      %add3A_287 = arith.addi %mul3A_285, %add3A_286 : i32
      %dma_start3A_288 = arith.constant 0 : i32
      %dma_start3A_289 = arith.constant 0 : i32
      %dma_start3A_290 = arith.constant 0 : i32
      %dma_start3A_291 = tpu.memref_slice %arg6[%dma_start3A_288, %dma_start3A_289, %dma_start3A_290] : memref<2x640x64xf32, #tpu.memory_space<vmem>> -> memref<1x640x64xf32, #tpu.memory_space<vmem>>
      %dma_start3A_292 = tpu.memref_squeeze %dma_start3A_291 : memref<1x640x64xf32, #tpu.memory_space<vmem>> -> memref<640x64xf32, #tpu.memory_space<vmem>>
      %dma_start3A_293 = arith.constant 0 : i32
      %dma_start3A_294 = arith.constant 0 : i32
      %dma_start3A_295 = tpu.memref_slice %dma_start3A_292[%dma_start3A_293, %dma_start3A_294] : memref<640x64xf32, #tpu.memory_space<vmem>> -> memref<128x64xf32, #tpu.memory_space<vmem>>
      %dma_start3A_296 = arith.constant 0 : i32
      %dma_start3A_297 = tpu.memref_slice %arg5[%add3A_287, %dma_start3A_296] : memref<200x128xi32, #tpu.memory_space<vmem>> -> memref<1x128xi32, #tpu.memory_space<vmem>>
      %dma_start3A_298 = tpu.memref_squeeze %dma_start3A_297 : memref<1x128xi32, #tpu.memory_space<vmem>> -> memref<128xi32, #tpu.memory_space<vmem>>
      %dma_start3A_299 = arith.constant 0 : i32
      %dma_start3A_300 = arith.constant 0 : i32
      %dma_start3A_301 = tpu.memref_slice %arg3[%dma_start3A_299, %dma_start3A_300] : memref<1000000x64xf32, #tpu.memory_space<hbm>> -> memref<1000000x64xf32, #tpu.memory_space<hbm>>
      tpu.enqueue_indirect_dma source(%dma_start3A_301 : memref<1000000x64xf32, #tpu.memory_space<hbm>>) target(%dma_start3A_295 : memref<128x64xf32, #tpu.memory_space<vmem>>) offsets(%dma_start3A_298 : memref<128xi32, #tpu.memory_space<vmem>>) semaphore(%arg7 : memref<!tpu.dma_semaphore, #tpu.memory_space<semaphore_mem>>)
      %mul3A_302 = arith.constant 5 : i32
      %mul3A_303 = arith.muli %add3A_283, %mul3A_302 : i32
      %add3A_304 = arith.constant 1 : i32
      %add3A_305 = arith.addi %mul3A_303, %add3A_304 : i32
      %dma_start3A_306 = arith.constant 0 : i32
      %dma_start3A_307 = arith.constant 0 : i32
      %dma_start3A_308 = arith.constant 0 : i32
      %dma_start3A_309 = tpu.memref_slice %arg6[%dma_start3A_306, %dma_start3A_307, %dma_start3A_308] : memref<2x640x64xf32, #tpu.memory_space<vmem>> -> memref<1x640x64xf32, #tpu.memory_space<vmem>>
      %dma_start3A_310 = tpu.memref_squeeze %dma_start3A_309 : memref<1x640x64xf32, #tpu.memory_space<vmem>> -> memref<640x64xf32, #tpu.memory_space<vmem>>
      %dma_start3A_311 = arith.constant 128 : i32
      %dma_start3A_312 = arith.constant 0 : i32
      %dma_start3A_313 = tpu.memref_slice %dma_start3A_310[%dma_start3A_311, %dma_start3A_312] : memref<640x64xf32, #tpu.memory_space<vmem>> -> memref<128x64xf32, #tpu.memory_space<vmem>>
      %dma_start3A_314 = arith.constant 0 : i32
      %dma_start3A_315 = tpu.memref_slice %arg5[%add3A_305, %dma_start3A_314] : memref<200x128xi32, #tpu.memory_space<vmem>> -> memref<1x128xi32, #tpu.memory_space<vmem>>
      %dma_start3A_316 = tpu.memref_squeeze %dma_start3A_315 : memref<1x128xi32, #tpu.memory_space<vmem>> -> memref<128xi32, #tpu.memory_space<vmem>>
      %dma_start3A_317 = arith.constant 0 : i32
      %dma_start3A_318 = arith.constant 0 : i32
      %dma_start3A_319 = tpu.memref_slice %arg3[%dma_start3A_317, %dma_start3A_318] : memref<1000000x64xf32, #tpu.memory_space<hbm>> -> memref<1000000x64xf32, #tpu.memory_space<hbm>>
      tpu.enqueue_indirect_dma source(%dma_start3A_319 : memref<1000000x64xf32, #tpu.memory_space<hbm>>) target(%dma_start3A_313 : memref<128x64xf32, #tpu.memory_space<vmem>>) offsets(%dma_start3A_316 : memref<128xi32, #tpu.memory_space<vmem>>) semaphore(%arg7 : memref<!tpu.dma_semaphore, #tpu.memory_space<semaphore_mem>>)
      %mul3A_320 = arith.constant 5 : i32
      %mul3A_321 = arith.muli %add3A_283, %mul3A_320 : i32
      %add3A_322 = arith.constant 2 : i32
      %add3A_323 = arith.addi %mul3A_321, %add3A_322 : i32
      %dma_start3A_324 = arith.constant 0 : i32
      %dma_start3A_325 = arith.constant 0 : i32
      %dma_start3A_326 = arith.constant 0 : i32
      %dma_start3A_327 = tpu.memref_slice %arg6[%dma_start3A_324, %dma_start3A_325, %dma_start3A_326] : memref<2x640x64xf32, #tpu.memory_space<vmem>> -> memref<1x640x64xf32, #tpu.memory_space<vmem>>
      %dma_start3A_328 = tpu.memref_squeeze %dma_start3A_327 : memref<1x640x64xf32, #tpu.memory_space<vmem>> -> memref<640x64xf32, #tpu.memory_space<vmem>>
      %dma_start3A_329 = arith.constant 256 : i32
      %dma_start3A_330 = arith.constant 0 : i32
      %dma_start3A_331 = tpu.memref_slice %dma_start3A_328[%dma_start3A_329, %dma_start3A_330] : memref<640x64xf32, #tpu.memory_space<vmem>> -> memref<128x64xf32, #tpu.memory_space<vmem>>
      %dma_start3A_332 = arith.constant 0 : i32
      %dma_start3A_333 = tpu.memref_slice %arg5[%add3A_323, %dma_start3A_332] : memref<200x128xi32, #tpu.memory_space<vmem>> -> memref<1x128xi32, #tpu.memory_space<vmem>>
      %dma_start3A_334 = tpu.memref_squeeze %dma_start3A_333 : memref<1x128xi32, #tpu.memory_space<vmem>> -> memref<128xi32, #tpu.memory_space<vmem>>
      %dma_start3A_335 = arith.constant 0 : i32
      %dma_start3A_336 = arith.constant 0 : i32
      %dma_start3A_337 = tpu.memref_slice %arg3[%dma_start3A_335, %dma_start3A_336] : memref<1000000x64xf32, #tpu.memory_space<hbm>> -> memref<1000000x64xf32, #tpu.memory_space<hbm>>
      tpu.enqueue_indirect_dma source(%dma_start3A_337 : memref<1000000x64xf32, #tpu.memory_space<hbm>>) target(%dma_start3A_331 : memref<128x64xf32, #tpu.memory_space<vmem>>) offsets(%dma_start3A_334 : memref<128xi32, #tpu.memory_space<vmem>>) semaphore(%arg7 : memref<!tpu.dma_semaphore, #tpu.memory_space<semaphore_mem>>)
      %mul3A_338 = arith.constant 5 : i32
      %mul3A_339 = arith.muli %add3A_283, %mul3A_338 : i32
      %add3A_340 = arith.constant 3 : i32
      %add3A_341 = arith.addi %mul3A_339, %add3A_340 : i32
      %dma_start3A_342 = arith.constant 0 : i32
      %dma_start3A_343 = arith.constant 0 : i32
      %dma_start3A_344 = arith.constant 0 : i32
      %dma_start3A_345 = tpu.memref_slice %arg6[%dma_start3A_342, %dma_start3A_343, %dma_start3A_344] : memref<2x640x64xf32, #tpu.memory_space<vmem>> -> memref<1x640x64xf32, #tpu.memory_space<vmem>>
      %dma_start3A_346 = tpu.memref_squeeze %dma_start3A_345 : memref<1x640x64xf32, #tpu.memory_space<vmem>> -> memref<640x64xf32, #tpu.memory_space<vmem>>
      %dma_start3A_347 = arith.constant 384 : i32
      %dma_start3A_348 = arith.constant 0 : i32
      %dma_start3A_349 = tpu.memref_slice %dma_start3A_346[%dma_start3A_347, %dma_start3A_348] : memref<640x64xf32, #tpu.memory_space<vmem>> -> memref<128x64xf32, #tpu.memory_space<vmem>>
      %dma_start3A_350 = arith.constant 0 : i32
      %dma_start3A_351 = tpu.memref_slice %arg5[%add3A_341, %dma_start3A_350] : memref<200x128xi32, #tpu.memory_space<vmem>> -> memref<1x128xi32, #tpu.memory_space<vmem>>
      %dma_start3A_352 = tpu.memref_squeeze %dma_start3A_351 : memref<1x128xi32, #tpu.memory_space<vmem>> -> memref<128xi32, #tpu.memory_space<vmem>>
      %dma_start3A_353 = arith.constant 0 : i32
      %dma_start3A_354 = arith.constant 0 : i32
      %dma_start3A_355 = tpu.memref_slice %arg3[%dma_start3A_353, %dma_start3A_354] : memref<1000000x64xf32, #tpu.memory_space<hbm>> -> memref<1000000x64xf32, #tpu.memory_space<hbm>>
      tpu.enqueue_indirect_dma source(%dma_start3A_355 : memref<1000000x64xf32, #tpu.memory_space<hbm>>) target(%dma_start3A_349 : memref<128x64xf32, #tpu.memory_space<vmem>>) offsets(%dma_start3A_352 : memref<128xi32, #tpu.memory_space<vmem>>) semaphore(%arg7 : memref<!tpu.dma_semaphore, #tpu.memory_space<semaphore_mem>>)
      %mul3A_356 = arith.constant 5 : i32
      %mul3A_357 = arith.muli %add3A_283, %mul3A_356 : i32
      %add3A_358 = arith.constant 4 : i32
      %add3A_359 = arith.addi %mul3A_357, %add3A_358 : i32
      %dma_start3A_360 = arith.constant 0 : i32
      %dma_start3A_361 = arith.constant 0 : i32
      %dma_start3A_362 = arith.constant 0 : i32
      %dma_start3A_363 = tpu.memref_slice %arg6[%dma_start3A_360, %dma_start3A_361, %dma_start3A_362] : memref<2x640x64xf32, #tpu.memory_space<vmem>> -> memref<1x640x64xf32, #tpu.memory_space<vmem>>
      %dma_start3A_364 = tpu.memref_squeeze %dma_start3A_363 : memref<1x640x64xf32, #tpu.memory_space<vmem>> -> memref<640x64xf32, #tpu.memory_space<vmem>>
      %dma_start3A_365 = arith.constant 512 : i32
      %dma_start3A_366 = arith.constant 0 : i32
      %dma_start3A_367 = tpu.memref_slice %dma_start3A_364[%dma_start3A_365, %dma_start3A_366] : memref<640x64xf32, #tpu.memory_space<vmem>> -> memref<128x64xf32, #tpu.memory_space<vmem>>
      %dma_start3A_368 = arith.constant 0 : i32
      %dma_start3A_369 = tpu.memref_slice %arg5[%add3A_359, %dma_start3A_368] : memref<200x128xi32, #tpu.memory_space<vmem>> -> memref<1x128xi32, #tpu.memory_space<vmem>>
      %dma_start3A_370 = tpu.memref_squeeze %dma_start3A_369 : memref<1x128xi32, #tpu.memory_space<vmem>> -> memref<128xi32, #tpu.memory_space<vmem>>
      %dma_start3A_371 = arith.constant 0 : i32
      %dma_start3A_372 = arith.constant 0 : i32
      %dma_start3A_373 = tpu.memref_slice %arg3[%dma_start3A_371, %dma_start3A_372] : memref<1000000x64xf32, #tpu.memory_space<hbm>> -> memref<1000000x64xf32, #tpu.memory_space<hbm>>
      tpu.enqueue_indirect_dma source(%dma_start3A_373 : memref<1000000x64xf32, #tpu.memory_space<hbm>>) target(%dma_start3A_367 : memref<128x64xf32, #tpu.memory_space<vmem>>) offsets(%dma_start3A_370 : memref<128xi32, #tpu.memory_space<vmem>>) semaphore(%arg7 : memref<!tpu.dma_semaphore, #tpu.memory_space<semaphore_mem>>)
      %dma_wait3A_374 = arith.constant 1 : i32
      %dma_wait3A_375 = arith.constant 0 : i32
      %dma_wait3A_376 = arith.constant 0 : i32
      %dma_wait3A_377 = tpu.memref_slice %arg6[%dma_wait3A_374, %dma_wait3A_375, %dma_wait3A_376] : memref<2x640x64xf32, #tpu.memory_space<vmem>> -> memref<1x640x64xf32, #tpu.memory_space<vmem>>
      %dma_wait3A_378 = tpu.memref_squeeze %dma_wait3A_377 : memref<1x640x64xf32, #tpu.memory_space<vmem>> -> memref<640x64xf32, #tpu.memory_space<vmem>>
      %dma_wait3A_379 = arith.constant 0 : i32
      %dma_wait3A_380 = arith.constant 0 : i32
      %dma_wait3A_381 = tpu.memref_slice %arg4[%dma_wait3A_379, %dma_wait3A_380] : memref<819200x64xf32, #tpu.memory_space<hbm>> -> memref<640x64xf32, #tpu.memory_space<hbm>>
      %dma_wait3A_382 = arith.constant 0 : i32
      %dma_wait3A_383 = arith.constant 0 : i32
      %dma_wait3A_384 = tpu.memref_slice %arg6[%dma_wait3A_374, %dma_wait3A_382, %dma_wait3A_383] : memref<2x640x64xf32, #tpu.memory_space<vmem>> -> memref<1x640x64xf32, #tpu.memory_space<vmem>>
      %dma_wait3A_385 = tpu.memref_squeeze %dma_wait3A_384 : memref<1x640x64xf32, #tpu.memory_space<vmem>> -> memref<640x64xf32, #tpu.memory_space<vmem>>
      %dma_wait3A_386 = arith.constant 0 : i32
      %dma_wait3A_387 = arith.constant 0 : i32
      %dma_wait3A_388 = tpu.memref_slice %arg4[%dma_wait3A_386, %dma_wait3A_387] : memref<819200x64xf32, #tpu.memory_space<hbm>> -> memref<640x64xf32, #tpu.memory_space<hbm>>
      tpu.wait_dma2 semaphore(%arg8 : memref<!tpu.dma_semaphore, #tpu.memory_space<semaphore_mem>>) src(%dma_wait3A_388 : memref<640x64xf32, #tpu.memory_space<hbm>>) dst(%dma_wait3A_385 : memref<640x64xf32, #tpu.memory_space<vmem>>)
      %scan3A_389 = arith.constant 0 : i32
      %scan3A_390 = arith.constant 0 : i32
      %scan3A_391 = arith.constant 80 : i32
      %scan3A_392 = arith.addi %scan3A_390, %scan3A_391 : i32
      %scan3A_393 = arith.constant 1 : i32
      scf.for %scan3A_561 = %scan3A_390 to %scan3A_392 step %scan3A_393  : i32 {
        %mul3A_562 = arith.constant 8 : i32
        %mul3A_563 = arith.muli %scan3A_561, %mul3A_562 : i32
        %add3A_564 = arith.constant 0 : i32
        %add3A_565 = arith.addi %mul3A_563, %add3A_564 : i32
        %get3A = arith.constant 1 : i32
        %get3A_566 = arith.index_cast %get3A : i32 to index
        %get3A_567 = arith.index_cast %add3A_565 : i32 to index
        %get3A_568 = arith.constant 0 : index
        %get3A_569 = tpu.vector_load %arg6[%get3A_566, %get3A_567, %get3A_568] {strides = array<i32>} : memref<2x640x64xf32, #tpu.memory_space<vmem>>, vector<1x1x16xf32>,
        %get3A_570 = vector.shape_cast %get3A_569 : vector<1x1x16xf32> to vector<16xf32>
        %mul3A_571 = arith.constant 8.000000e+00 : f32
        %mul3A_572 = vector.broadcast %mul3A_571 : f32 to vector<16xf32>
        %mul3A_573 = arith.mulf %get3A_570, %mul3A_572 : vector<16xf32>
        %swap3A = arith.constant 1 : i32
        %swap3A_574 = arith.index_cast %swap3A : i32 to index
        %swap3A_575 = arith.index_cast %add3A_565 : i32 to index
        %swap3A_576 = arith.constant 0 : index
        %swap3A_577 = tpu.vector_load %arg6[%swap3A_574, %swap3A_575, %swap3A_576] {strides = array<i32>} : memref<2x640x64xf32, #tpu.memory_space<vmem>>, vector<1x1x16xf32>,
        %swap3A_578 = vector.shape_cast %swap3A_577 : vector<1x1x16xf32> to vector<16xf32>
        %swap3A_579 = vector.shape_cast %mul3A_573 : vector<16xf32> to vector<1x1x16xf32>
        tpu.vector_store %arg6[%swap3A_574, %swap3A_575, %swap3A_576], %swap3A_579 {strides = array<i32>} : memref<2x640x64xf32, #tpu.memory_space<vmem>>, vector<1x1x16xf32>,
        %get3A_580 = arith.constant 1 : i32
        %get3A_581 = arith.index_cast %get3A_580 : i32 to index
        %get3A_582 = arith.index_cast %add3A_565 : i32 to index
        %get3A_583 = arith.constant 16 : index
        %get3A_584 = tpu.vector_load %arg6[%get3A_581, %get3A_582, %get3A_583] {strides = array<i32>} : memref<2x640x64xf32, #tpu.memory_space<vmem>>, vector<1x1x16xf32>,
        %get3A_585 = vector.shape_cast %get3A_584 : vector<1x1x16xf32> to vector<16xf32>
        %mul3A_586 = arith.constant 8.000000e+00 : f32
        %mul3A_587 = vector.broadcast %mul3A_586 : f32 to vector<16xf32>
        %mul3A_588 = arith.mulf %get3A_585, %mul3A_587 : vector<16xf32>
        %swap3A_589 = arith.constant 1 : i32
        %swap3A_590 = arith.index_cast %swap3A_589 : i32 to index
        %swap3A_591 = arith.index_cast %add3A_565 : i32 to index
        %swap3A_592 = arith.constant 16 : index
        %swap3A_593 = tpu.vector_load %arg6[%swap3A_590, %swap3A_591, %swap3A_592] {strides = array<i32>} : memref<2x640x64xf32, #tpu.memory_space<vmem>>, vector<1x1x16xf32>,
        %swap3A_594 = vector.shape_cast %swap3A_593 : vector<1x1x16xf32> to vector<16xf32>
        %swap3A_595 = vector.shape_cast %mul3A_588 : vector<16xf32> to vector<1x1x16xf32>
        tpu.vector_store %arg6[%swap3A_590, %swap3A_591, %swap3A_592], %swap3A_595 {strides = array<i32>} : memref<2x640x64xf32, #tpu.memory_space<vmem>>, vector<1x1x16xf32>,
        %get3A_596 = arith.constant 1 : i32
        %get3A_597 = arith.index_cast %get3A_596 : i32 to index
        %get3A_598 = arith.index_cast %add3A_565 : i32 to index
        %get3A_599 = arith.constant 32 : index
        %get3A_600 = tpu.vector_load %arg6[%get3A_597, %get3A_598, %get3A_599] {strides = array<i32>} : memref<2x640x64xf32, #tpu.memory_space<vmem>>, vector<1x1x16xf32>,
        %get3A_601 = vector.shape_cast %get3A_600 : vector<1x1x16xf32> to vector<16xf32>
        %mul3A_602 = arith.constant 8.000000e+00 : f32
        %mul3A_603 = vector.broadcast %mul3A_602 : f32 to vector<16xf32>
        %mul3A_604 = arith.mulf %get3A_601, %mul3A_603 : vector<16xf32>
        %swap3A_605 = arith.constant 1 : i32
        %swap3A_606 = arith.index_cast %swap3A_605 : i32 to index
        %swap3A_607 = arith.index_cast %add3A_565 : i32 to index
        %swap3A_608 = arith.constant 32 : index
        %swap3A_609 = tpu.vector_load %arg6[%swap3A_606, %swap3A_607, %swap3A_608] {strides = array<i32>} : memref<2x640x64xf32, #tpu.memory_space<vmem>>, vector<1x1x16xf32>,
        %swap3A_610 = vector.shape_cast %swap3A_609 : vector<1x1x16xf32> to vector<16xf32>
        %swap3A_611 = vector.shape_cast %mul3A_604 : vector<16xf32> to vector<1x1x16xf32>
        tpu.vector_store %arg6[%swap3A_606, %swap3A_607, %swap3A_608], %swap3A_611 {strides = array<i32>} : memref<2x640x64xf32, #tpu.memory_space<vmem>>, vector<1x1x16xf32>,
        %get3A_612 = arith.constant 1 : i32
        %get3A_613 = arith.index_cast %get3A_612 : i32 to index
        %get3A_614 = arith.index_cast %add3A_565 : i32 to index
        %get3A_615 = arith.constant 48 : index
        %get3A_616 = tpu.vector_load %arg6[%get3A_613, %get3A_614, %get3A_615] {strides = array<i32>} : memref<2x640x64xf32, #tpu.memory_space<vmem>>, vector<1x1x16xf32>,
        %get3A_617 = vector.shape_cast %get3A_616 : vector<1x1x16xf32> to vector<16xf32>
        %mul3A_618 = arith.constant 8.000000e+00 : f32
        %mul3A_619 = vector.broadcast %mul3A_618 : f32 to vector<16xf32>
        %mul3A_620 = arith.mulf %get3A_617, %mul3A_619 : vector<16xf32>
        %swap3A_621 = arith.constant 1 : i32
        %swap3A_622 = arith.index_cast %swap3A_621 : i32 to index
        %swap3A_623 = arith.index_cast %add3A_565 : i32 to index
        %swap3A_624 = arith.constant 48 : index
        %swap3A_625 = tpu.vector_load %arg6[%swap3A_622, %swap3A_623, %swap3A_624] {strides = array<i32>} : memref<2x640x64xf32, #tpu.memory_space<vmem>>, vector<1x1x16xf32>,
        %swap3A_626 = vector.shape_cast %swap3A_625 : vector<1x1x16xf32> to vector<16xf32>
        %swap3A_627 = vector.shape_cast %mul3A_620 : vector<16xf32> to vector<1x1x16xf32>
        tpu.vector_store %arg6[%swap3A_622, %swap3A_623, %swap3A_624], %swap3A_627 {strides = array<i32>} : memref<2x640x64xf32, #tpu.memory_space<vmem>>, vector<1x1x16xf32>,
        %mul3A_628 = arith.constant 8 : i32
        %mul3A_629 = arith.muli %scan3A_561, %mul3A_628 : i32
        %add3A_630 = arith.constant 1 : i32
        %add3A_631 = arith.addi %mul3A_629, %add3A_630 : i32
        %get3A_632 = arith.constant 1 : i32
        %get3A_633 = arith.index_cast %get3A_632 : i32 to index
        %get3A_634 = arith.index_cast %add3A_631 : i32 to index
        %get3A_635 = arith.constant 0 : index
        %get3A_636 = tpu.vector_load %arg6[%get3A_633, %get3A_634, %get3A_635] {strides = array<i32>} : memref<2x640x64xf32, #tpu.memory_space<vmem>>, vector<1x1x16xf32>,
        %get3A_637 = vector.shape_cast %get3A_636 : vector<1x1x16xf32> to vector<16xf32>
        %mul3A_638 = arith.constant 8.000000e+00 : f32
        %mul3A_639 = vector.broadcast %mul3A_638 : f32 to vector<16xf32>
        %mul3A_640 = arith.mulf %get3A_637, %mul3A_639 : vector<16xf32>
        %swap3A_641 = arith.constant 1 : i32
        %swap3A_642 = arith.index_cast %swap3A_641 : i32 to index
        %swap3A_643 = arith.index_cast %add3A_631 : i32 to index
        %swap3A_644 = arith.constant 0 : index
        %swap3A_645 = tpu.vector_load %arg6[%swap3A_642, %swap3A_643, %swap3A_644] {strides = array<i32>} : memref<2x640x64xf32, #tpu.memory_space<vmem>>, vector<1x1x16xf32>,
        %swap3A_646 = vector.shape_cast %swap3A_645 : vector<1x1x16xf32> to vector<16xf32>
        %swap3A_647 = vector.shape_cast %mul3A_640 : vector<16xf32> to vector<1x1x16xf32>
        tpu.vector_store %arg6[%swap3A_642, %swap3A_643, %swap3A_644], %swap3A_647 {strides = array<i32>} : memref<2x640x64xf32, #tpu.memory_space<vmem>>, vector<1x1x16xf32>,
        %get3A_648 = arith.constant 1 : i32
        %get3A_649 = arith.index_cast %get3A_648 : i32 to index
        %get3A_650 = arith.index_cast %add3A_631 : i32 to index
        %get3A_651 = arith.constant 16 : index
        %get3A_652 = tpu.vector_load %arg6[%get3A_649, %get3A_650, %get3A_651] {strides = array<i32>} : memref<2x640x64xf32, #tpu.memory_space<vmem>>, vector<1x1x16xf32>,
        %get3A_653 = vector.shape_cast %get3A_652 : vector<1x1x16xf32> to vector<16xf32>
        %mul3A_654 = arith.constant 8.000000e+00 : f32
        %mul3A_655 = vector.broadcast %mul3A_654 : f32 to vector<16xf32>
        %mul3A_656 = arith.mulf %get3A_653, %mul3A_655 : vector<16xf32>
        %swap3A_657 = arith.constant 1 : i32
        %swap3A_658 = arith.index_cast %swap3A_657 : i32 to index
        %swap3A_659 = arith.index_cast %add3A_631 : i32 to index
        %swap3A_660 = arith.constant 16 : index
        %swap3A_661 = tpu.vector_load %arg6[%swap3A_658, %swap3A_659, %swap3A_660] {strides = array<i32>} : memref<2x640x64xf32, #tpu.memory_space<vmem>>, vector<1x1x16xf32>,
        %swap3A_662 = vector.shape_cast %swap3A_661 : vector<1x1x16xf32> to vector<16xf32>
        %swap3A_663 = vector.shape_cast %mul3A_656 : vector<16xf32> to vector<1x1x16xf32>
        tpu.vector_store %arg6[%swap3A_658, %swap3A_659, %swap3A_660], %swap3A_663 {strides = array<i32>} : memref<2x640x64xf32, #tpu.memory_space<vmem>>, vector<1x1x16xf32>,
        %get3A_664 = arith.constant 1 : i32
        %get3A_665 = arith.index_cast %get3A_664 : i32 to index
        %get3A_666 = arith.index_cast %add3A_631 : i32 to index
        %get3A_667 = arith.constant 32 : index
        %get3A_668 = tpu.vector_load %arg6[%get3A_665, %get3A_666, %get3A_667] {strides = array<i32>} : memref<2x640x64xf32, #tpu.memory_space<vmem>>, vector<1x1x16xf32>,
        %get3A_669 = vector.shape_cast %get3A_668 : vector<1x1x16xf32> to vector<16xf32>
        %mul3A_670 = arith.constant 8.000000e+00 : f32
        %mul3A_671 = vector.broadcast %mul3A_670 : f32 to vector<16xf32>
        %mul3A_672 = arith.mulf %get3A_669, %mul3A_671 : vector<16xf32>
        %swap3A_673 = arith.constant 1 : i32
        %swap3A_674 = arith.index_cast %swap3A_673 : i32 to index
        %swap3A_675 = arith.index_cast %add3A_631 : i32 to index
        %swap3A_676 = arith.constant 32 : index
        %swap3A_677 = tpu.vector_load %arg6[%swap3A_674, %swap3A_675, %swap3A_676] {strides = array<i32>} : memref<2x640x64xf32, #tpu.memory_space<vmem>>, vector<1x1x16xf32>,
        %swap3A_678 = vector.shape_cast %swap3A_677 : vector<1x1x16xf32> to vector<16xf32>
        %swap3A_679 = vector.shape_cast %mul3A_672 : vector<16xf32> to vector<1x1x16xf32>
        tpu.vector_store %arg6[%swap3A_674, %swap3A_675, %swap3A_676], %swap3A_679 {strides = array<i32>} : memref<2x640x64xf32, #tpu.memory_space<vmem>>, vector<1x1x16xf32>,
        %get3A_680 = arith.constant 1 : i32
        %get3A_681 = arith.index_cast %get3A_680 : i32 to index
        %get3A_682 = arith.index_cast %add3A_631 : i32 to index
        %get3A_683 = arith.constant 48 : index
        %get3A_684 = tpu.vector_load %arg6[%get3A_681, %get3A_682, %get3A_683] {strides = array<i32>} : memref<2x640x64xf32, #tpu.memory_space<vmem>>, vector<1x1x16xf32>,
        %get3A_685 = vector.shape_cast %get3A_684 : vector<1x1x16xf32> to vector<16xf32>
        %mul3A_686 = arith.constant 8.000000e+00 : f32
        %mul3A_687 = vector.broadcast %mul3A_686 : f32 to vector<16xf32>
        %mul3A_688 = arith.mulf %get3A_685, %mul3A_687 : vector<16xf32>
        %swap3A_689 = arith.constant 1 : i32
        %swap3A_690 = arith.index_cast %swap3A_689 : i32 to index
        %swap3A_691 = arith.index_cast %add3A_631 : i32 to index
        %swap3A_692 = arith.constant 48 : index
        %swap3A_693 = tpu.vector_load %arg6[%swap3A_690, %swap3A_691, %swap3A_692] {strides = array<i32>} : memref<2x640x64xf32, #tpu.memory_space<vmem>>, vector<1x1x16xf32>,
        %swap3A_694 = vector.shape_cast %swap3A_693 : vector<1x1x16xf32> to vector<16xf32>
        %swap3A_695 = vector.shape_cast %mul3A_688 : vector<16xf32> to vector<1x1x16xf32>
        tpu.vector_store %arg6[%swap3A_690, %swap3A_691, %swap3A_692], %swap3A_695 {strides = array<i32>} : memref<2x640x64xf32, #tpu.memory_space<vmem>>, vector<1x1x16xf32>,
        %mul3A_696 = arith.constant 8 : i32
        %mul3A_697 = arith.muli %scan3A_561, %mul3A_696 : i32
        %add3A_698 = arith.constant 2 : i32
        %add3A_699 = arith.addi %mul3A_697, %add3A_698 : i32
        %get3A_700 = arith.constant 1 : i32
        %get3A_701 = arith.index_cast %get3A_700 : i32 to index
        %get3A_702 = arith.index_cast %add3A_699 : i32 to index
        %get3A_703 = arith.constant 0 : index
        %get3A_704 = tpu.vector_load %arg6[%get3A_701, %get3A_702, %get3A_703] {strides = array<i32>} : memref<2x640x64xf32, #tpu.memory_space<vmem>>, vector<1x1x16xf32>,
        %get3A_705 = vector.shape_cast %get3A_704 : vector<1x1x16xf32> to vector<16xf32>
        %mul3A_706 = arith.constant 8.000000e+00 : f32
        %mul3A_707 = vector.broadcast %mul3A_706 : f32 to vector<16xf32>
        %mul3A_708 = arith.mulf %get3A_705, %mul3A_707 : vector<16xf32>
        %swap3A_709 = arith.constant 1 : i32
        %swap3A_710 = arith.index_cast %swap3A_709 : i32 to index
        %swap3A_711 = arith.index_cast %add3A_699 : i32 to index
        %swap3A_712 = arith.constant 0 : index
        %swap3A_713 = tpu.vector_load %arg6[%swap3A_710, %swap3A_711, %swap3A_712] {strides = array<i32>} : memref<2x640x64xf32, #tpu.memory_space<vmem>>, vector<1x1x16xf32>,
        %swap3A_714 = vector.shape_cast %swap3A_713 : vector<1x1x16xf32> to vector<16xf32>
        %swap3A_715 = vector.shape_cast %mul3A_708 : vector<16xf32> to vector<1x1x16xf32>
        tpu.vector_store %arg6[%swap3A_710, %swap3A_711, %swap3A_712], %swap3A_715 {strides = array<i32>} : memref<2x640x64xf32, #tpu.memory_space<vmem>>, vector<1x1x16xf32>,
        %get3A_716 = arith.constant 1 : i32
        %get3A_717 = arith.index_cast %get3A_716 : i32 to index
        %get3A_718 = arith.index_cast %add3A_699 : i32 to index
        %get3A_719 = arith.constant 16 : index
        %get3A_720 = tpu.vector_load %arg6[%get3A_717, %get3A_718, %get3A_719] {strides = array<i32>} : memref<2x640x64xf32, #tpu.memory_space<vmem>>, vector<1x1x16xf32>,
        %get3A_721 = vector.shape_cast %get3A_720 : vector<1x1x16xf32> to vector<16xf32>
        %mul3A_722 = arith.constant 8.000000e+00 : f32
        %mul3A_723 = vector.broadcast %mul3A_722 : f32 to vector<16xf32>
        %mul3A_724 = arith.mulf %get3A_721, %mul3A_723 : vector<16xf32>
        %swap3A_725 = arith.constant 1 : i32
        %swap3A_726 = arith.index_cast %swap3A_725 : i32 to index
        %swap3A_727 = arith.index_cast %add3A_699 : i32 to index
        %swap3A_728 = arith.constant 16 : index
        %swap3A_729 = tpu.vector_load %arg6[%swap3A_726, %swap3A_727, %swap3A_728] {strides = array<i32>} : memref<2x640x64xf32, #tpu.memory_space<vmem>>, vector<1x1x16xf32>,
        %swap3A_730 = vector.shape_cast %swap3A_729 : vector<1x1x16xf32> to vector<16xf32>
        %swap3A_731 = vector.shape_cast %mul3A_724 : vector<16xf32> to vector<1x1x16xf32>
        tpu.vector_store %arg6[%swap3A_726, %swap3A_727, %swap3A_728], %swap3A_731 {strides = array<i32>} : memref<2x640x64xf32, #tpu.memory_space<vmem>>, vector<1x1x16xf32>,
        %get3A_732 = arith.constant 1 : i32
        %get3A_733 = arith.index_cast %get3A_732 : i32 to index
        %get3A_734 = arith.index_cast %add3A_699 : i32 to index
        %get3A_735 = arith.constant 32 : index
        %get3A_736 = tpu.vector_load %arg6[%get3A_733, %get3A_734, %get3A_735] {strides = array<i32>} : memref<2x640x64xf32, #tpu.memory_space<vmem>>, vector<1x1x16xf32>,
        %get3A_737 = vector.shape_cast %get3A_736 : vector<1x1x16xf32> to vector<16xf32>
        %mul3A_738 = arith.constant 8.000000e+00 : f32
        %mul3A_739 = vector.broadcast %mul3A_738 : f32 to vector<16xf32>
        %mul3A_740 = arith.mulf %get3A_737, %mul3A_739 : vector<16xf32>
        %swap3A_741 = arith.constant 1 : i32
        %swap3A_742 = arith.index_cast %swap3A_741 : i32 to index
        %swap3A_743 = arith.index_cast %add3A_699 : i32 to index
        %swap3A_744 = arith.constant 32 : index
        %swap3A_745 = tpu.vector_load %arg6[%swap3A_742, %swap3A_743, %swap3A_744] {strides = array<i32>} : memref<2x640x64xf32, #tpu.memory_space<vmem>>, vector<1x1x16xf32>,
        %swap3A_746 = vector.shape_cast %swap3A_745 : vector<1x1x16xf32> to vector<16xf32>
        %swap3A_747 = vector.shape_cast %mul3A_740 : vector<16xf32> to vector<1x1x16xf32>
        tpu.vector_store %arg6[%swap3A_742, %swap3A_743, %swap3A_744], %swap3A_747 {strides = array<i32>} : memref<2x640x64xf32, #tpu.memory_space<vmem>>, vector<1x1x16xf32>,
        %get3A_748 = arith.constant 1 : i32
        %get3A_749 = arith.index_cast %get3A_748 : i32 to index
        %get3A_750 = arith.index_cast %add3A_699 : i32 to index
        %get3A_751 = arith.constant 48 : index
        %get3A_752 = tpu.vector_load %arg6[%get3A_749, %get3A_750, %get3A_751] {strides = array<i32>} : memref<2x640x64xf32, #tpu.memory_space<vmem>>, vector<1x1x16xf32>,
        %get3A_753 = vector.shape_cast %get3A_752 : vector<1x1x16xf32> to vector<16xf32>
        %mul3A_754 = arith.constant 8.000000e+00 : f32
        %mul3A_755 = vector.broadcast %mul3A_754 : f32 to vector<16xf32>
        %mul3A_756 = arith.mulf %get3A_753, %mul3A_755 : vector<16xf32>
        %swap3A_757 = arith.constant 1 : i32
        %swap3A_758 = arith.index_cast %swap3A_757 : i32 to index
        %swap3A_759 = arith.index_cast %add3A_699 : i32 to index
        %swap3A_760 = arith.constant 48 : index
        %swap3A_761 = tpu.vector_load %arg6[%swap3A_758, %swap3A_759, %swap3A_760] {strides = array<i32>} : memref<2x640x64xf32, #tpu.memory_space<vmem>>, vector<1x1x16xf32>,
        %swap3A_762 = vector.shape_cast %swap3A_761 : vector<1x1x16xf32> to vector<16xf32>
        %swap3A_763 = vector.shape_cast %mul3A_756 : vector<16xf32> to vector<1x1x16xf32>
        tpu.vector_store %arg6[%swap3A_758, %swap3A_759, %swap3A_760], %swap3A_763 {strides = array<i32>} : memref<2x640x64xf32, #tpu.memory_space<vmem>>, vector<1x1x16xf32>,
        %mul3A_764 = arith.constant 8 : i32
        %mul3A_765 = arith.muli %scan3A_561, %mul3A_764 : i32
        %add3A_766 = arith.constant 3 : i32
        %add3A_767 = arith.addi %mul3A_765, %add3A_766 : i32
        %get3A_768 = arith.constant 1 : i32
        %get3A_769 = arith.index_cast %get3A_768 : i32 to index
        %get3A_770 = arith.index_cast %add3A_767 : i32 to index
        %get3A_771 = arith.constant 0 : index
        %get3A_772 = tpu.vector_load %arg6[%get3A_769, %get3A_770, %get3A_771] {strides = array<i32>} : memref<2x640x64xf32, #tpu.memory_space<vmem>>, vector<1x1x16xf32>,
        %get3A_773 = vector.shape_cast %get3A_772 : vector<1x1x16xf32> to vector<16xf32>
        %mul3A_774 = arith.constant 8.000000e+00 : f32
        %mul3A_775 = vector.broadcast %mul3A_774 : f32 to vector<16xf32>
        %mul3A_776 = arith.mulf %get3A_773, %mul3A_775 : vector<16xf32>
        %swap3A_777 = arith.constant 1 : i32
        %swap3A_778 = arith.index_cast %swap3A_777 : i32 to index
        %swap3A_779 = arith.index_cast %add3A_767 : i32 to index
        %swap3A_780 = arith.constant 0 : index
        %swap3A_781 = tpu.vector_load %arg6[%swap3A_778, %swap3A_779, %swap3A_780] {strides = array<i32>} : memref<2x640x64xf32, #tpu.memory_space<vmem>>, vector<1x1x16xf32>,
        %swap3A_782 = vector.shape_cast %swap3A_781 : vector<1x1x16xf32> to vector<16xf32>
        %swap3A_783 = vector.shape_cast %mul3A_776 : vector<16xf32> to vector<1x1x16xf32>
        tpu.vector_store %arg6[%swap3A_778, %swap3A_779, %swap3A_780], %swap3A_783 {strides = array<i32>} : memref<2x640x64xf32, #tpu.memory_space<vmem>>, vector<1x1x16xf32>,
        %get3A_784 = arith.constant 1 : i32
        %get3A_785 = arith.index_cast %get3A_784 : i32 to index
        %get3A_786 = arith.index_cast %add3A_767 : i32 to index
        %get3A_787 = arith.constant 16 : index
        %get3A_788 = tpu.vector_load %arg6[%get3A_785, %get3A_786, %get3A_787] {strides = array<i32>} : memref<2x640x64xf32, #tpu.memory_space<vmem>>, vector<1x1x16xf32>,
        %get3A_789 = vector.shape_cast %get3A_788 : vector<1x1x16xf32> to vector<16xf32>
        %mul3A_790 = arith.constant 8.000000e+00 : f32
        %mul3A_791 = vector.broadcast %mul3A_790 : f32 to vector<16xf32>
        %mul3A_792 = arith.mulf %get3A_789, %mul3A_791 : vector<16xf32>
        %swap3A_793 = arith.constant 1 : i32
        %swap3A_794 = arith.index_cast %swap3A_793 : i32 to index
        %swap3A_795 = arith.index_cast %add3A_767 : i32 to index
        %swap3A_796 = arith.constant 16 : index
        %swap3A_797 = tpu.vector_load %arg6[%swap3A_794, %swap3A_795, %swap3A_796] {strides = array<i32>} : memref<2x640x64xf32, #tpu.memory_space<vmem>>, vector<1x1x16xf32>,
        %swap3A_798 = vector.shape_cast %swap3A_797 : vector<1x1x16xf32> to vector<16xf32>
        %swap3A_799 = vector.shape_cast %mul3A_792 : vector<16xf32> to vector<1x1x16xf32>
        tpu.vector_store %arg6[%swap3A_794, %swap3A_795, %swap3A_796], %swap3A_799 {strides = array<i32>} : memref<2x640x64xf32, #tpu.memory_space<vmem>>, vector<1x1x16xf32>,
        %get3A_800 = arith.constant 1 : i32
        %get3A_801 = arith.index_cast %get3A_800 : i32 to index
        %get3A_802 = arith.index_cast %add3A_767 : i32 to index
        %get3A_803 = arith.constant 32 : index
        %get3A_804 = tpu.vector_load %arg6[%get3A_801, %get3A_802, %get3A_803] {strides = array<i32>} : memref<2x640x64xf32, #tpu.memory_space<vmem>>, vector<1x1x16xf32>,
        %get3A_805 = vector.shape_cast %get3A_804 : vector<1x1x16xf32> to vector<16xf32>
        %mul3A_806 = arith.constant 8.000000e+00 : f32
        %mul3A_807 = vector.broadcast %mul3A_806 : f32 to vector<16xf32>
        %mul3A_808 = arith.mulf %get3A_805, %mul3A_807 : vector<16xf32>
        %swap3A_809 = arith.constant 1 : i32
        %swap3A_810 = arith.index_cast %swap3A_809 : i32 to index
        %swap3A_811 = arith.index_cast %add3A_767 : i32 to index
        %swap3A_812 = arith.constant 32 : index
        %swap3A_813 = tpu.vector_load %arg6[%swap3A_810, %swap3A_811, %swap3A_812] {strides = array<i32>} : memref<2x640x64xf32, #tpu.memory_space<vmem>>, vector<1x1x16xf32>,
        %swap3A_814 = vector.shape_cast %swap3A_813 : vector<1x1x16xf32> to vector<16xf32>
        %swap3A_815 = vector.shape_cast %mul3A_808 : vector<16xf32> to vector<1x1x16xf32>
        tpu.vector_store %arg6[%swap3A_810, %swap3A_811, %swap3A_812], %swap3A_815 {strides = array<i32>} : memref<2x640x64xf32, #tpu.memory_space<vmem>>, vector<1x1x16xf32>,
        %get3A_816 = arith.constant 1 : i32
        %get3A_817 = arith.index_cast %get3A_816 : i32 to index
        %get3A_818 = arith.index_cast %add3A_767 : i32 to index
        %get3A_819 = arith.constant 48 : index
        %get3A_820 = tpu.vector_load %arg6[%get3A_817, %get3A_818, %get3A_819] {strides = array<i32>} : memref<2x640x64xf32, #tpu.memory_space<vmem>>, vector<1x1x16xf32>,
        %get3A_821 = vector.shape_cast %get3A_820 : vector<1x1x16xf32> to vector<16xf32>
        %mul3A_822 = arith.constant 8.000000e+00 : f32
        %mul3A_823 = vector.broadcast %mul3A_822 : f32 to vector<16xf32>
        %mul3A_824 = arith.mulf %get3A_821, %mul3A_823 : vector<16xf32>
        %swap3A_825 = arith.constant 1 : i32
        %swap3A_826 = arith.index_cast %swap3A_825 : i32 to index
        %swap3A_827 = arith.index_cast %add3A_767 : i32 to index
        %swap3A_828 = arith.constant 48 : index
        %swap3A_829 = tpu.vector_load %arg6[%swap3A_826, %swap3A_827, %swap3A_828] {strides = array<i32>} : memref<2x640x64xf32, #tpu.memory_space<vmem>>, vector<1x1x16xf32>,
        %swap3A_830 = vector.shape_cast %swap3A_829 : vector<1x1x16xf32> to vector<16xf32>
        %swap3A_831 = vector.shape_cast %mul3A_824 : vector<16xf32> to vector<1x1x16xf32>
        tpu.vector_store %arg6[%swap3A_826, %swap3A_827, %swap3A_828], %swap3A_831 {strides = array<i32>} : memref<2x640x64xf32, #tpu.memory_space<vmem>>, vector<1x1x16xf32>,
        %mul3A_832 = arith.constant 8 : i32
        %mul3A_833 = arith.muli %scan3A_561, %mul3A_832 : i32
        %add3A_834 = arith.constant 4 : i32
        %add3A_835 = arith.addi %mul3A_833, %add3A_834 : i32
        %get3A_836 = arith.constant 1 : i32
        %get3A_837 = arith.index_cast %get3A_836 : i32 to index
        %get3A_838 = arith.index_cast %add3A_835 : i32 to index
        %get3A_839 = arith.constant 0 : index
        %get3A_840 = tpu.vector_load %arg6[%get3A_837, %get3A_838, %get3A_839] {strides = array<i32>} : memref<2x640x64xf32, #tpu.memory_space<vmem>>, vector<1x1x16xf32>,
        %get3A_841 = vector.shape_cast %get3A_840 : vector<1x1x16xf32> to vector<16xf32>
        %mul3A_842 = arith.constant 8.000000e+00 : f32
        %mul3A_843 = vector.broadcast %mul3A_842 : f32 to vector<16xf32>
        %mul3A_844 = arith.mulf %get3A_841, %mul3A_843 : vector<16xf32>
        %swap3A_845 = arith.constant 1 : i32
        %swap3A_846 = arith.index_cast %swap3A_845 : i32 to index
        %swap3A_847 = arith.index_cast %add3A_835 : i32 to index
        %swap3A_848 = arith.constant 0 : index
        %swap3A_849 = tpu.vector_load %arg6[%swap3A_846, %swap3A_847, %swap3A_848] {strides = array<i32>} : memref<2x640x64xf32, #tpu.memory_space<vmem>>, vector<1x1x16xf32>,
        %swap3A_850 = vector.shape_cast %swap3A_849 : vector<1x1x16xf32> to vector<16xf32>
        %swap3A_851 = vector.shape_cast %mul3A_844 : vector<16xf32> to vector<1x1x16xf32>
        tpu.vector_store %arg6[%swap3A_846, %swap3A_847, %swap3A_848], %swap3A_851 {strides = array<i32>} : memref<2x640x64xf32, #tpu.memory_space<vmem>>, vector<1x1x16xf32>,
        %get3A_852 = arith.constant 1 : i32
        %get3A_853 = arith.index_cast %get3A_852 : i32 to index
        %get3A_854 = arith.index_cast %add3A_835 : i32 to index
        %get3A_855 = arith.constant 16 : index
        %get3A_856 = tpu.vector_load %arg6[%get3A_853, %get3A_854, %get3A_855] {strides = array<i32>} : memref<2x640x64xf32, #tpu.memory_space<vmem>>, vector<1x1x16xf32>,
        %get3A_857 = vector.shape_cast %get3A_856 : vector<1x1x16xf32> to vector<16xf32>
        %mul3A_858 = arith.constant 8.000000e+00 : f32
        %mul3A_859 = vector.broadcast %mul3A_858 : f32 to vector<16xf32>
        %mul3A_860 = arith.mulf %get3A_857, %mul3A_859 : vector<16xf32>
        %swap3A_861 = arith.constant 1 : i32
        %swap3A_862 = arith.index_cast %swap3A_861 : i32 to index
        %swap3A_863 = arith.index_cast %add3A_835 : i32 to index
        %swap3A_864 = arith.constant 16 : index
        %swap3A_865 = tpu.vector_load %arg6[%swap3A_862, %swap3A_863, %swap3A_864] {strides = array<i32>} : memref<2x640x64xf32, #tpu.memory_space<vmem>>, vector<1x1x16xf32>,
        %swap3A_866 = vector.shape_cast %swap3A_865 : vector<1x1x16xf32> to vector<16xf32>
        %swap3A_867 = vector.shape_cast %mul3A_860 : vector<16xf32> to vector<1x1x16xf32>
        tpu.vector_store %arg6[%swap3A_862, %swap3A_863, %swap3A_864], %swap3A_867 {strides = array<i32>} : memref<2x640x64xf32, #tpu.memory_space<vmem>>, vector<1x1x16xf32>,
        %get3A_868 = arith.constant 1 : i32
        %get3A_869 = arith.index_cast %get3A_868 : i32 to index
        %get3A_870 = arith.index_cast %add3A_835 : i32 to index
        %get3A_871 = arith.constant 32 : index
        %get3A_872 = tpu.vector_load %arg6[%get3A_869, %get3A_870, %get3A_871] {strides = array<i32>} : memref<2x640x64xf32, #tpu.memory_space<vmem>>, vector<1x1x16xf32>,
        %get3A_873 = vector.shape_cast %get3A_872 : vector<1x1x16xf32> to vector<16xf32>
        %mul3A_874 = arith.constant 8.000000e+00 : f32
        %mul3A_875 = vector.broadcast %mul3A_874 : f32 to vector<16xf32>
        %mul3A_876 = arith.mulf %get3A_873, %mul3A_875 : vector<16xf32>
        %swap3A_877 = arith.constant 1 : i32
        %swap3A_878 = arith.index_cast %swap3A_877 : i32 to index
        %swap3A_879 = arith.index_cast %add3A_835 : i32 to index
        %swap3A_880 = arith.constant 32 : index
        %swap3A_881 = tpu.vector_load %arg6[%swap3A_878, %swap3A_879, %swap3A_880] {strides = array<i32>} : memref<2x640x64xf32, #tpu.memory_space<vmem>>, vector<1x1x16xf32>,
        %swap3A_882 = vector.shape_cast %swap3A_881 : vector<1x1x16xf32> to vector<16xf32>
        %swap3A_883 = vector.shape_cast %mul3A_876 : vector<16xf32> to vector<1x1x16xf32>
        tpu.vector_store %arg6[%swap3A_878, %swap3A_879, %swap3A_880], %swap3A_883 {strides = array<i32>} : memref<2x640x64xf32, #tpu.memory_space<vmem>>, vector<1x1x16xf32>,
        %get3A_884 = arith.constant 1 : i32
        %get3A_885 = arith.index_cast %get3A_884 : i32 to index
        %get3A_886 = arith.index_cast %add3A_835 : i32 to index
        %get3A_887 = arith.constant 48 : index
        %get3A_888 = tpu.vector_load %arg6[%get3A_885, %get3A_886, %get3A_887] {strides = array<i32>} : memref<2x640x64xf32, #tpu.memory_space<vmem>>, vector<1x1x16xf32>,
        %get3A_889 = vector.shape_cast %get3A_888 : vector<1x1x16xf32> to vector<16xf32>
        %mul3A_890 = arith.constant 8.000000e+00 : f32
        %mul3A_891 = vector.broadcast %mul3A_890 : f32 to vector<16xf32>
        %mul3A_892 = arith.mulf %get3A_889, %mul3A_891 : vector<16xf32>
        %swap3A_893 = arith.constant 1 : i32
        %swap3A_894 = arith.index_cast %swap3A_893 : i32 to index
        %swap3A_895 = arith.index_cast %add3A_835 : i32 to index
        %swap3A_896 = arith.constant 48 : index
        %swap3A_897 = tpu.vector_load %arg6[%swap3A_894, %swap3A_895, %swap3A_896] {strides = array<i32>} : memref<2x640x64xf32, #tpu.memory_space<vmem>>, vector<1x1x16xf32>,
        %swap3A_898 = vector.shape_cast %swap3A_897 : vector<1x1x16xf32> to vector<16xf32>
        %swap3A_899 = vector.shape_cast %mul3A_892 : vector<16xf32> to vector<1x1x16xf32>
        tpu.vector_store %arg6[%swap3A_894, %swap3A_895, %swap3A_896], %swap3A_899 {strides = array<i32>} : memref<2x640x64xf32, #tpu.memory_space<vmem>>, vector<1x1x16xf32>,
        %mul3A_900 = arith.constant 8 : i32
        %mul3A_901 = arith.muli %scan3A_561, %mul3A_900 : i32
        %add3A_902 = arith.constant 5 : i32
        %add3A_903 = arith.addi %mul3A_901, %add3A_902 : i32
        %get3A_904 = arith.constant 1 : i32
        %get3A_905 = arith.index_cast %get3A_904 : i32 to index
        %get3A_906 = arith.index_cast %add3A_903 : i32 to index
        %get3A_907 = arith.constant 0 : index
        %get3A_908 = tpu.vector_load %arg6[%get3A_905, %get3A_906, %get3A_907] {strides = array<i32>} : memref<2x640x64xf32, #tpu.memory_space<vmem>>, vector<1x1x16xf32>,
        %get3A_909 = vector.shape_cast %get3A_908 : vector<1x1x16xf32> to vector<16xf32>
        %mul3A_910 = arith.constant 8.000000e+00 : f32
        %mul3A_911 = vector.broadcast %mul3A_910 : f32 to vector<16xf32>
        %mul3A_912 = arith.mulf %get3A_909, %mul3A_911 : vector<16xf32>
        %swap3A_913 = arith.constant 1 : i32
        %swap3A_914 = arith.index_cast %swap3A_913 : i32 to index
        %swap3A_915 = arith.index_cast %add3A_903 : i32 to index
        %swap3A_916 = arith.constant 0 : index
        %swap3A_917 = tpu.vector_load %arg6[%swap3A_914, %swap3A_915, %swap3A_916] {strides = array<i32>} : memref<2x640x64xf32, #tpu.memory_space<vmem>>, vector<1x1x16xf32>,
        %swap3A_918 = vector.shape_cast %swap3A_917 : vector<1x1x16xf32> to vector<16xf32>
        %swap3A_919 = vector.shape_cast %mul3A_912 : vector<16xf32> to vector<1x1x16xf32>
        tpu.vector_store %arg6[%swap3A_914, %swap3A_915, %swap3A_916], %swap3A_919 {strides = array<i32>} : memref<2x640x64xf32, #tpu.memory_space<vmem>>, vector<1x1x16xf32>,
        %get3A_920 = arith.constant 1 : i32
        %get3A_921 = arith.index_cast %get3A_920 : i32 to index
        %get3A_922 = arith.index_cast %add3A_903 : i32 to index
        %get3A_923 = arith.constant 16 : index
        %get3A_924 = tpu.vector_load %arg6[%get3A_921, %get3A_922, %get3A_923] {strides = array<i32>} : memref<2x640x64xf32, #tpu.memory_space<vmem>>, vector<1x1x16xf32>,
        %get3A_925 = vector.shape_cast %get3A_924 : vector<1x1x16xf32> to vector<16xf32>
        %mul3A_926 = arith.constant 8.000000e+00 : f32
        %mul3A_927 = vector.broadcast %mul3A_926 : f32 to vector<16xf32>
        %mul3A_928 = arith.mulf %get3A_925, %mul3A_927 : vector<16xf32>
        %swap3A_929 = arith.constant 1 : i32
        %swap3A_930 = arith.index_cast %swap3A_929 : i32 to index
        %swap3A_931 = arith.index_cast %add3A_903 : i32 to index
        %swap3A_932 = arith.constant 16 : index
        %swap3A_933 = tpu.vector_load %arg6[%swap3A_930, %swap3A_931, %swap3A_932] {strides = array<i32>} : memref<2x640x64xf32, #tpu.memory_space<vmem>>, vector<1x1x16xf32>,
        %swap3A_934 = vector.shape_cast %swap3A_933 : vector<1x1x16xf32> to vector<16xf32>
        %swap3A_935 = vector.shape_cast %mul3A_928 : vector<16xf32> to vector<1x1x16xf32>
        tpu.vector_store %arg6[%swap3A_930, %swap3A_931, %swap3A_932], %swap3A_935 {strides = array<i32>} : memref<2x640x64xf32, #tpu.memory_space<vmem>>, vector<1x1x16xf32>,
        %get3A_936 = arith.constant 1 : i32
        %get3A_937 = arith.index_cast %get3A_936 : i32 to index
        %get3A_938 = arith.index_cast %add3A_903 : i32 to index
        %get3A_939 = arith.constant 32 : index
        %get3A_940 = tpu.vector_load %arg6[%get3A_937, %get3A_938, %get3A_939] {strides = array<i32>} : memref<2x640x64xf32, #tpu.memory_space<vmem>>, vector<1x1x16xf32>,
        %get3A_941 = vector.shape_cast %get3A_940 : vector<1x1x16xf32> to vector<16xf32>
        %mul3A_942 = arith.constant 8.000000e+00 : f32
        %mul3A_943 = vector.broadcast %mul3A_942 : f32 to vector<16xf32>
        %mul3A_944 = arith.mulf %get3A_941, %mul3A_943 : vector<16xf32>
        %swap3A_945 = arith.constant 1 : i32
        %swap3A_946 = arith.index_cast %swap3A_945 : i32 to index
        %swap3A_947 = arith.index_cast %add3A_903 : i32 to index
        %swap3A_948 = arith.constant 32 : index
        %swap3A_949 = tpu.vector_load %arg6[%swap3A_946, %swap3A_947, %swap3A_948] {strides = array<i32>} : memref<2x640x64xf32, #tpu.memory_space<vmem>>, vector<1x1x16xf32>,
        %swap3A_950 = vector.shape_cast %swap3A_949 : vector<1x1x16xf32> to vector<16xf32>
        %swap3A_951 = vector.shape_cast %mul3A_944 : vector<16xf32> to vector<1x1x16xf32>
        tpu.vector_store %arg6[%swap3A_946, %swap3A_947, %swap3A_948], %swap3A_951 {strides = array<i32>} : memref<2x640x64xf32, #tpu.memory_space<vmem>>, vector<1x1x16xf32>,
        %get3A_952 = arith.constant 1 : i32
        %get3A_953 = arith.index_cast %get3A_952 : i32 to index
        %get3A_954 = arith.index_cast %add3A_903 : i32 to index
        %get3A_955 = arith.constant 48 : index
        %get3A_956 = tpu.vector_load %arg6[%get3A_953, %get3A_954, %get3A_955] {strides = array<i32>} : memref<2x640x64xf32, #tpu.memory_space<vmem>>, vector<1x1x16xf32>,
        %get3A_957 = vector.shape_cast %get3A_956 : vector<1x1x16xf32> to vector<16xf32>
        %mul3A_958 = arith.constant 8.000000e+00 : f32
        %mul3A_959 = vector.broadcast %mul3A_958 : f32 to vector<16xf32>
        %mul3A_960 = arith.mulf %get3A_957, %mul3A_959 : vector<16xf32>
        %swap3A_961 = arith.constant 1 : i32
        %swap3A_962 = arith.index_cast %swap3A_961 : i32 to index
        %swap3A_963 = arith.index_cast %add3A_903 : i32 to index
        %swap3A_964 = arith.constant 48 : index
        %swap3A_965 = tpu.vector_load %arg6[%swap3A_962, %swap3A_963, %swap3A_964] {strides = array<i32>} : memref<2x640x64xf32, #tpu.memory_space<vmem>>, vector<1x1x16xf32>,
        %swap3A_966 = vector.shape_cast %swap3A_965 : vector<1x1x16xf32> to vector<16xf32>
        %swap3A_967 = vector.shape_cast %mul3A_960 : vector<16xf32> to vector<1x1x16xf32>
        tpu.vector_store %arg6[%swap3A_962, %swap3A_963, %swap3A_964], %swap3A_967 {strides = array<i32>} : memref<2x640x64xf32, #tpu.memory_space<vmem>>, vector<1x1x16xf32>,
        %mul3A_968 = arith.constant 8 : i32
        %mul3A_969 = arith.muli %scan3A_561, %mul3A_968 : i32
        %add3A_970 = arith.constant 6 : i32
        %add3A_971 = arith.addi %mul3A_969, %add3A_970 : i32
        %get3A_972 = arith.constant 1 : i32
        %get3A_973 = arith.index_cast %get3A_972 : i32 to index
        %get3A_974 = arith.index_cast %add3A_971 : i32 to index
        %get3A_975 = arith.constant 0 : index
        %get3A_976 = tpu.vector_load %arg6[%get3A_973, %get3A_974, %get3A_975] {strides = array<i32>} : memref<2x640x64xf32, #tpu.memory_space<vmem>>, vector<1x1x16xf32>,
        %get3A_977 = vector.shape_cast %get3A_976 : vector<1x1x16xf32> to vector<16xf32>
        %mul3A_978 = arith.constant 8.000000e+00 : f32
        %mul3A_979 = vector.broadcast %mul3A_978 : f32 to vector<16xf32>
        %mul3A_980 = arith.mulf %get3A_977, %mul3A_979 : vector<16xf32>
        %swap3A_981 = arith.constant 1 : i32
        %swap3A_982 = arith.index_cast %swap3A_981 : i32 to index
        %swap3A_983 = arith.index_cast %add3A_971 : i32 to index
        %swap3A_984 = arith.constant 0 : index
        %swap3A_985 = tpu.vector_load %arg6[%swap3A_982, %swap3A_983, %swap3A_984] {strides = array<i32>} : memref<2x640x64xf32, #tpu.memory_space<vmem>>, vector<1x1x16xf32>,
        %swap3A_986 = vector.shape_cast %swap3A_985 : vector<1x1x16xf32> to vector<16xf32>
        %swap3A_987 = vector.shape_cast %mul3A_980 : vector<16xf32> to vector<1x1x16xf32>
        tpu.vector_store %arg6[%swap3A_982, %swap3A_983, %swap3A_984], %swap3A_987 {strides = array<i32>} : memref<2x640x64xf32, #tpu.memory_space<vmem>>, vector<1x1x16xf32>,
        %get3A_988 = arith.constant 1 : i32
        %get3A_989 = arith.index_cast %get3A_988 : i32 to index
        %get3A_990 = arith.index_cast %add3A_971 : i32 to index
        %get3A_991 = arith.constant 16 : index
        %get3A_992 = tpu.vector_load %arg6[%get3A_989, %get3A_990, %get3A_991] {strides = array<i32>} : memref<2x640x64xf32, #tpu.memory_space<vmem>>, vector<1x1x16xf32>,
        %get3A_993 = vector.shape_cast %get3A_992 : vector<1x1x16xf32> to vector<16xf32>
        %mul3A_994 = arith.constant 8.000000e+00 : f32
        %mul3A_995 = vector.broadcast %mul3A_994 : f32 to vector<16xf32>
        %mul3A_996 = arith.mulf %get3A_993, %mul3A_995 : vector<16xf32>
        %swap3A_997 = arith.constant 1 : i32
        %swap3A_998 = arith.index_cast %swap3A_997 : i32 to index
        %swap3A_999 = arith.index_cast %add3A_971 : i32 to index
        %swap3A_1000 = arith.constant 16 : index
        %swap3A_1001 = tpu.vector_load %arg6[%swap3A_998, %swap3A_999, %swap3A_1000] {strides = array<i32>} : memref<2x640x64xf32, #tpu.memory_space<vmem>>, vector<1x1x16xf32>,
        %swap3A_1002 = vector.shape_cast %swap3A_1001 : vector<1x1x16xf32> to vector<16xf32>
        %swap3A_1003 = vector.shape_cast %mul3A_996 : vector<16xf32> to vector<1x1x16xf32>
        tpu.vector_store %arg6[%swap3A_998, %swap3A_999, %swap3A_1000], %swap3A_1003 {strides = array<i32>} : memref<2x640x64xf32, #tpu.memory_space<vmem>>, vector<1x1x16xf32>,
        %get3A_1004 = arith.constant 1 : i32
        %get3A_1005 = arith.index_cast %get3A_1004 : i32 to index
        %get3A_1006 = arith.index_cast %add3A_971 : i32 to index
        %get3A_1007 = arith.constant 32 : index
        %get3A_1008 = tpu.vector_load %arg6[%get3A_1005, %get3A_1006, %get3A_1007] {strides = array<i32>} : memref<2x640x64xf32, #tpu.memory_space<vmem>>, vector<1x1x16xf32>,
        %get3A_1009 = vector.shape_cast %get3A_1008 : vector<1x1x16xf32> to vector<16xf32>
        %mul3A_1010 = arith.constant 8.000000e+00 : f32
        %mul3A_1011 = vector.broadcast %mul3A_1010 : f32 to vector<16xf32>
        %mul3A_1012 = arith.mulf %get3A_1009, %mul3A_1011 : vector<16xf32>
        %swap3A_1013 = arith.constant 1 : i32
        %swap3A_1014 = arith.index_cast %swap3A_1013 : i32 to index
        %swap3A_1015 = arith.index_cast %add3A_971 : i32 to index
        %swap3A_1016 = arith.constant 32 : index
        %swap3A_1017 = tpu.vector_load %arg6[%swap3A_1014, %swap3A_1015, %swap3A_1016] {strides = array<i32>} : memref<2x640x64xf32, #tpu.memory_space<vmem>>, vector<1x1x16xf32>,
        %swap3A_1018 = vector.shape_cast %swap3A_1017 : vector<1x1x16xf32> to vector<16xf32>
        %swap3A_1019 = vector.shape_cast %mul3A_1012 : vector<16xf32> to vector<1x1x16xf32>
        tpu.vector_store %arg6[%swap3A_1014, %swap3A_1015, %swap3A_1016], %swap3A_1019 {strides = array<i32>} : memref<2x640x64xf32, #tpu.memory_space<vmem>>, vector<1x1x16xf32>,
        %get3A_1020 = arith.constant 1 : i32
        %get3A_1021 = arith.index_cast %get3A_1020 : i32 to index
        %get3A_1022 = arith.index_cast %add3A_971 : i32 to index
        %get3A_1023 = arith.constant 48 : index
        %get3A_1024 = tpu.vector_load %arg6[%get3A_1021, %get3A_1022, %get3A_1023] {strides = array<i32>} : memref<2x640x64xf32, #tpu.memory_space<vmem>>, vector<1x1x16xf32>,
        %get3A_1025 = vector.shape_cast %get3A_1024 : vector<1x1x16xf32> to vector<16xf32>
        %mul3A_1026 = arith.constant 8.000000e+00 : f32
        %mul3A_1027 = vector.broadcast %mul3A_1026 : f32 to vector<16xf32>
        %mul3A_1028 = arith.mulf %get3A_1025, %mul3A_1027 : vector<16xf32>
        %swap3A_1029 = arith.constant 1 : i32
        %swap3A_1030 = arith.index_cast %swap3A_1029 : i32 to index
        %swap3A_1031 = arith.index_cast %add3A_971 : i32 to index
        %swap3A_1032 = arith.constant 48 : index
        %swap3A_1033 = tpu.vector_load %arg6[%swap3A_1030, %swap3A_1031, %swap3A_1032] {strides = array<i32>} : memref<2x640x64xf32, #tpu.memory_space<vmem>>, vector<1x1x16xf32>,
        %swap3A_1034 = vector.shape_cast %swap3A_1033 : vector<1x1x16xf32> to vector<16xf32>
        %swap3A_1035 = vector.shape_cast %mul3A_1028 : vector<16xf32> to vector<1x1x16xf32>
        tpu.vector_store %arg6[%swap3A_1030, %swap3A_1031, %swap3A_1032], %swap3A_1035 {strides = array<i32>} : memref<2x640x64xf32, #tpu.memory_space<vmem>>, vector<1x1x16xf32>,
        %mul3A_1036 = arith.constant 8 : i32
        %mul3A_1037 = arith.muli %scan3A_561, %mul3A_1036 : i32
        %add3A_1038 = arith.constant 7 : i32
        %add3A_1039 = arith.addi %mul3A_1037, %add3A_1038 : i32
        %get3A_1040 = arith.constant 1 : i32
        %get3A_1041 = arith.index_cast %get3A_1040 : i32 to index
        %get3A_1042 = arith.index_cast %add3A_1039 : i32 to index
        %get3A_1043 = arith.constant 0 : index
        %get3A_1044 = tpu.vector_load %arg6[%get3A_1041, %get3A_1042, %get3A_1043] {strides = array<i32>} : memref<2x640x64xf32, #tpu.memory_space<vmem>>, vector<1x1x16xf32>,
        %get3A_1045 = vector.shape_cast %get3A_1044 : vector<1x1x16xf32> to vector<16xf32>
        %mul3A_1046 = arith.constant 8.000000e+00 : f32
        %mul3A_1047 = vector.broadcast %mul3A_1046 : f32 to vector<16xf32>
        %mul3A_1048 = arith.mulf %get3A_1045, %mul3A_1047 : vector<16xf32>
        %swap3A_1049 = arith.constant 1 : i32
        %swap3A_1050 = arith.index_cast %swap3A_1049 : i32 to index
        %swap3A_1051 = arith.index_cast %add3A_1039 : i32 to index
        %swap3A_1052 = arith.constant 0 : index
        %swap3A_1053 = tpu.vector_load %arg6[%swap3A_1050, %swap3A_1051, %swap3A_1052] {strides = array<i32>} : memref<2x640x64xf32, #tpu.memory_space<vmem>>, vector<1x1x16xf32>,
        %swap3A_1054 = vector.shape_cast %swap3A_1053 : vector<1x1x16xf32> to vector<16xf32>
        %swap3A_1055 = vector.shape_cast %mul3A_1048 : vector<16xf32> to vector<1x1x16xf32>
        tpu.vector_store %arg6[%swap3A_1050, %swap3A_1051, %swap3A_1052], %swap3A_1055 {strides = array<i32>} : memref<2x640x64xf32, #tpu.memory_space<vmem>>, vector<1x1x16xf32>,
        %get3A_1056 = arith.constant 1 : i32
        %get3A_1057 = arith.index_cast %get3A_1056 : i32 to index
        %get3A_1058 = arith.index_cast %add3A_1039 : i32 to index
        %get3A_1059 = arith.constant 16 : index
        %get3A_1060 = tpu.vector_load %arg6[%get3A_1057, %get3A_1058, %get3A_1059] {strides = array<i32>} : memref<2x640x64xf32, #tpu.memory_space<vmem>>, vector<1x1x16xf32>,
        %get3A_1061 = vector.shape_cast %get3A_1060 : vector<1x1x16xf32> to vector<16xf32>
        %mul3A_1062 = arith.constant 8.000000e+00 : f32
        %mul3A_1063 = vector.broadcast %mul3A_1062 : f32 to vector<16xf32>
        %mul3A_1064 = arith.mulf %get3A_1061, %mul3A_1063 : vector<16xf32>
        %swap3A_1065 = arith.constant 1 : i32
        %swap3A_1066 = arith.index_cast %swap3A_1065 : i32 to index
        %swap3A_1067 = arith.index_cast %add3A_1039 : i32 to index
        %swap3A_1068 = arith.constant 16 : index
        %swap3A_1069 = tpu.vector_load %arg6[%swap3A_1066, %swap3A_1067, %swap3A_1068] {strides = array<i32>} : memref<2x640x64xf32, #tpu.memory_space<vmem>>, vector<1x1x16xf32>,
        %swap3A_1070 = vector.shape_cast %swap3A_1069 : vector<1x1x16xf32> to vector<16xf32>
        %swap3A_1071 = vector.shape_cast %mul3A_1064 : vector<16xf32> to vector<1x1x16xf32>
        tpu.vector_store %arg6[%swap3A_1066, %swap3A_1067, %swap3A_1068], %swap3A_1071 {strides = array<i32>} : memref<2x640x64xf32, #tpu.memory_space<vmem>>, vector<1x1x16xf32>,
        %get3A_1072 = arith.constant 1 : i32
        %get3A_1073 = arith.index_cast %get3A_1072 : i32 to index
        %get3A_1074 = arith.index_cast %add3A_1039 : i32 to index
        %get3A_1075 = arith.constant 32 : index
        %get3A_1076 = tpu.vector_load %arg6[%get3A_1073, %get3A_1074, %get3A_1075] {strides = array<i32>} : memref<2x640x64xf32, #tpu.memory_space<vmem>>, vector<1x1x16xf32>,
        %get3A_1077 = vector.shape_cast %get3A_1076 : vector<1x1x16xf32> to vector<16xf32>
        %mul3A_1078 = arith.constant 8.000000e+00 : f32
        %mul3A_1079 = vector.broadcast %mul3A_1078 : f32 to vector<16xf32>
        %mul3A_1080 = arith.mulf %get3A_1077, %mul3A_1079 : vector<16xf32>
        %swap3A_1081 = arith.constant 1 : i32
        %swap3A_1082 = arith.index_cast %swap3A_1081 : i32 to index
        %swap3A_1083 = arith.index_cast %add3A_1039 : i32 to index
        %swap3A_1084 = arith.constant 32 : index
        %swap3A_1085 = tpu.vector_load %arg6[%swap3A_1082, %swap3A_1083, %swap3A_1084] {strides = array<i32>} : memref<2x640x64xf32, #tpu.memory_space<vmem>>, vector<1x1x16xf32>,
        %swap3A_1086 = vector.shape_cast %swap3A_1085 : vector<1x1x16xf32> to vector<16xf32>
        %swap3A_1087 = vector.shape_cast %mul3A_1080 : vector<16xf32> to vector<1x1x16xf32>
        tpu.vector_store %arg6[%swap3A_1082, %swap3A_1083, %swap3A_1084], %swap3A_1087 {strides = array<i32>} : memref<2x640x64xf32, #tpu.memory_space<vmem>>, vector<1x1x16xf32>,
        %get3A_1088 = arith.constant 1 : i32
        %get3A_1089 = arith.index_cast %get3A_1088 : i32 to index
        %get3A_1090 = arith.index_cast %add3A_1039 : i32 to index
        %get3A_1091 = arith.constant 48 : index
        %get3A_1092 = tpu.vector_load %arg6[%get3A_1089, %get3A_1090, %get3A_1091] {strides = array<i32>} : memref<2x640x64xf32, #tpu.memory_space<vmem>>, vector<1x1x16xf32>,
        %get3A_1093 = vector.shape_cast %get3A_1092 : vector<1x1x16xf32> to vector<16xf32>
        %mul3A_1094 = arith.constant 8.000000e+00 : f32
        %mul3A_1095 = vector.broadcast %mul3A_1094 : f32 to vector<16xf32>
        %mul3A_1096 = arith.mulf %get3A_1093, %mul3A_1095 : vector<16xf32>
        %swap3A_1097 = arith.constant 1 : i32
        %swap3A_1098 = arith.index_cast %swap3A_1097 : i32 to index
        %swap3A_1099 = arith.index_cast %add3A_1039 : i32 to index
        %swap3A_1100 = arith.constant 48 : index
        %swap3A_1101 = tpu.vector_load %arg6[%swap3A_1098, %swap3A_1099, %swap3A_1100] {strides = array<i32>} : memref<2x640x64xf32, #tpu.memory_space<vmem>>, vector<1x1x16xf32>,
        %swap3A_1102 = vector.shape_cast %swap3A_1101 : vector<1x1x16xf32> to vector<16xf32>
        %swap3A_1103 = vector.shape_cast %mul3A_1096 : vector<16xf32> to vector<1x1x16xf32>
        tpu.vector_store %arg6[%swap3A_1098, %swap3A_1099, %swap3A_1100], %swap3A_1103 {strides = array<i32>} : memref<2x640x64xf32, #tpu.memory_space<vmem>>, vector<1x1x16xf32>,
      }
      %scan3A_394 = arith.constant 80 : i32
      %mul3A_395 = arith.constant 640 : i32
      %mul3A_396 = arith.muli %add3A_266, %mul3A_395 : i32
      %add3A_397 = arith.addi %mul3A_4, %mul3A_396 : i32
      %dma_start3A_398 = arith.constant 1 : i32
      %dma_start3A_399 = arith.constant 0 : i32
      %dma_start3A_400 = arith.constant 0 : i32
      %dma_start3A_401 = tpu.memref_slice %arg6[%dma_start3A_398, %dma_start3A_399, %dma_start3A_400] : memref<2x640x64xf32, #tpu.memory_space<vmem>> -> memref<1x640x64xf32, #tpu.memory_space<vmem>>
      %dma_start3A_402 = tpu.memref_squeeze %dma_start3A_401 : memref<1x640x64xf32, #tpu.memory_space<vmem>> -> memref<640x64xf32, #tpu.memory_space<vmem>>
      %dma_start3A_403 = arith.constant 0 : i32
      %dma_start3A_404 = tpu.memref_slice %arg4[%add3A_397, %dma_start3A_403] : memref<819200x64xf32, #tpu.memory_space<hbm>> -> memref<640x64xf32, #tpu.memory_space<hbm>>
      %dma_start3A_405 = arith.constant 0 : i32
      %dma_start3A_406 = tpu.memref_slice %arg4[%add3A_397, %dma_start3A_405] : memref<819200x64xf32, #tpu.memory_space<hbm>> -> memref<640x64xf32, #tpu.memory_space<hbm>>
      %dma_start3A_407 = arith.constant 0 : i32
      %dma_start3A_408 = arith.constant 0 : i32
      %dma_start3A_409 = tpu.memref_slice %arg6[%dma_start3A_398, %dma_start3A_407, %dma_start3A_408] : memref<2x640x64xf32, #tpu.memory_space<vmem>> -> memref<1x640x64xf32, #tpu.memory_space<vmem>>
      %dma_start3A_410 = tpu.memref_squeeze %dma_start3A_409 : memref<1x640x64xf32, #tpu.memory_space<vmem>> -> memref<640x64xf32, #tpu.memory_space<vmem>>
      tpu.enqueue_dma source(%dma_start3A_410 : memref<640x64xf32, #tpu.memory_space<vmem>>) target(%dma_start3A_406 : memref<640x64xf32, #tpu.memory_space<hbm>>) target_semaphore(%arg10 : memref<!tpu.dma_semaphore, #tpu.memory_space<semaphore_mem>>)
      %mul3A_411 = arith.constant 2 : i32
      %mul3A_412 = arith.muli %scan3A_260, %mul3A_411 : i32
      %add3A_413 = arith.constant 1 : i32
      %add3A_414 = arith.addi %add3A_413, %mul3A_412 : i32
      %add3A_415 = arith.constant 1 : i32
      %add3A_416 = arith.addi %add3A_414, %add3A_415 : i32
      %dma_wait3A_417 = arith.constant 1 : i32
      %dma_wait3A_418 = arith.constant 0 : i32
      %dma_wait3A_419 = arith.constant 0 : i32
      %dma_wait3A_420 = tpu.memref_slice %arg6[%dma_wait3A_417, %dma_wait3A_418, %dma_wait3A_419] : memref<2x640x64xf32, #tpu.memory_space<vmem>> -> memref<1x640x64xf32, #tpu.memory_space<vmem>>
      %dma_wait3A_421 = tpu.memref_squeeze %dma_wait3A_420 : memref<1x640x64xf32, #tpu.memory_space<vmem>> -> memref<640x64xf32, #tpu.memory_space<vmem>>
      %dma_wait3A_422 = arith.constant 0 : i32
      %dma_wait3A_423 = arith.constant 0 : i32
      %dma_wait3A_424 = tpu.memref_slice %arg4[%dma_wait3A_422, %dma_wait3A_423] : memref<819200x64xf32, #tpu.memory_space<hbm>> -> memref<640x64xf32, #tpu.memory_space<hbm>>
      %dma_wait3A_425 = arith.constant 0 : i32
      %dma_wait3A_426 = arith.constant 0 : i32
      %dma_wait3A_427 = tpu.memref_slice %arg4[%dma_wait3A_425, %dma_wait3A_426] : memref<819200x64xf32, #tpu.memory_space<hbm>> -> memref<640x64xf32, #tpu.memory_space<hbm>>
      %dma_wait3A_428 = arith.constant 0 : i32
      %dma_wait3A_429 = arith.constant 0 : i32
      %dma_wait3A_430 = tpu.memref_slice %arg6[%dma_wait3A_417, %dma_wait3A_428, %dma_wait3A_429] : memref<2x640x64xf32, #tpu.memory_space<vmem>> -> memref<1x640x64xf32, #tpu.memory_space<vmem>>
      %dma_wait3A_431 = tpu.memref_squeeze %dma_wait3A_430 : memref<1x640x64xf32, #tpu.memory_space<vmem>> -> memref<640x64xf32, #tpu.memory_space<vmem>>
      tpu.wait_dma2 semaphore(%arg10 : memref<!tpu.dma_semaphore, #tpu.memory_space<semaphore_mem>>) src(%dma_wait3A_431 : memref<640x64xf32, #tpu.memory_space<vmem>>) dst(%dma_wait3A_427 : memref<640x64xf32, #tpu.memory_space<hbm>>)
      %add3A_432 = arith.constant 1 : i32
      %add3A_433 = arith.addi %add3A_416, %add3A_432 : i32
      %mul3A_434 = arith.constant 5 : i32
      %mul3A_435 = arith.muli %add3A_433, %mul3A_434 : i32
      %add3A_436 = arith.constant 0 : i32
      %add3A_437 = arith.addi %mul3A_435, %add3A_436 : i32
      %dma_start3A_438 = arith.constant 1 : i32
      %dma_start3A_439 = arith.constant 0 : i32
      %dma_start3A_440 = arith.constant 0 : i32
      %dma_start3A_441 = tpu.memref_slice %arg6[%dma_start3A_438, %dma_start3A_439, %dma_start3A_440] : memref<2x640x64xf32, #tpu.memory_space<vmem>> -> memref<1x640x64xf32, #tpu.memory_space<vmem>>
      %dma_start3A_442 = tpu.memref_squeeze %dma_start3A_441 : memref<1x640x64xf32, #tpu.memory_space<vmem>> -> memref<640x64xf32, #tpu.memory_space<vmem>>
      %dma_start3A_443 = arith.constant 0 : i32
      %dma_start3A_444 = arith.constant 0 : i32
      %dma_start3A_445 = tpu.memref_slice %dma_start3A_442[%dma_start3A_443, %dma_start3A_444] : memref<640x64xf32, #tpu.memory_space<vmem>> -> memref<128x64xf32, #tpu.memory_space<vmem>>
      %dma_start3A_446 = arith.constant 0 : i32
      %dma_start3A_447 = tpu.memref_slice %arg5[%add3A_437, %dma_start3A_446] : memref<200x128xi32, #tpu.memory_space<vmem>> -> memref<1x128xi32, #tpu.memory_space<vmem>>
      %dma_start3A_448 = tpu.memref_squeeze %dma_start3A_447 : memref<1x128xi32, #tpu.memory_space<vmem>> -> memref<128xi32, #tpu.memory_space<vmem>>
      %dma_start3A_449 = arith.constant 0 : i32
      %dma_start3A_450 = arith.constant 0 : i32
      %dma_start3A_451 = tpu.memref_slice %arg3[%dma_start3A_449, %dma_start3A_450] : memref<1000000x64xf32, #tpu.memory_space<hbm>> -> memref<1000000x64xf32, #tpu.memory_space<hbm>>
      tpu.enqueue_indirect_dma source(%dma_start3A_451 : memref<1000000x64xf32, #tpu.memory_space<hbm>>) target(%dma_start3A_445 : memref<128x64xf32, #tpu.memory_space<vmem>>) offsets(%dma_start3A_448 : memref<128xi32, #tpu.memory_space<vmem>>) semaphore(%arg8 : memref<!tpu.dma_semaphore, #tpu.memory_space<semaphore_mem>>)
      %mul3A_452 = arith.constant 5 : i32
      %mul3A_453 = arith.muli %add3A_433, %mul3A_452 : i32
      %add3A_454 = arith.constant 1 : i32
      %add3A_455 = arith.addi %mul3A_453, %add3A_454 : i32
      %dma_start3A_456 = arith.constant 1 : i32
      %dma_start3A_457 = arith.constant 0 : i32
      %dma_start3A_458 = arith.constant 0 : i32
      %dma_start3A_459 = tpu.memref_slice %arg6[%dma_start3A_456, %dma_start3A_457, %dma_start3A_458] : memref<2x640x64xf32, #tpu.memory_space<vmem>> -> memref<1x640x64xf32, #tpu.memory_space<vmem>>
      %dma_start3A_460 = tpu.memref_squeeze %dma_start3A_459 : memref<1x640x64xf32, #tpu.memory_space<vmem>> -> memref<640x64xf32, #tpu.memory_space<vmem>>
      %dma_start3A_461 = arith.constant 128 : i32
      %dma_start3A_462 = arith.constant 0 : i32
      %dma_start3A_463 = tpu.memref_slice %dma_start3A_460[%dma_start3A_461, %dma_start3A_462] : memref<640x64xf32, #tpu.memory_space<vmem>> -> memref<128x64xf32, #tpu.memory_space<vmem>>
      %dma_start3A_464 = arith.constant 0 : i32
      %dma_start3A_465 = tpu.memref_slice %arg5[%add3A_455, %dma_start3A_464] : memref<200x128xi32, #tpu.memory_space<vmem>> -> memref<1x128xi32, #tpu.memory_space<vmem>>
      %dma_start3A_466 = tpu.memref_squeeze %dma_start3A_465 : memref<1x128xi32, #tpu.memory_space<vmem>> -> memref<128xi32, #tpu.memory_space<vmem>>
      %dma_start3A_467 = arith.constant 0 : i32
      %dma_start3A_468 = arith.constant 0 : i32
      %dma_start3A_469 = tpu.memref_slice %arg3[%dma_start3A_467, %dma_start3A_468] : memref<1000000x64xf32, #tpu.memory_space<hbm>> -> memref<1000000x64xf32, #tpu.memory_space<hbm>>
      tpu.enqueue_indirect_dma source(%dma_start3A_469 : memref<1000000x64xf32, #tpu.memory_space<hbm>>) target(%dma_start3A_463 : memref<128x64xf32, #tpu.memory_space<vmem>>) offsets(%dma_start3A_466 : memref<128xi32, #tpu.memory_space<vmem>>) semaphore(%arg8 : memref<!tpu.dma_semaphore, #tpu.memory_space<semaphore_mem>>)
      %mul3A_470 = arith.constant 5 : i32
      %mul3A_471 = arith.muli %add3A_433, %mul3A_470 : i32
      %add3A_472 = arith.constant 2 : i32
      %add3A_473 = arith.addi %mul3A_471, %add3A_472 : i32
      %dma_start3A_474 = arith.constant 1 : i32
      %dma_start3A_475 = arith.constant 0 : i32
      %dma_start3A_476 = arith.constant 0 : i32
      %dma_start3A_477 = tpu.memref_slice %arg6[%dma_start3A_474, %dma_start3A_475, %dma_start3A_476] : memref<2x640x64xf32, #tpu.memory_space<vmem>> -> memref<1x640x64xf32, #tpu.memory_space<vmem>>
      %dma_start3A_478 = tpu.memref_squeeze %dma_start3A_477 : memref<1x640x64xf32, #tpu.memory_space<vmem>> -> memref<640x64xf32, #tpu.memory_space<vmem>>
      %dma_start3A_479 = arith.constant 256 : i32
      %dma_start3A_480 = arith.constant 0 : i32
      %dma_start3A_481 = tpu.memref_slice %dma_start3A_478[%dma_start3A_479, %dma_start3A_480] : memref<640x64xf32, #tpu.memory_space<vmem>> -> memref<128x64xf32, #tpu.memory_space<vmem>>
      %dma_start3A_482 = arith.constant 0 : i32
      %dma_start3A_483 = tpu.memref_slice %arg5[%add3A_473, %dma_start3A_482] : memref<200x128xi32, #tpu.memory_space<vmem>> -> memref<1x128xi32, #tpu.memory_space<vmem>>
      %dma_start3A_484 = tpu.memref_squeeze %dma_start3A_483 : memref<1x128xi32, #tpu.memory_space<vmem>> -> memref<128xi32, #tpu.memory_space<vmem>>
      %dma_start3A_485 = arith.constant 0 : i32
      %dma_start3A_486 = arith.constant 0 : i32
      %dma_start3A_487 = tpu.memref_slice %arg3[%dma_start3A_485, %dma_start3A_486] : memref<1000000x64xf32, #tpu.memory_space<hbm>> -> memref<1000000x64xf32, #tpu.memory_space<hbm>>
      tpu.enqueue_indirect_dma source(%dma_start3A_487 : memref<1000000x64xf32, #tpu.memory_space<hbm>>) target(%dma_start3A_481 : memref<128x64xf32, #tpu.memory_space<vmem>>) offsets(%dma_start3A_484 : memref<128xi32, #tpu.memory_space<vmem>>) semaphore(%arg8 : memref<!tpu.dma_semaphore, #tpu.memory_space<semaphore_mem>>)
      %mul3A_488 = arith.constant 5 : i32
      %mul3A_489 = arith.muli %add3A_433, %mul3A_488 : i32
      %add3A_490 = arith.constant 3 : i32
      %add3A_491 = arith.addi %mul3A_489, %add3A_490 : i32
      %dma_start3A_492 = arith.constant 1 : i32
      %dma_start3A_493 = arith.constant 0 : i32
      %dma_start3A_494 = arith.constant 0 : i32
      %dma_start3A_495 = tpu.memref_slice %arg6[%dma_start3A_492, %dma_start3A_493, %dma_start3A_494] : memref<2x640x64xf32, #tpu.memory_space<vmem>> -> memref<1x640x64xf32, #tpu.memory_space<vmem>>
      %dma_start3A_496 = tpu.memref_squeeze %dma_start3A_495 : memref<1x640x64xf32, #tpu.memory_space<vmem>> -> memref<640x64xf32, #tpu.memory_space<vmem>>
      %dma_start3A_497 = arith.constant 384 : i32
      %dma_start3A_498 = arith.constant 0 : i32
      %dma_start3A_499 = tpu.memref_slice %dma_start3A_496[%dma_start3A_497, %dma_start3A_498] : memref<640x64xf32, #tpu.memory_space<vmem>> -> memref<128x64xf32, #tpu.memory_space<vmem>>
      %dma_start3A_500 = arith.constant 0 : i32
      %dma_start3A_501 = tpu.memref_slice %arg5[%add3A_491, %dma_start3A_500] : memref<200x128xi32, #tpu.memory_space<vmem>> -> memref<1x128xi32, #tpu.memory_space<vmem>>
      %dma_start3A_502 = tpu.memref_squeeze %dma_start3A_501 : memref<1x128xi32, #tpu.memory_space<vmem>> -> memref<128xi32, #tpu.memory_space<vmem>>
      %dma_start3A_503 = arith.constant 0 : i32
      %dma_start3A_504 = arith.constant 0 : i32
      %dma_start3A_505 = tpu.memref_slice %arg3[%dma_start3A_503, %dma_start3A_504] : memref<1000000x64xf32, #tpu.memory_space<hbm>> -> memref<1000000x64xf32, #tpu.memory_space<hbm>>
      tpu.enqueue_indirect_dma source(%dma_start3A_505 : memref<1000000x64xf32, #tpu.memory_space<hbm>>) target(%dma_start3A_499 : memref<128x64xf32, #tpu.memory_space<vmem>>) offsets(%dma_start3A_502 : memref<128xi32, #tpu.memory_space<vmem>>) semaphore(%arg8 : memref<!tpu.dma_semaphore, #tpu.memory_space<semaphore_mem>>)
      %mul3A_506 = arith.constant 5 : i32
      %mul3A_507 = arith.muli %add3A_433, %mul3A_506 : i32
      %add3A_508 = arith.constant 4 : i32
      %add3A_509 = arith.addi %mul3A_507, %add3A_508 : i32
      %dma_start3A_510 = arith.constant 1 : i32
      %dma_start3A_511 = arith.constant 0 : i32
      %dma_start3A_512 = arith.constant 0 : i32
      %dma_start3A_513 = tpu.memref_slice %arg6[%dma_start3A_510, %dma_start3A_511, %dma_start3A_512] : memref<2x640x64xf32, #tpu.memory_space<vmem>> -> memref<1x640x64xf32, #tpu.memory_space<vmem>>
      %dma_start3A_514 = tpu.memref_squeeze %dma_start3A_513 : memref<1x640x64xf32, #tpu.memory_space<vmem>> -> memref<640x64xf32, #tpu.memory_space<vmem>>
      %dma_start3A_515 = arith.constant 512 : i32
      %dma_start3A_516 = arith.constant 0 : i32
      %dma_start3A_517 = tpu.memref_slice %dma_start3A_514[%dma_start3A_515, %dma_start3A_516] : memref<640x64xf32, #tpu.memory_space<vmem>> -> memref<128x64xf32, #tpu.memory_space<vmem>>
      %dma_start3A_518 = arith.constant 0 : i32
      %dma_start3A_519 = tpu.memref_slice %arg5[%add3A_509, %dma_start3A_518] : memref<200x128xi32, #tpu.memory_space<vmem>> -> memref<1x128xi32, #tpu.memory_space<vmem>>
      %dma_start3A_520 = tpu.memref_squeeze %dma_start3A_519 : memref<1x128xi32, #tpu.memory_space<vmem>> -> memref<128xi32, #tpu.memory_space<vmem>>
      %dma_start3A_521 = arith.constant 0 : i32
      %dma_start3A_522 = arith.constant 0 : i32
      %dma_start3A_523 = tpu.memref_slice %arg3[%dma_start3A_521, %dma_start3A_522] : memref<1000000x64xf32, #tpu.memory_space<hbm>> -> memref<1000000x64xf32, #tpu.memory_space<hbm>>
      tpu.enqueue_indirect_dma source(%dma_start3A_523 : memref<1000000x64xf32, #tpu.memory_space<hbm>>) target(%dma_start3A_517 : memref<128x64xf32, #tpu.memory_space<vmem>>) offsets(%dma_start3A_520 : memref<128xi32, #tpu.memory_space<vmem>>) semaphore(%arg8 : memref<!tpu.dma_semaphore, #tpu.memory_space<semaphore_mem>>)
      %dma_wait3A_524 = arith.constant 0 : i32
      %dma_wait3A_525 = arith.constant 0 : i32
      %dma_wait3A_526 = arith.constant 0 : i32
      %dma_wait3A_527 = tpu.memref_slice %arg6[%dma_wait3A_524, %dma_wait3A_525, %dma_wait3A_526] : memref<2x640x64xf32, #tpu.memory_space<vmem>> -> memref<1x640x64xf32, #tpu.memory_space<vmem>>
      %dma_wait3A_528 = tpu.memref_squeeze %dma_wait3A_527 : memref<1x640x64xf32, #tpu.memory_space<vmem>> -> memref<640x64xf32, #tpu.memory_space<vmem>>
      %dma_wait3A_529 = arith.constant 0 : i32
      %dma_wait3A_530 = arith.constant 0 : i32
      %dma_wait3A_531 = tpu.memref_slice %arg4[%dma_wait3A_529, %dma_wait3A_530] : memref<819200x64xf32, #tpu.memory_space<hbm>> -> memref<640x64xf32, #tpu.memory_space<hbm>>
      %dma_wait3A_532 = arith.constant 0 : i32
      %dma_wait3A_533 = arith.constant 0 : i32
      %dma_wait3A_534 = tpu.memref_slice %arg6[%dma_wait3A_524, %dma_wait3A_532, %dma_wait3A_533] : memref<2x640x64xf32, #tpu.memory_space<vmem>> -> memref<1x640x64xf32, #tpu.memory_space<vmem>>
      %dma_wait3A_535 = tpu.memref_squeeze %dma_wait3A_534 : memref<1x640x64xf32, #tpu.memory_space<vmem>> -> memref<640x64xf32, #tpu.memory_space<vmem>>
      %dma_wait3A_536 = arith.constant 0 : i32
      %dma_wait3A_537 = arith.constant 0 : i32
      %dma_wait3A_538 = tpu.memref_slice %arg4[%dma_wait3A_536, %dma_wait3A_537] : memref<819200x64xf32, #tpu.memory_space<hbm>> -> memref<640x64xf32, #tpu.memory_space<hbm>>
      tpu.wait_dma2 semaphore(%arg7 : memref<!tpu.dma_semaphore, #tpu.memory_space<semaphore_mem>>) src(%dma_wait3A_538 : memref<640x64xf32, #tpu.memory_space<hbm>>) dst(%dma_wait3A_535 : memref<640x64xf32, #tpu.memory_space<vmem>>)
      %scan3A_539 = arith.constant 0 : i32
      %scan3A_540 = arith.constant 0 : i32
      %scan3A_541 = arith.constant 80 : i32
      %scan3A_542 = arith.addi %scan3A_540, %scan3A_541 : i32
      %scan3A_543 = arith.constant 1 : i32
      scf.for %scan3A_561 = %scan3A_540 to %scan3A_542 step %scan3A_543  : i32 {
        %mul3A_562 = arith.constant 8 : i32
        %mul3A_563 = arith.muli %scan3A_561, %mul3A_562 : i32
        %add3A_564 = arith.constant 0 : i32
        %add3A_565 = arith.addi %mul3A_563, %add3A_564 : i32
        %get3A = arith.constant 0 : i32
        %get3A_566 = arith.index_cast %get3A : i32 to index
        %get3A_567 = arith.index_cast %add3A_565 : i32 to index
        %get3A_568 = arith.constant 0 : index
        %get3A_569 = tpu.vector_load %arg6[%get3A_566, %get3A_567, %get3A_568] {strides = array<i32>} : memref<2x640x64xf32, #tpu.memory_space<vmem>>, vector<1x1x16xf32>,
        %get3A_570 = vector.shape_cast %get3A_569 : vector<1x1x16xf32> to vector<16xf32>
        %mul3A_571 = arith.constant 8.000000e+00 : f32
        %mul3A_572 = vector.broadcast %mul3A_571 : f32 to vector<16xf32>
        %mul3A_573 = arith.mulf %get3A_570, %mul3A_572 : vector<16xf32>
        %swap3A = arith.constant 0 : i32
        %swap3A_574 = arith.index_cast %swap3A : i32 to index
        %swap3A_575 = arith.index_cast %add3A_565 : i32 to index
        %swap3A_576 = arith.constant 0 : index
        %swap3A_577 = tpu.vector_load %arg6[%swap3A_574, %swap3A_575, %swap3A_576] {strides = array<i32>} : memref<2x640x64xf32, #tpu.memory_space<vmem>>, vector<1x1x16xf32>,
        %swap3A_578 = vector.shape_cast %swap3A_577 : vector<1x1x16xf32> to vector<16xf32>
        %swap3A_579 = vector.shape_cast %mul3A_573 : vector<16xf32> to vector<1x1x16xf32>
        tpu.vector_store %arg6[%swap3A_574, %swap3A_575, %swap3A_576], %swap3A_579 {strides = array<i32>} : memref<2x640x64xf32, #tpu.memory_space<vmem>>, vector<1x1x16xf32>,
        %get3A_580 = arith.constant 0 : i32
        %get3A_581 = arith.index_cast %get3A_580 : i32 to index
        %get3A_582 = arith.index_cast %add3A_565 : i32 to index
        %get3A_583 = arith.constant 16 : index
        %get3A_584 = tpu.vector_load %arg6[%get3A_581, %get3A_582, %get3A_583] {strides = array<i32>} : memref<2x640x64xf32, #tpu.memory_space<vmem>>, vector<1x1x16xf32>,
        %get3A_585 = vector.shape_cast %get3A_584 : vector<1x1x16xf32> to vector<16xf32>
        %mul3A_586 = arith.constant 8.000000e+00 : f32
        %mul3A_587 = vector.broadcast %mul3A_586 : f32 to vector<16xf32>
        %mul3A_588 = arith.mulf %get3A_585, %mul3A_587 : vector<16xf32>
        %swap3A_589 = arith.constant 0 : i32
        %swap3A_590 = arith.index_cast %swap3A_589 : i32 to index
        %swap3A_591 = arith.index_cast %add3A_565 : i32 to index
        %swap3A_592 = arith.constant 16 : index
        %swap3A_593 = tpu.vector_load %arg6[%swap3A_590, %swap3A_591, %swap3A_592] {strides = array<i32>} : memref<2x640x64xf32, #tpu.memory_space<vmem>>, vector<1x1x16xf32>,
        %swap3A_594 = vector.shape_cast %swap3A_593 : vector<1x1x16xf32> to vector<16xf32>
        %swap3A_595 = vector.shape_cast %mul3A_588 : vector<16xf32> to vector<1x1x16xf32>
        tpu.vector_store %arg6[%swap3A_590, %swap3A_591, %swap3A_592], %swap3A_595 {strides = array<i32>} : memref<2x640x64xf32, #tpu.memory_space<vmem>>, vector<1x1x16xf32>,
        %get3A_596 = arith.constant 0 : i32
        %get3A_597 = arith.index_cast %get3A_596 : i32 to index
        %get3A_598 = arith.index_cast %add3A_565 : i32 to index
        %get3A_599 = arith.constant 32 : index
        %get3A_600 = tpu.vector_load %arg6[%get3A_597, %get3A_598, %get3A_599] {strides = array<i32>} : memref<2x640x64xf32, #tpu.memory_space<vmem>>, vector<1x1x16xf32>,
        %get3A_601 = vector.shape_cast %get3A_600 : vector<1x1x16xf32> to vector<16xf32>
        %mul3A_602 = arith.constant 8.000000e+00 : f32
        %mul3A_603 = vector.broadcast %mul3A_602 : f32 to vector<16xf32>
        %mul3A_604 = arith.mulf %get3A_601, %mul3A_603 : vector<16xf32>
        %swap3A_605 = arith.constant 0 : i32
        %swap3A_606 = arith.index_cast %swap3A_605 : i32 to index
        %swap3A_607 = arith.index_cast %add3A_565 : i32 to index
        %swap3A_608 = arith.constant 32 : index
        %swap3A_609 = tpu.vector_load %arg6[%swap3A_606, %swap3A_607, %swap3A_608] {strides = array<i32>} : memref<2x640x64xf32, #tpu.memory_space<vmem>>, vector<1x1x16xf32>,
        %swap3A_610 = vector.shape_cast %swap3A_609 : vector<1x1x16xf32> to vector<16xf32>
        %swap3A_611 = vector.shape_cast %mul3A_604 : vector<16xf32> to vector<1x1x16xf32>
        tpu.vector_store %arg6[%swap3A_606, %swap3A_607, %swap3A_608], %swap3A_611 {strides = array<i32>} : memref<2x640x64xf32, #tpu.memory_space<vmem>>, vector<1x1x16xf32>,
        %get3A_612 = arith.constant 0 : i32
        %get3A_613 = arith.index_cast %get3A_612 : i32 to index
        %get3A_614 = arith.index_cast %add3A_565 : i32 to index
        %get3A_615 = arith.constant 48 : index
        %get3A_616 = tpu.vector_load %arg6[%get3A_613, %get3A_614, %get3A_615] {strides = array<i32>} : memref<2x640x64xf32, #tpu.memory_space<vmem>>, vector<1x1x16xf32>,
        %get3A_617 = vector.shape_cast %get3A_616 : vector<1x1x16xf32> to vector<16xf32>
        %mul3A_618 = arith.constant 8.000000e+00 : f32
        %mul3A_619 = vector.broadcast %mul3A_618 : f32 to vector<16xf32>
        %mul3A_620 = arith.mulf %get3A_617, %mul3A_619 : vector<16xf32>
        %swap3A_621 = arith.constant 0 : i32
        %swap3A_622 = arith.index_cast %swap3A_621 : i32 to index
        %swap3A_623 = arith.index_cast %add3A_565 : i32 to index
        %swap3A_624 = arith.constant 48 : index
        %swap3A_625 = tpu.vector_load %arg6[%swap3A_622, %swap3A_623, %swap3A_624] {strides = array<i32>} : memref<2x640x64xf32, #tpu.memory_space<vmem>>, vector<1x1x16xf32>,
        %swap3A_626 = vector.shape_cast %swap3A_625 : vector<1x1x16xf32> to vector<16xf32>
        %swap3A_627 = vector.shape_cast %mul3A_620 : vector<16xf32> to vector<1x1x16xf32>
        tpu.vector_store %arg6[%swap3A_622, %swap3A_623, %swap3A_624], %swap3A_627 {strides = array<i32>} : memref<2x640x64xf32, #tpu.memory_space<vmem>>, vector<1x1x16xf32>,
        %mul3A_628 = arith.constant 8 : i32
        %mul3A_629 = arith.muli %scan3A_561, %mul3A_628 : i32
        %add3A_630 = arith.constant 1 : i32
        %add3A_631 = arith.addi %mul3A_629, %add3A_630 : i32
        %get3A_632 = arith.constant 0 : i32
        %get3A_633 = arith.index_cast %get3A_632 : i32 to index
        %get3A_634 = arith.index_cast %add3A_631 : i32 to index
        %get3A_635 = arith.constant 0 : index
        %get3A_636 = tpu.vector_load %arg6[%get3A_633, %get3A_634, %get3A_635] {strides = array<i32>} : memref<2x640x64xf32, #tpu.memory_space<vmem>>, vector<1x1x16xf32>,
        %get3A_637 = vector.shape_cast %get3A_636 : vector<1x1x16xf32> to vector<16xf32>
        %mul3A_638 = arith.constant 8.000000e+00 : f32
        %mul3A_639 = vector.broadcast %mul3A_638 : f32 to vector<16xf32>
        %mul3A_640 = arith.mulf %get3A_637, %mul3A_639 : vector<16xf32>
        %swap3A_641 = arith.constant 0 : i32
        %swap3A_642 = arith.index_cast %swap3A_641 : i32 to index
        %swap3A_643 = arith.index_cast %add3A_631 : i32 to index
        %swap3A_644 = arith.constant 0 : index
        %swap3A_645 = tpu.vector_load %arg6[%swap3A_642, %swap3A_643, %swap3A_644] {strides = array<i32>} : memref<2x640x64xf32, #tpu.memory_space<vmem>>, vector<1x1x16xf32>,
        %swap3A_646 = vector.shape_cast %swap3A_645 : vector<1x1x16xf32> to vector<16xf32>
        %swap3A_647 = vector.shape_cast %mul3A_640 : vector<16xf32> to vector<1x1x16xf32>
        tpu.vector_store %arg6[%swap3A_642, %swap3A_643, %swap3A_644], %swap3A_647 {strides = array<i32>} : memref<2x640x64xf32, #tpu.memory_space<vmem>>, vector<1x1x16xf32>,
        %get3A_648 = arith.constant 0 : i32
        %get3A_649 = arith.index_cast %get3A_648 : i32 to index
        %get3A_650 = arith.index_cast %add3A_631 : i32 to index
        %get3A_651 = arith.constant 16 : index
        %get3A_652 = tpu.vector_load %arg6[%get3A_649, %get3A_650, %get3A_651] {strides = array<i32>} : memref<2x640x64xf32, #tpu.memory_space<vmem>>, vector<1x1x16xf32>,
        %get3A_653 = vector.shape_cast %get3A_652 : vector<1x1x16xf32> to vector<16xf32>
        %mul3A_654 = arith.constant 8.000000e+00 : f32
        %mul3A_655 = vector.broadcast %mul3A_654 : f32 to vector<16xf32>
        %mul3A_656 = arith.mulf %get3A_653, %mul3A_655 : vector<16xf32>
        %swap3A_657 = arith.constant 0 : i32
        %swap3A_658 = arith.index_cast %swap3A_657 : i32 to index
        %swap3A_659 = arith.index_cast %add3A_631 : i32 to index
        %swap3A_660 = arith.constant 16 : index
        %swap3A_661 = tpu.vector_load %arg6[%swap3A_658, %swap3A_659, %swap3A_660] {strides = array<i32>} : memref<2x640x64xf32, #tpu.memory_space<vmem>>, vector<1x1x16xf32>,
        %swap3A_662 = vector.shape_cast %swap3A_661 : vector<1x1x16xf32> to vector<16xf32>
        %swap3A_663 = vector.shape_cast %mul3A_656 : vector<16xf32> to vector<1x1x16xf32>
        tpu.vector_store %arg6[%swap3A_658, %swap3A_659, %swap3A_660], %swap3A_663 {strides = array<i32>} : memref<2x640x64xf32, #tpu.memory_space<vmem>>, vector<1x1x16xf32>,
        %get3A_664 = arith.constant 0 : i32
        %get3A_665 = arith.index_cast %get3A_664 : i32 to index
        %get3A_666 = arith.index_cast %add3A_631 : i32 to index
        %get3A_667 = arith.constant 32 : index
        %get3A_668 = tpu.vector_load %arg6[%get3A_665, %get3A_666, %get3A_667] {strides = array<i32>} : memref<2x640x64xf32, #tpu.memory_space<vmem>>, vector<1x1x16xf32>,
        %get3A_669 = vector.shape_cast %get3A_668 : vector<1x1x16xf32> to vector<16xf32>
        %mul3A_670 = arith.constant 8.000000e+00 : f32
        %mul3A_671 = vector.broadcast %mul3A_670 : f32 to vector<16xf32>
        %mul3A_672 = arith.mulf %get3A_669, %mul3A_671 : vector<16xf32>
        %swap3A_673 = arith.constant 0 : i32
        %swap3A_674 = arith.index_cast %swap3A_673 : i32 to index
        %swap3A_675 = arith.index_cast %add3A_631 : i32 to index
        %swap3A_676 = arith.constant 32 : index
        %swap3A_677 = tpu.vector_load %arg6[%swap3A_674, %swap3A_675, %swap3A_676] {strides = array<i32>} : memref<2x640x64xf32, #tpu.memory_space<vmem>>, vector<1x1x16xf32>,
        %swap3A_678 = vector.shape_cast %swap3A_677 : vector<1x1x16xf32> to vector<16xf32>
        %swap3A_679 = vector.shape_cast %mul3A_672 : vector<16xf32> to vector<1x1x16xf32>
        tpu.vector_store %arg6[%swap3A_674, %swap3A_675, %swap3A_676], %swap3A_679 {strides = array<i32>} : memref<2x640x64xf32, #tpu.memory_space<vmem>>, vector<1x1x16xf32>,
        %get3A_680 = arith.constant 0 : i32
        %get3A_681 = arith.index_cast %get3A_680 : i32 to index
        %get3A_682 = arith.index_cast %add3A_631 : i32 to index
        %get3A_683 = arith.constant 48 : index
        %get3A_684 = tpu.vector_load %arg6[%get3A_681, %get3A_682, %get3A_683] {strides = array<i32>} : memref<2x640x64xf32, #tpu.memory_space<vmem>>, vector<1x1x16xf32>,
        %get3A_685 = vector.shape_cast %get3A_684 : vector<1x1x16xf32> to vector<16xf32>
        %mul3A_686 = arith.constant 8.000000e+00 : f32
        %mul3A_687 = vector.broadcast %mul3A_686 : f32 to vector<16xf32>
        %mul3A_688 = arith.mulf %get3A_685, %mul3A_687 : vector<16xf32>
        %swap3A_689 = arith.constant 0 : i32
        %swap3A_690 = arith.index_cast %swap3A_689 : i32 to index
        %swap3A_691 = arith.index_cast %add3A_631 : i32 to index
        %swap3A_692 = arith.constant 48 : index
        %swap3A_693 = tpu.vector_load %arg6[%swap3A_690, %swap3A_691, %swap3A_692] {strides = array<i32>} : memref<2x640x64xf32, #tpu.memory_space<vmem>>, vector<1x1x16xf32>,
        %swap3A_694 = vector.shape_cast %swap3A_693 : vector<1x1x16xf32> to vector<16xf32>
        %swap3A_695 = vector.shape_cast %mul3A_688 : vector<16xf32> to vector<1x1x16xf32>
        tpu.vector_store %arg6[%swap3A_690, %swap3A_691, %swap3A_692], %swap3A_695 {strides = array<i32>} : memref<2x640x64xf32, #tpu.memory_space<vmem>>, vector<1x1x16xf32>,
        %mul3A_696 = arith.constant 8 : i32
        %mul3A_697 = arith.muli %scan3A_561, %mul3A_696 : i32
        %add3A_698 = arith.constant 2 : i32
        %add3A_699 = arith.addi %mul3A_697, %add3A_698 : i32
        %get3A_700 = arith.constant 0 : i32
        %get3A_701 = arith.index_cast %get3A_700 : i32 to index
        %get3A_702 = arith.index_cast %add3A_699 : i32 to index
        %get3A_703 = arith.constant 0 : index
        %get3A_704 = tpu.vector_load %arg6[%get3A_701, %get3A_702, %get3A_703] {strides = array<i32>} : memref<2x640x64xf32, #tpu.memory_space<vmem>>, vector<1x1x16xf32>,
        %get3A_705 = vector.shape_cast %get3A_704 : vector<1x1x16xf32> to vector<16xf32>
        %mul3A_706 = arith.constant 8.000000e+00 : f32
        %mul3A_707 = vector.broadcast %mul3A_706 : f32 to vector<16xf32>
        %mul3A_708 = arith.mulf %get3A_705, %mul3A_707 : vector<16xf32>
        %swap3A_709 = arith.constant 0 : i32
        %swap3A_710 = arith.index_cast %swap3A_709 : i32 to index
        %swap3A_711 = arith.index_cast %add3A_699 : i32 to index
        %swap3A_712 = arith.constant 0 : index
        %swap3A_713 = tpu.vector_load %arg6[%swap3A_710, %swap3A_711, %swap3A_712] {strides = array<i32>} : memref<2x640x64xf32, #tpu.memory_space<vmem>>, vector<1x1x16xf32>,
        %swap3A_714 = vector.shape_cast %swap3A_713 : vector<1x1x16xf32> to vector<16xf32>
        %swap3A_715 = vector.shape_cast %mul3A_708 : vector<16xf32> to vector<1x1x16xf32>
        tpu.vector_store %arg6[%swap3A_710, %swap3A_711, %swap3A_712], %swap3A_715 {strides = array<i32>} : memref<2x640x64xf32, #tpu.memory_space<vmem>>, vector<1x1x16xf32>,
        %get3A_716 = arith.constant 0 : i32
        %get3A_717 = arith.index_cast %get3A_716 : i32 to index
        %get3A_718 = arith.index_cast %add3A_699 : i32 to index
        %get3A_719 = arith.constant 16 : index
        %get3A_720 = tpu.vector_load %arg6[%get3A_717, %get3A_718, %get3A_719] {strides = array<i32>} : memref<2x640x64xf32, #tpu.memory_space<vmem>>, vector<1x1x16xf32>,
        %get3A_721 = vector.shape_cast %get3A_720 : vector<1x1x16xf32> to vector<16xf32>
        %mul3A_722 = arith.constant 8.000000e+00 : f32
        %mul3A_723 = vector.broadcast %mul3A_722 : f32 to vector<16xf32>
        %mul3A_724 = arith.mulf %get3A_721, %mul3A_723 : vector<16xf32>
        %swap3A_725 = arith.constant 0 : i32
        %swap3A_726 = arith.index_cast %swap3A_725 : i32 to index
        %swap3A_727 = arith.index_cast %add3A_699 : i32 to index
        %swap3A_728 = arith.constant 16 : index
        %swap3A_729 = tpu.vector_load %arg6[%swap3A_726, %swap3A_727, %swap3A_728] {strides = array<i32>} : memref<2x640x64xf32, #tpu.memory_space<vmem>>, vector<1x1x16xf32>,
        %swap3A_730 = vector.shape_cast %swap3A_729 : vector<1x1x16xf32> to vector<16xf32>
        %swap3A_731 = vector.shape_cast %mul3A_724 : vector<16xf32> to vector<1x1x16xf32>
        tpu.vector_store %arg6[%swap3A_726, %swap3A_727, %swap3A_728], %swap3A_731 {strides = array<i32>} : memref<2x640x64xf32, #tpu.memory_space<vmem>>, vector<1x1x16xf32>,
        %get3A_732 = arith.constant 0 : i32
        %get3A_733 = arith.index_cast %get3A_732 : i32 to index
        %get3A_734 = arith.index_cast %add3A_699 : i32 to index
        %get3A_735 = arith.constant 32 : index
        %get3A_736 = tpu.vector_load %arg6[%get3A_733, %get3A_734, %get3A_735] {strides = array<i32>} : memref<2x640x64xf32, #tpu.memory_space<vmem>>, vector<1x1x16xf32>,
        %get3A_737 = vector.shape_cast %get3A_736 : vector<1x1x16xf32> to vector<16xf32>
        %mul3A_738 = arith.constant 8.000000e+00 : f32
        %mul3A_739 = vector.broadcast %mul3A_738 : f32 to vector<16xf32>
        %mul3A_740 = arith.mulf %get3A_737, %mul3A_739 : vector<16xf32>
        %swap3A_741 = arith.constant 0 : i32
        %swap3A_742 = arith.index_cast %swap3A_741 : i32 to index
        %swap3A_743 = arith.index_cast %add3A_699 : i32 to index
        %swap3A_744 = arith.constant 32 : index
        %swap3A_745 = tpu.vector_load %arg6[%swap3A_742, %swap3A_743, %swap3A_744] {strides = array<i32>} : memref<2x640x64xf32, #tpu.memory_space<vmem>>, vector<1x1x16xf32>,
        %swap3A_746 = vector.shape_cast %swap3A_745 : vector<1x1x16xf32> to vector<16xf32>
        %swap3A_747 = vector.shape_cast %mul3A_740 : vector<16xf32> to vector<1x1x16xf32>
        tpu.vector_store %arg6[%swap3A_742, %swap3A_743, %swap3A_744], %swap3A_747 {strides = array<i32>} : memref<2x640x64xf32, #tpu.memory_space<vmem>>, vector<1x1x16xf32>,
        %get3A_748 = arith.constant 0 : i32
        %get3A_749 = arith.index_cast %get3A_748 : i32 to index
        %get3A_750 = arith.index_cast %add3A_699 : i32 to index
        %get3A_751 = arith.constant 48 : index
        %get3A_752 = tpu.vector_load %arg6[%get3A_749, %get3A_750, %get3A_751] {strides = array<i32>} : memref<2x640x64xf32, #tpu.memory_space<vmem>>, vector<1x1x16xf32>,
        %get3A_753 = vector.shape_cast %get3A_752 : vector<1x1x16xf32> to vector<16xf32>
        %mul3A_754 = arith.constant 8.000000e+00 : f32
        %mul3A_755 = vector.broadcast %mul3A_754 : f32 to vector<16xf32>
        %mul3A_756 = arith.mulf %get3A_753, %mul3A_755 : vector<16xf32>
        %swap3A_757 = arith.constant 0 : i32
        %swap3A_758 = arith.index_cast %swap3A_757 : i32 to index
        %swap3A_759 = arith.index_cast %add3A_699 : i32 to index
        %swap3A_760 = arith.constant 48 : index
        %swap3A_761 = tpu.vector_load %arg6[%swap3A_758, %swap3A_759, %swap3A_760] {strides = array<i32>} : memref<2x640x64xf32, #tpu.memory_space<vmem>>, vector<1x1x16xf32>,
        %swap3A_762 = vector.shape_cast %swap3A_761 : vector<1x1x16xf32> to vector<16xf32>
        %swap3A_763 = vector.shape_cast %mul3A_756 : vector<16xf32> to vector<1x1x16xf32>
        tpu.vector_store %arg6[%swap3A_758, %swap3A_759, %swap3A_760], %swap3A_763 {strides = array<i32>} : memref<2x640x64xf32, #tpu.memory_space<vmem>>, vector<1x1x16xf32>,
        %mul3A_764 = arith.constant 8 : i32
        %mul3A_765 = arith.muli %scan3A_561, %mul3A_764 : i32
        %add3A_766 = arith.constant 3 : i32
        %add3A_767 = arith.addi %mul3A_765, %add3A_766 : i32
        %get3A_768 = arith.constant 0 : i32
        %get3A_769 = arith.index_cast %get3A_768 : i32 to index
        %get3A_770 = arith.index_cast %add3A_767 : i32 to index
        %get3A_771 = arith.constant 0 : index
        %get3A_772 = tpu.vector_load %arg6[%get3A_769, %get3A_770, %get3A_771] {strides = array<i32>} : memref<2x640x64xf32, #tpu.memory_space<vmem>>, vector<1x1x16xf32>,
        %get3A_773 = vector.shape_cast %get3A_772 : vector<1x1x16xf32> to vector<16xf32>
        %mul3A_774 = arith.constant 8.000000e+00 : f32
        %mul3A_775 = vector.broadcast %mul3A_774 : f32 to vector<16xf32>
        %mul3A_776 = arith.mulf %get3A_773, %mul3A_775 : vector<16xf32>
        %swap3A_777 = arith.constant 0 : i32
        %swap3A_778 = arith.index_cast %swap3A_777 : i32 to index
        %swap3A_779 = arith.index_cast %add3A_767 : i32 to index
        %swap3A_780 = arith.constant 0 : index
        %swap3A_781 = tpu.vector_load %arg6[%swap3A_778, %swap3A_779, %swap3A_780] {strides = array<i32>} : memref<2x640x64xf32, #tpu.memory_space<vmem>>, vector<1x1x16xf32>,
        %swap3A_782 = vector.shape_cast %swap3A_781 : vector<1x1x16xf32> to vector<16xf32>
        %swap3A_783 = vector.shape_cast %mul3A_776 : vector<16xf32> to vector<1x1x16xf32>
        tpu.vector_store %arg6[%swap3A_778, %swap3A_779, %swap3A_780], %swap3A_783 {strides = array<i32>} : memref<2x640x64xf32, #tpu.memory_space<vmem>>, vector<1x1x16xf32>,
        %get3A_784 = arith.constant 0 : i32
        %get3A_785 = arith.index_cast %get3A_784 : i32 to index
        %get3A_786 = arith.index_cast %add3A_767 : i32 to index
        %get3A_787 = arith.constant 16 : index
        %get3A_788 = tpu.vector_load %arg6[%get3A_785, %get3A_786, %get3A_787] {strides = array<i32>} : memref<2x640x64xf32, #tpu.memory_space<vmem>>, vector<1x1x16xf32>,
        %get3A_789 = vector.shape_cast %get3A_788 : vector<1x1x16xf32> to vector<16xf32>
        %mul3A_790 = arith.constant 8.000000e+00 : f32
        %mul3A_791 = vector.broadcast %mul3A_790 : f32 to vector<16xf32>
        %mul3A_792 = arith.mulf %get3A_789, %mul3A_791 : vector<16xf32>
        %swap3A_793 = arith.constant 0 : i32
        %swap3A_794 = arith.index_cast %swap3A_793 : i32 to index
        %swap3A_795 = arith.index_cast %add3A_767 : i32 to index
        %swap3A_796 = arith.constant 16 : index
        %swap3A_797 = tpu.vector_load %arg6[%swap3A_794, %swap3A_795, %swap3A_796] {strides = array<i32>} : memref<2x640x64xf32, #tpu.memory_space<vmem>>, vector<1x1x16xf32>,
        %swap3A_798 = vector.shape_cast %swap3A_797 : vector<1x1x16xf32> to vector<16xf32>
        %swap3A_799 = vector.shape_cast %mul3A_792 : vector<16xf32> to vector<1x1x16xf32>
        tpu.vector_store %arg6[%swap3A_794, %swap3A_795, %swap3A_796], %swap3A_799 {strides = array<i32>} : memref<2x640x64xf32, #tpu.memory_space<vmem>>, vector<1x1x16xf32>,
        %get3A_800 = arith.constant 0 : i32
        %get3A_801 = arith.index_cast %get3A_800 : i32 to index
        %get3A_802 = arith.index_cast %add3A_767 : i32 to index
        %get3A_803 = arith.constant 32 : index
        %get3A_804 = tpu.vector_load %arg6[%get3A_801, %get3A_802, %get3A_803] {strides = array<i32>} : memref<2x640x64xf32, #tpu.memory_space<vmem>>, vector<1x1x16xf32>,
        %get3A_805 = vector.shape_cast %get3A_804 : vector<1x1x16xf32> to vector<16xf32>
        %mul3A_806 = arith.constant 8.000000e+00 : f32
        %mul3A_807 = vector.broadcast %mul3A_806 : f32 to vector<16xf32>
        %mul3A_808 = arith.mulf %get3A_805, %mul3A_807 : vector<16xf32>
        %swap3A_809 = arith.constant 0 : i32
        %swap3A_810 = arith.index_cast %swap3A_809 : i32 to index
        %swap3A_811 = arith.index_cast %add3A_767 : i32 to index
        %swap3A_812 = arith.constant 32 : index
        %swap3A_813 = tpu.vector_load %arg6[%swap3A_810, %swap3A_811, %swap3A_812] {strides = array<i32>} : memref<2x640x64xf32, #tpu.memory_space<vmem>>, vector<1x1x16xf32>,
        %swap3A_814 = vector.shape_cast %swap3A_813 : vector<1x1x16xf32> to vector<16xf32>
        %swap3A_815 = vector.shape_cast %mul3A_808 : vector<16xf32> to vector<1x1x16xf32>
        tpu.vector_store %arg6[%swap3A_810, %swap3A_811, %swap3A_812], %swap3A_815 {strides = array<i32>} : memref<2x640x64xf32, #tpu.memory_space<vmem>>, vector<1x1x16xf32>,
        %get3A_816 = arith.constant 0 : i32
        %get3A_817 = arith.index_cast %get3A_816 : i32 to index
        %get3A_818 = arith.index_cast %add3A_767 : i32 to index
        %get3A_819 = arith.constant 48 : index
        %get3A_820 = tpu.vector_load %arg6[%get3A_817, %get3A_818, %get3A_819] {strides = array<i32>} : memref<2x640x64xf32, #tpu.memory_space<vmem>>, vector<1x1x16xf32>,
        %get3A_821 = vector.shape_cast %get3A_820 : vector<1x1x16xf32> to vector<16xf32>
        %mul3A_822 = arith.constant 8.000000e+00 : f32
        %mul3A_823 = vector.broadcast %mul3A_822 : f32 to vector<16xf32>
        %mul3A_824 = arith.mulf %get3A_821, %mul3A_823 : vector<16xf32>
        %swap3A_825 = arith.constant 0 : i32
        %swap3A_826 = arith.index_cast %swap3A_825 : i32 to index
        %swap3A_827 = arith.index_cast %add3A_767 : i32 to index
        %swap3A_828 = arith.constant 48 : index
        %swap3A_829 = tpu.vector_load %arg6[%swap3A_826, %swap3A_827, %swap3A_828] {strides = array<i32>} : memref<2x640x64xf32, #tpu.memory_space<vmem>>, vector<1x1x16xf32>,
        %swap3A_830 = vector.shape_cast %swap3A_829 : vector<1x1x16xf32> to vector<16xf32>
        %swap3A_831 = vector.shape_cast %mul3A_824 : vector<16xf32> to vector<1x1x16xf32>
        tpu.vector_store %arg6[%swap3A_826, %swap3A_827, %swap3A_828], %swap3A_831 {strides = array<i32>} : memref<2x640x64xf32, #tpu.memory_space<vmem>>, vector<1x1x16xf32>,
        %mul3A_832 = arith.constant 8 : i32
        %mul3A_833 = arith.muli %scan3A_561, %mul3A_832 : i32
        %add3A_834 = arith.constant 4 : i32
        %add3A_835 = arith.addi %mul3A_833, %add3A_834 : i32
        %get3A_836 = arith.constant 0 : i32
        %get3A_837 = arith.index_cast %get3A_836 : i32 to index
        %get3A_838 = arith.index_cast %add3A_835 : i32 to index
        %get3A_839 = arith.constant 0 : index
        %get3A_840 = tpu.vector_load %arg6[%get3A_837, %get3A_838, %get3A_839] {strides = array<i32>} : memref<2x640x64xf32, #tpu.memory_space<vmem>>, vector<1x1x16xf32>,
        %get3A_841 = vector.shape_cast %get3A_840 : vector<1x1x16xf32> to vector<16xf32>
        %mul3A_842 = arith.constant 8.000000e+00 : f32
        %mul3A_843 = vector.broadcast %mul3A_842 : f32 to vector<16xf32>
        %mul3A_844 = arith.mulf %get3A_841, %mul3A_843 : vector<16xf32>
        %swap3A_845 = arith.constant 0 : i32
        %swap3A_846 = arith.index_cast %swap3A_845 : i32 to index
        %swap3A_847 = arith.index_cast %add3A_835 : i32 to index
        %swap3A_848 = arith.constant 0 : index
        %swap3A_849 = tpu.vector_load %arg6[%swap3A_846, %swap3A_847, %swap3A_848] {strides = array<i32>} : memref<2x640x64xf32, #tpu.memory_space<vmem>>, vector<1x1x16xf32>,
        %swap3A_850 = vector.shape_cast %swap3A_849 : vector<1x1x16xf32> to vector<16xf32>
        %swap3A_851 = vector.shape_cast %mul3A_844 : vector<16xf32> to vector<1x1x16xf32>
        tpu.vector_store %arg6[%swap3A_846, %swap3A_847, %swap3A_848], %swap3A_851 {strides = array<i32>} : memref<2x640x64xf32, #tpu.memory_space<vmem>>, vector<1x1x16xf32>,
        %get3A_852 = arith.constant 0 : i32
        %get3A_853 = arith.index_cast %get3A_852 : i32 to index
        %get3A_854 = arith.index_cast %add3A_835 : i32 to index
        %get3A_855 = arith.constant 16 : index
        %get3A_856 = tpu.vector_load %arg6[%get3A_853, %get3A_854, %get3A_855] {strides = array<i32>} : memref<2x640x64xf32, #tpu.memory_space<vmem>>, vector<1x1x16xf32>,
        %get3A_857 = vector.shape_cast %get3A_856 : vector<1x1x16xf32> to vector<16xf32>
        %mul3A_858 = arith.constant 8.000000e+00 : f32
        %mul3A_859 = vector.broadcast %mul3A_858 : f32 to vector<16xf32>
        %mul3A_860 = arith.mulf %get3A_857, %mul3A_859 : vector<16xf32>
        %swap3A_861 = arith.constant 0 : i32
        %swap3A_862 = arith.index_cast %swap3A_861 : i32 to index
        %swap3A_863 = arith.index_cast %add3A_835 : i32 to index
        %swap3A_864 = arith.constant 16 : index
        %swap3A_865 = tpu.vector_load %arg6[%swap3A_862, %swap3A_863, %swap3A_864] {strides = array<i32>} : memref<2x640x64xf32, #tpu.memory_space<vmem>>, vector<1x1x16xf32>,
        %swap3A_866 = vector.shape_cast %swap3A_865 : vector<1x1x16xf32> to vector<16xf32>
        %swap3A_867 = vector.shape_cast %mul3A_860 : vector<16xf32> to vector<1x1x16xf32>
        tpu.vector_store %arg6[%swap3A_862, %swap3A_863, %swap3A_864], %swap3A_867 {strides = array<i32>} : memref<2x640x64xf32, #tpu.memory_space<vmem>>, vector<1x1x16xf32>,
        %get3A_868 = arith.constant 0 : i32
        %get3A_869 = arith.index_cast %get3A_868 : i32 to index
        %get3A_870 = arith.index_cast %add3A_835 : i32 to index
        %get3A_871 = arith.constant 32 : index
        %get3A_872 = tpu.vector_load %arg6[%get3A_869, %get3A_870, %get3A_871] {strides = array<i32>} : memref<2x640x64xf32, #tpu.memory_space<vmem>>, vector<1x1x16xf32>,
        %get3A_873 = vector.shape_cast %get3A_872 : vector<1x1x16xf32> to vector<16xf32>
        %mul3A_874 = arith.constant 8.000000e+00 : f32
        %mul3A_875 = vector.broadcast %mul3A_874 : f32 to vector<16xf32>
        %mul3A_876 = arith.mulf %get3A_873, %mul3A_875 : vector<16xf32>
        %swap3A_877 = arith.constant 0 : i32
        %swap3A_878 = arith.index_cast %swap3A_877 : i32 to index
        %swap3A_879 = arith.index_cast %add3A_835 : i32 to index
        %swap3A_880 = arith.constant 32 : index
        %swap3A_881 = tpu.vector_load %arg6[%swap3A_878, %swap3A_879, %swap3A_880] {strides = array<i32>} : memref<2x640x64xf32, #tpu.memory_space<vmem>>, vector<1x1x16xf32>,
        %swap3A_882 = vector.shape_cast %swap3A_881 : vector<1x1x16xf32> to vector<16xf32>
        %swap3A_883 = vector.shape_cast %mul3A_876 : vector<16xf32> to vector<1x1x16xf32>
        tpu.vector_store %arg6[%swap3A_878, %swap3A_879, %swap3A_880], %swap3A_883 {strides = array<i32>} : memref<2x640x64xf32, #tpu.memory_space<vmem>>, vector<1x1x16xf32>,
        %get3A_884 = arith.constant 0 : i32
        %get3A_885 = arith.index_cast %get3A_884 : i32 to index
        %get3A_886 = arith.index_cast %add3A_835 : i32 to index
        %get3A_887 = arith.constant 48 : index
        %get3A_888 = tpu.vector_load %arg6[%get3A_885, %get3A_886, %get3A_887] {strides = array<i32>} : memref<2x640x64xf32, #tpu.memory_space<vmem>>, vector<1x1x16xf32>,
        %get3A_889 = vector.shape_cast %get3A_888 : vector<1x1x16xf32> to vector<16xf32>
        %mul3A_890 = arith.constant 8.000000e+00 : f32
        %mul3A_891 = vector.broadcast %mul3A_890 : f32 to vector<16xf32>
        %mul3A_892 = arith.mulf %get3A_889, %mul3A_891 : vector<16xf32>
        %swap3A_893 = arith.constant 0 : i32
        %swap3A_894 = arith.index_cast %swap3A_893 : i32 to index
        %swap3A_895 = arith.index_cast %add3A_835 : i32 to index
        %swap3A_896 = arith.constant 48 : index
        %swap3A_897 = tpu.vector_load %arg6[%swap3A_894, %swap3A_895, %swap3A_896] {strides = array<i32>} : memref<2x640x64xf32, #tpu.memory_space<vmem>>, vector<1x1x16xf32>,
        %swap3A_898 = vector.shape_cast %swap3A_897 : vector<1x1x16xf32> to vector<16xf32>
        %swap3A_899 = vector.shape_cast %mul3A_892 : vector<16xf32> to vector<1x1x16xf32>
        tpu.vector_store %arg6[%swap3A_894, %swap3A_895, %swap3A_896], %swap3A_899 {strides = array<i32>} : memref<2x640x64xf32, #tpu.memory_space<vmem>>, vector<1x1x16xf32>,
        %mul3A_900 = arith.constant 8 : i32
        %mul3A_901 = arith.muli %scan3A_561, %mul3A_900 : i32
        %add3A_902 = arith.constant 5 : i32
        %add3A_903 = arith.addi %mul3A_901, %add3A_902 : i32
        %get3A_904 = arith.constant 0 : i32
        %get3A_905 = arith.index_cast %get3A_904 : i32 to index
        %get3A_906 = arith.index_cast %add3A_903 : i32 to index
        %get3A_907 = arith.constant 0 : index
        %get3A_908 = tpu.vector_load %arg6[%get3A_905, %get3A_906, %get3A_907] {strides = array<i32>} : memref<2x640x64xf32, #tpu.memory_space<vmem>>, vector<1x1x16xf32>,
        %get3A_909 = vector.shape_cast %get3A_908 : vector<1x1x16xf32> to vector<16xf32>
        %mul3A_910 = arith.constant 8.000000e+00 : f32
        %mul3A_911 = vector.broadcast %mul3A_910 : f32 to vector<16xf32>
        %mul3A_912 = arith.mulf %get3A_909, %mul3A_911 : vector<16xf32>
        %swap3A_913 = arith.constant 0 : i32
        %swap3A_914 = arith.index_cast %swap3A_913 : i32 to index
        %swap3A_915 = arith.index_cast %add3A_903 : i32 to index
        %swap3A_916 = arith.constant 0 : index
        %swap3A_917 = tpu.vector_load %arg6[%swap3A_914, %swap3A_915, %swap3A_916] {strides = array<i32>} : memref<2x640x64xf32, #tpu.memory_space<vmem>>, vector<1x1x16xf32>,
        %swap3A_918 = vector.shape_cast %swap3A_917 : vector<1x1x16xf32> to vector<16xf32>
        %swap3A_919 = vector.shape_cast %mul3A_912 : vector<16xf32> to vector<1x1x16xf32>
        tpu.vector_store %arg6[%swap3A_914, %swap3A_915, %swap3A_916], %swap3A_919 {strides = array<i32>} : memref<2x640x64xf32, #tpu.memory_space<vmem>>, vector<1x1x16xf32>,
        %get3A_920 = arith.constant 0 : i32
        %get3A_921 = arith.index_cast %get3A_920 : i32 to index
        %get3A_922 = arith.index_cast %add3A_903 : i32 to index
        %get3A_923 = arith.constant 16 : index
        %get3A_924 = tpu.vector_load %arg6[%get3A_921, %get3A_922, %get3A_923] {strides = array<i32>} : memref<2x640x64xf32, #tpu.memory_space<vmem>>, vector<1x1x16xf32>,
        %get3A_925 = vector.shape_cast %get3A_924 : vector<1x1x16xf32> to vector<16xf32>
        %mul3A_926 = arith.constant 8.000000e+00 : f32
        %mul3A_927 = vector.broadcast %mul3A_926 : f32 to vector<16xf32>
        %mul3A_928 = arith.mulf %get3A_925, %mul3A_927 : vector<16xf32>
        %swap3A_929 = arith.constant 0 : i32
        %swap3A_930 = arith.index_cast %swap3A_929 : i32 to index
        %swap3A_931 = arith.index_cast %add3A_903 : i32 to index
        %swap3A_932 = arith.constant 16 : index
        %swap3A_933 = tpu.vector_load %arg6[%swap3A_930, %swap3A_931, %swap3A_932] {strides = array<i32>} : memref<2x640x64xf32, #tpu.memory_space<vmem>>, vector<1x1x16xf32>,
        %swap3A_934 = vector.shape_cast %swap3A_933 : vector<1x1x16xf32> to vector<16xf32>
        %swap3A_935 = vector.shape_cast %mul3A_928 : vector<16xf32> to vector<1x1x16xf32>
        tpu.vector_store %arg6[%swap3A_930, %swap3A_931, %swap3A_932], %swap3A_935 {strides = array<i32>} : memref<2x640x64xf32, #tpu.memory_space<vmem>>, vector<1x1x16xf32>,
        %get3A_936 = arith.constant 0 : i32
        %get3A_937 = arith.index_cast %get3A_936 : i32 to index
        %get3A_938 = arith.index_cast %add3A_903 : i32 to index
        %get3A_939 = arith.constant 32 : index
        %get3A_940 = tpu.vector_load %arg6[%get3A_937, %get3A_938, %get3A_939] {strides = array<i32>} : memref<2x640x64xf32, #tpu.memory_space<vmem>>, vector<1x1x16xf32>,
        %get3A_941 = vector.shape_cast %get3A_940 : vector<1x1x16xf32> to vector<16xf32>
        %mul3A_942 = arith.constant 8.000000e+00 : f32
        %mul3A_943 = vector.broadcast %mul3A_942 : f32 to vector<16xf32>
        %mul3A_944 = arith.mulf %get3A_941, %mul3A_943 : vector<16xf32>
        %swap3A_945 = arith.constant 0 : i32
        %swap3A_946 = arith.index_cast %swap3A_945 : i32 to index
        %swap3A_947 = arith.index_cast %add3A_903 : i32 to index
        %swap3A_948 = arith.constant 32 : index
        %swap3A_949 = tpu.vector_load %arg6[%swap3A_946, %swap3A_947, %swap3A_948] {strides = array<i32>} : memref<2x640x64xf32, #tpu.memory_space<vmem>>, vector<1x1x16xf32>,
        %swap3A_950 = vector.shape_cast %swap3A_949 : vector<1x1x16xf32> to vector<16xf32>
        %swap3A_951 = vector.shape_cast %mul3A_944 : vector<16xf32> to vector<1x1x16xf32>
        tpu.vector_store %arg6[%swap3A_946, %swap3A_947, %swap3A_948], %swap3A_951 {strides = array<i32>} : memref<2x640x64xf32, #tpu.memory_space<vmem>>, vector<1x1x16xf32>,
        %get3A_952 = arith.constant 0 : i32
        %get3A_953 = arith.index_cast %get3A_952 : i32 to index
        %get3A_954 = arith.index_cast %add3A_903 : i32 to index
        %get3A_955 = arith.constant 48 : index
        %get3A_956 = tpu.vector_load %arg6[%get3A_953, %get3A_954, %get3A_955] {strides = array<i32>} : memref<2x640x64xf32, #tpu.memory_space<vmem>>, vector<1x1x16xf32>,
        %get3A_957 = vector.shape_cast %get3A_956 : vector<1x1x16xf32> to vector<16xf32>
        %mul3A_958 = arith.constant 8.000000e+00 : f32
        %mul3A_959 = vector.broadcast %mul3A_958 : f32 to vector<16xf32>
        %mul3A_960 = arith.mulf %get3A_957, %mul3A_959 : vector<16xf32>
        %swap3A_961 = arith.constant 0 : i32
        %swap3A_962 = arith.index_cast %swap3A_961 : i32 to index
        %swap3A_963 = arith.index_cast %add3A_903 : i32 to index
        %swap3A_964 = arith.constant 48 : index
        %swap3A_965 = tpu.vector_load %arg6[%swap3A_962, %swap3A_963, %swap3A_964] {strides = array<i32>} : memref<2x640x64xf32, #tpu.memory_space<vmem>>, vector<1x1x16xf32>,
        %swap3A_966 = vector.shape_cast %swap3A_965 : vector<1x1x16xf32> to vector<16xf32>
        %swap3A_967 = vector.shape_cast %mul3A_960 : vector<16xf32> to vector<1x1x16xf32>
        tpu.vector_store %arg6[%swap3A_962, %swap3A_963, %swap3A_964], %swap3A_967 {strides = array<i32>} : memref<2x640x64xf32, #tpu.memory_space<vmem>>, vector<1x1x16xf32>,
        %mul3A_968 = arith.constant 8 : i32
        %mul3A_969 = arith.muli %scan3A_561, %mul3A_968 : i32
        %add3A_970 = arith.constant 6 : i32
        %add3A_971 = arith.addi %mul3A_969, %add3A_970 : i32
        %get3A_972 = arith.constant 0 : i32
        %get3A_973 = arith.index_cast %get3A_972 : i32 to index
        %get3A_974 = arith.index_cast %add3A_971 : i32 to index
        %get3A_975 = arith.constant 0 : index
        %get3A_976 = tpu.vector_load %arg6[%get3A_973, %get3A_974, %get3A_975] {strides = array<i32>} : memref<2x640x64xf32, #tpu.memory_space<vmem>>, vector<1x1x16xf32>,
        %get3A_977 = vector.shape_cast %get3A_976 : vector<1x1x16xf32> to vector<16xf32>
        %mul3A_978 = arith.constant 8.000000e+00 : f32
        %mul3A_979 = vector.broadcast %mul3A_978 : f32 to vector<16xf32>
        %mul3A_980 = arith.mulf %get3A_977, %mul3A_979 : vector<16xf32>
        %swap3A_981 = arith.constant 0 : i32
        %swap3A_982 = arith.index_cast %swap3A_981 : i32 to index
        %swap3A_983 = arith.index_cast %add3A_971 : i32 to index
        %swap3A_984 = arith.constant 0 : index
        %swap3A_985 = tpu.vector_load %arg6[%swap3A_982, %swap3A_983, %swap3A_984] {strides = array<i32>} : memref<2x640x64xf32, #tpu.memory_space<vmem>>, vector<1x1x16xf32>,
        %swap3A_986 = vector.shape_cast %swap3A_985 : vector<1x1x16xf32> to vector<16xf32>
        %swap3A_987 = vector.shape_cast %mul3A_980 : vector<16xf32> to vector<1x1x16xf32>
        tpu.vector_store %arg6[%swap3A_982, %swap3A_983, %swap3A_984], %swap3A_987 {strides = array<i32>} : memref<2x640x64xf32, #tpu.memory_space<vmem>>, vector<1x1x16xf32>,
        %get3A_988 = arith.constant 0 : i32
        %get3A_989 = arith.index_cast %get3A_988 : i32 to index
        %get3A_990 = arith.index_cast %add3A_971 : i32 to index
        %get3A_991 = arith.constant 16 : index
        %get3A_992 = tpu.vector_load %arg6[%get3A_989, %get3A_990, %get3A_991] {strides = array<i32>} : memref<2x640x64xf32, #tpu.memory_space<vmem>>, vector<1x1x16xf32>,
        %get3A_993 = vector.shape_cast %get3A_992 : vector<1x1x16xf32> to vector<16xf32>
        %mul3A_994 = arith.constant 8.000000e+00 : f32
        %mul3A_995 = vector.broadcast %mul3A_994 : f32 to vector<16xf32>
        %mul3A_996 = arith.mulf %get3A_993, %mul3A_995 : vector<16xf32>
        %swap3A_997 = arith.constant 0 : i32
        %swap3A_998 = arith.index_cast %swap3A_997 : i32 to index
        %swap3A_999 = arith.index_cast %add3A_971 : i32 to index
        %swap3A_1000 = arith.constant 16 : index
        %swap3A_1001 = tpu.vector_load %arg6[%swap3A_998, %swap3A_999, %swap3A_1000] {strides = array<i32>} : memref<2x640x64xf32, #tpu.memory_space<vmem>>, vector<1x1x16xf32>,
        %swap3A_1002 = vector.shape_cast %swap3A_1001 : vector<1x1x16xf32> to vector<16xf32>
        %swap3A_1003 = vector.shape_cast %mul3A_996 : vector<16xf32> to vector<1x1x16xf32>
        tpu.vector_store %arg6[%swap3A_998, %swap3A_999, %swap3A_1000], %swap3A_1003 {strides = array<i32>} : memref<2x640x64xf32, #tpu.memory_space<vmem>>, vector<1x1x16xf32>,
        %get3A_1004 = arith.constant 0 : i32
        %get3A_1005 = arith.index_cast %get3A_1004 : i32 to index
        %get3A_1006 = arith.index_cast %add3A_971 : i32 to index
        %get3A_1007 = arith.constant 32 : index
        %get3A_1008 = tpu.vector_load %arg6[%get3A_1005, %get3A_1006, %get3A_1007] {strides = array<i32>} : memref<2x640x64xf32, #tpu.memory_space<vmem>>, vector<1x1x16xf32>,
        %get3A_1009 = vector.shape_cast %get3A_1008 : vector<1x1x16xf32> to vector<16xf32>
        %mul3A_1010 = arith.constant 8.000000e+00 : f32
        %mul3A_1011 = vector.broadcast %mul3A_1010 : f32 to vector<16xf32>
        %mul3A_1012 = arith.mulf %get3A_1009, %mul3A_1011 : vector<16xf32>
        %swap3A_1013 = arith.constant 0 : i32
        %swap3A_1014 = arith.index_cast %swap3A_1013 : i32 to index
        %swap3A_1015 = arith.index_cast %add3A_971 : i32 to index
        %swap3A_1016 = arith.constant 32 : index
        %swap3A_1017 = tpu.vector_load %arg6[%swap3A_1014, %swap3A_1015, %swap3A_1016] {strides = array<i32>} : memref<2x640x64xf32, #tpu.memory_space<vmem>>, vector<1x1x16xf32>,
        %swap3A_1018 = vector.shape_cast %swap3A_1017 : vector<1x1x16xf32> to vector<16xf32>
        %swap3A_1019 = vector.shape_cast %mul3A_1012 : vector<16xf32> to vector<1x1x16xf32>
        tpu.vector_store %arg6[%swap3A_1014, %swap3A_1015, %swap3A_1016], %swap3A_1019 {strides = array<i32>} : memref<2x640x64xf32, #tpu.memory_space<vmem>>, vector<1x1x16xf32>,
        %get3A_1020 = arith.constant 0 : i32
        %get3A_1021 = arith.index_cast %get3A_1020 : i32 to index
        %get3A_1022 = arith.index_cast %add3A_971 : i32 to index
        %get3A_1023 = arith.constant 48 : index
        %get3A_1024 = tpu.vector_load %arg6[%get3A_1021, %get3A_1022, %get3A_1023] {strides = array<i32>} : memref<2x640x64xf32, #tpu.memory_space<vmem>>, vector<1x1x16xf32>,
        %get3A_1025 = vector.shape_cast %get3A_1024 : vector<1x1x16xf32> to vector<16xf32>
        %mul3A_1026 = arith.constant 8.000000e+00 : f32
        %mul3A_1027 = vector.broadcast %mul3A_1026 : f32 to vector<16xf32>
        %mul3A_1028 = arith.mulf %get3A_1025, %mul3A_1027 : vector<16xf32>
        %swap3A_1029 = arith.constant 0 : i32
        %swap3A_1030 = arith.index_cast %swap3A_1029 : i32 to index
        %swap3A_1031 = arith.index_cast %add3A_971 : i32 to index
        %swap3A_1032 = arith.constant 48 : index
        %swap3A_1033 = tpu.vector_load %arg6[%swap3A_1030, %swap3A_1031, %swap3A_1032] {strides = array<i32>} : memref<2x640x64xf32, #tpu.memory_space<vmem>>, vector<1x1x16xf32>,
        %swap3A_1034 = vector.shape_cast %swap3A_1033 : vector<1x1x16xf32> to vector<16xf32>
        %swap3A_1035 = vector.shape_cast %mul3A_1028 : vector<16xf32> to vector<1x1x16xf32>
        tpu.vector_store %arg6[%swap3A_1030, %swap3A_1031, %swap3A_1032], %swap3A_1035 {strides = array<i32>} : memref<2x640x64xf32, #tpu.memory_space<vmem>>, vector<1x1x16xf32>,
        %mul3A_1036 = arith.constant 8 : i32
        %mul3A_1037 = arith.muli %scan3A_561, %mul3A_1036 : i32
        %add3A_1038 = arith.constant 7 : i32
        %add3A_1039 = arith.addi %mul3A_1037, %add3A_1038 : i32
        %get3A_1040 = arith.constant 0 : i32
        %get3A_1041 = arith.index_cast %get3A_1040 : i32 to index
        %get3A_1042 = arith.index_cast %add3A_1039 : i32 to index
        %get3A_1043 = arith.constant 0 : index
        %get3A_1044 = tpu.vector_load %arg6[%get3A_1041, %get3A_1042, %get3A_1043] {strides = array<i32>} : memref<2x640x64xf32, #tpu.memory_space<vmem>>, vector<1x1x16xf32>,
        %get3A_1045 = vector.shape_cast %get3A_1044 : vector<1x1x16xf32> to vector<16xf32>
        %mul3A_1046 = arith.constant 8.000000e+00 : f32
        %mul3A_1047 = vector.broadcast %mul3A_1046 : f32 to vector<16xf32>
        %mul3A_1048 = arith.mulf %get3A_1045, %mul3A_1047 : vector<16xf32>
        %swap3A_1049 = arith.constant 0 : i32
        %swap3A_1050 = arith.index_cast %swap3A_1049 : i32 to index
        %swap3A_1051 = arith.index_cast %add3A_1039 : i32 to index
        %swap3A_1052 = arith.constant 0 : index
        %swap3A_1053 = tpu.vector_load %arg6[%swap3A_1050, %swap3A_1051, %swap3A_1052] {strides = array<i32>} : memref<2x640x64xf32, #tpu.memory_space<vmem>>, vector<1x1x16xf32>,
        %swap3A_1054 = vector.shape_cast %swap3A_1053 : vector<1x1x16xf32> to vector<16xf32>
        %swap3A_1055 = vector.shape_cast %mul3A_1048 : vector<16xf32> to vector<1x1x16xf32>
        tpu.vector_store %arg6[%swap3A_1050, %swap3A_1051, %swap3A_1052], %swap3A_1055 {strides = array<i32>} : memref<2x640x64xf32, #tpu.memory_space<vmem>>, vector<1x1x16xf32>,
        %get3A_1056 = arith.constant 0 : i32
        %get3A_1057 = arith.index_cast %get3A_1056 : i32 to index
        %get3A_1058 = arith.index_cast %add3A_1039 : i32 to index
        %get3A_1059 = arith.constant 16 : index
        %get3A_1060 = tpu.vector_load %arg6[%get3A_1057, %get3A_1058, %get3A_1059] {strides = array<i32>} : memref<2x640x64xf32, #tpu.memory_space<vmem>>, vector<1x1x16xf32>,
        %get3A_1061 = vector.shape_cast %get3A_1060 : vector<1x1x16xf32> to vector<16xf32>
        %mul3A_1062 = arith.constant 8.000000e+00 : f32
        %mul3A_1063 = vector.broadcast %mul3A_1062 : f32 to vector<16xf32>
        %mul3A_1064 = arith.mulf %get3A_1061, %mul3A_1063 : vector<16xf32>
        %swap3A_1065 = arith.constant 0 : i32
        %swap3A_1066 = arith.index_cast %swap3A_1065 : i32 to index
        %swap3A_1067 = arith.index_cast %add3A_1039 : i32 to index
        %swap3A_1068 = arith.constant 16 : index
        %swap3A_1069 = tpu.vector_load %arg6[%swap3A_1066, %swap3A_1067, %swap3A_1068] {strides = array<i32>} : memref<2x640x64xf32, #tpu.memory_space<vmem>>, vector<1x1x16xf32>,
        %swap3A_1070 = vector.shape_cast %swap3A_1069 : vector<1x1x16xf32> to vector<16xf32>
        %swap3A_1071 = vector.shape_cast %mul3A_1064 : vector<16xf32> to vector<1x1x16xf32>
        tpu.vector_store %arg6[%swap3A_1066, %swap3A_1067, %swap3A_1068], %swap3A_1071 {strides = array<i32>} : memref<2x640x64xf32, #tpu.memory_space<vmem>>, vector<1x1x16xf32>,
        %get3A_1072 = arith.constant 0 : i32
        %get3A_1073 = arith.index_cast %get3A_1072 : i32 to index
        %get3A_1074 = arith.index_cast %add3A_1039 : i32 to index
        %get3A_1075 = arith.constant 32 : index
        %get3A_1076 = tpu.vector_load %arg6[%get3A_1073, %get3A_1074, %get3A_1075] {strides = array<i32>} : memref<2x640x64xf32, #tpu.memory_space<vmem>>, vector<1x1x16xf32>,
        %get3A_1077 = vector.shape_cast %get3A_1076 : vector<1x1x16xf32> to vector<16xf32>
        %mul3A_1078 = arith.constant 8.000000e+00 : f32
        %mul3A_1079 = vector.broadcast %mul3A_1078 : f32 to vector<16xf32>
        %mul3A_1080 = arith.mulf %get3A_1077, %mul3A_1079 : vector<16xf32>
        %swap3A_1081 = arith.constant 0 : i32
        %swap3A_1082 = arith.index_cast %swap3A_1081 : i32 to index
        %swap3A_1083 = arith.index_cast %add3A_1039 : i32 to index
        %swap3A_1084 = arith.constant 32 : index
        %swap3A_1085 = tpu.vector_load %arg6[%swap3A_1082, %swap3A_1083, %swap3A_1084] {strides = array<i32>} : memref<2x640x64xf32, #tpu.memory_space<vmem>>, vector<1x1x16xf32>,
        %swap3A_1086 = vector.shape_cast %swap3A_1085 : vector<1x1x16xf32> to vector<16xf32>
        %swap3A_1087 = vector.shape_cast %mul3A_1080 : vector<16xf32> to vector<1x1x16xf32>
        tpu.vector_store %arg6[%swap3A_1082, %swap3A_1083, %swap3A_1084], %swap3A_1087 {strides = array<i32>} : memref<2x640x64xf32, #tpu.memory_space<vmem>>, vector<1x1x16xf32>,
        %get3A_1088 = arith.constant 0 : i32
        %get3A_1089 = arith.index_cast %get3A_1088 : i32 to index
        %get3A_1090 = arith.index_cast %add3A_1039 : i32 to index
        %get3A_1091 = arith.constant 48 : index
        %get3A_1092 = tpu.vector_load %arg6[%get3A_1089, %get3A_1090, %get3A_1091] {strides = array<i32>} : memref<2x640x64xf32, #tpu.memory_space<vmem>>, vector<1x1x16xf32>,
        %get3A_1093 = vector.shape_cast %get3A_1092 : vector<1x1x16xf32> to vector<16xf32>
        %mul3A_1094 = arith.constant 8.000000e+00 : f32
        %mul3A_1095 = vector.broadcast %mul3A_1094 : f32 to vector<16xf32>
        %mul3A_1096 = arith.mulf %get3A_1093, %mul3A_1095 : vector<16xf32>
        %swap3A_1097 = arith.constant 0 : i32
        %swap3A_1098 = arith.index_cast %swap3A_1097 : i32 to index
        %swap3A_1099 = arith.index_cast %add3A_1039 : i32 to index
        %swap3A_1100 = arith.constant 48 : index
        %swap3A_1101 = tpu.vector_load %arg6[%swap3A_1098, %swap3A_1099, %swap3A_1100] {strides = array<i32>} : memref<2x640x64xf32, #tpu.memory_space<vmem>>, vector<1x1x16xf32>,
        %swap3A_1102 = vector.shape_cast %swap3A_1101 : vector<1x1x16xf32> to vector<16xf32>
        %swap3A_1103 = vector.shape_cast %mul3A_1096 : vector<16xf32> to vector<1x1x16xf32>
        tpu.vector_store %arg6[%swap3A_1098, %swap3A_1099, %swap3A_1100], %swap3A_1103 {strides = array<i32>} : memref<2x640x64xf32, #tpu.memory_space<vmem>>, vector<1x1x16xf32>,
      }
      %scan3A_544 = arith.constant 80 : i32
      %mul3A_545 = arith.constant 640 : i32
      %mul3A_546 = arith.muli %add3A_416, %mul3A_545 : i32
      %add3A_547 = arith.addi %mul3A_4, %mul3A_546 : i32
      %dma_start3A_548 = arith.constant 0 : i32
      %dma_start3A_549 = arith.constant 0 : i32
      %dma_start3A_550 = arith.constant 0 : i32
      %dma_start3A_551 = tpu.memref_slice %arg6[%dma_start3A_548, %dma_start3A_549, %dma_start3A_550] : memref<2x640x64xf32, #tpu.memory_space<vmem>> -> memref<1x640x64xf32, #tpu.memory_space<vmem>>
      %dma_start3A_552 = tpu.memref_squeeze %dma_start3A_551 : memref<1x640x64xf32, #tpu.memory_space<vmem>> -> memref<640x64xf32, #tpu.memory_space<vmem>>
      %dma_start3A_553 = arith.constant 0 : i32
      %dma_start3A_554 = tpu.memref_slice %arg4[%add3A_547, %dma_start3A_553] : memref<819200x64xf32, #tpu.memory_space<hbm>> -> memref<640x64xf32, #tpu.memory_space<hbm>>
      %dma_start3A_555 = arith.constant 0 : i32
      %dma_start3A_556 = tpu.memref_slice %arg4[%add3A_547, %dma_start3A_555] : memref<819200x64xf32, #tpu.memory_space<hbm>> -> memref<640x64xf32, #tpu.memory_space<hbm>>
      %dma_start3A_557 = arith.constant 0 : i32
      %dma_start3A_558 = arith.constant 0 : i32
      %dma_start3A_559 = tpu.memref_slice %arg6[%dma_start3A_548, %dma_start3A_557, %dma_start3A_558] : memref<2x640x64xf32, #tpu.memory_space<vmem>> -> memref<1x640x64xf32, #tpu.memory_space<vmem>>
      %dma_start3A_560 = tpu.memref_squeeze %dma_start3A_559 : memref<1x640x64xf32, #tpu.memory_space<vmem>> -> memref<640x64xf32, #tpu.memory_space<vmem>>
      tpu.enqueue_dma source(%dma_start3A_560 : memref<640x64xf32, #tpu.memory_space<vmem>>) target(%dma_start3A_556 : memref<640x64xf32, #tpu.memory_space<hbm>>) target_semaphore(%arg9 : memref<!tpu.dma_semaphore, #tpu.memory_space<semaphore_mem>>)
    }
    %scan3A_193 = arith.constant 19 : i32
    %dma_wait3A_194 = arith.constant 1 : i32
    %dma_wait3A_195 = arith.constant 0 : i32
    %dma_wait3A_196 = arith.constant 0 : i32
    %dma_wait3A_197 = tpu.memref_slice %arg6[%dma_wait3A_194, %dma_wait3A_195, %dma_wait3A_196] : memref<2x640x64xf32, #tpu.memory_space<vmem>> -> memref<1x640x64xf32, #tpu.memory_space<vmem>>
    %dma_wait3A_198 = tpu.memref_squeeze %dma_wait3A_197 : memref<1x640x64xf32, #tpu.memory_space<vmem>> -> memref<640x64xf32, #tpu.memory_space<vmem>>
    %dma_wait3A_199 = arith.constant 0 : i32
    %dma_wait3A_200 = arith.constant 0 : i32
    %dma_wait3A_201 = tpu.memref_slice %arg4[%dma_wait3A_199, %dma_wait3A_200] : memref<819200x64xf32, #tpu.memory_space<hbm>> -> memref<640x64xf32, #tpu.memory_space<hbm>>
    %dma_wait3A_202 = arith.constant 0 : i32
    %dma_wait3A_203 = arith.constant 0 : i32
    %dma_wait3A_204 = tpu.memref_slice %arg6[%dma_wait3A_194, %dma_wait3A_202, %dma_wait3A_203] : memref<2x640x64xf32, #tpu.memory_space<vmem>> -> memref<1x640x64xf32, #tpu.memory_space<vmem>>
    %dma_wait3A_205 = tpu.memref_squeeze %dma_wait3A_204 : memref<1x640x64xf32, #tpu.memory_space<vmem>> -> memref<640x64xf32, #tpu.memory_space<vmem>>
    %dma_wait3A_206 = arith.constant 0 : i32
    %dma_wait3A_207 = arith.constant 0 : i32
    %dma_wait3A_208 = tpu.memref_slice %arg4[%dma_wait3A_206, %dma_wait3A_207] : memref<819200x64xf32, #tpu.memory_space<hbm>> -> memref<640x64xf32, #tpu.memory_space<hbm>>
    tpu.wait_dma2 semaphore(%arg8 : memref<!tpu.dma_semaphore, #tpu.memory_space<semaphore_mem>>) src(%dma_wait3A_208 : memref<640x64xf32, #tpu.memory_space<hbm>>) dst(%dma_wait3A_205 : memref<640x64xf32, #tpu.memory_space<vmem>>)
    %scan3A_209 = arith.constant 0 : i32
    %scan3A_210 = arith.constant 0 : i32
    %scan3A_211 = arith.constant 80 : i32
    %scan3A_212 = arith.addi %scan3A_210, %scan3A_211 : i32
    %scan3A_213 = arith.constant 1 : i32
    scf.for %scan3A_260 = %scan3A_210 to %scan3A_212 step %scan3A_213  : i32 {
      %mul3A_261 = arith.constant 8 : i32
      %mul3A_262 = arith.muli %scan3A_260, %mul3A_261 : i32
      %add3A_263 = arith.constant 0 : i32
      %add3A_264 = arith.addi %mul3A_262, %add3A_263 : i32
      %get3A = arith.constant 1 : i32
      %get3A_265 = arith.index_cast %get3A : i32 to index
      %get3A_266 = arith.index_cast %add3A_264 : i32 to index
      %get3A_267 = arith.constant 0 : index
      %get3A_268 = tpu.vector_load %arg6[%get3A_265, %get3A_266, %get3A_267] {strides = array<i32>} : memref<2x640x64xf32, #tpu.memory_space<vmem>>, vector<1x1x16xf32>,
      %get3A_269 = vector.shape_cast %get3A_268 : vector<1x1x16xf32> to vector<16xf32>
      %mul3A_270 = arith.constant 8.000000e+00 : f32
      %mul3A_271 = vector.broadcast %mul3A_270 : f32 to vector<16xf32>
      %mul3A_272 = arith.mulf %get3A_269, %mul3A_271 : vector<16xf32>
      %swap3A = arith.constant 1 : i32
      %swap3A_273 = arith.index_cast %swap3A : i32 to index
      %swap3A_274 = arith.index_cast %add3A_264 : i32 to index
      %swap3A_275 = arith.constant 0 : index
      %swap3A_276 = tpu.vector_load %arg6[%swap3A_273, %swap3A_274, %swap3A_275] {strides = array<i32>} : memref<2x640x64xf32, #tpu.memory_space<vmem>>, vector<1x1x16xf32>,
      %swap3A_277 = vector.shape_cast %swap3A_276 : vector<1x1x16xf32> to vector<16xf32>
      %swap3A_278 = vector.shape_cast %mul3A_272 : vector<16xf32> to vector<1x1x16xf32>
      tpu.vector_store %arg6[%swap3A_273, %swap3A_274, %swap3A_275], %swap3A_278 {strides = array<i32>} : memref<2x640x64xf32, #tpu.memory_space<vmem>>, vector<1x1x16xf32>,
      %get3A_279 = arith.constant 1 : i32
      %get3A_280 = arith.index_cast %get3A_279 : i32 to index
      %get3A_281 = arith.index_cast %add3A_264 : i32 to index
      %get3A_282 = arith.constant 16 : index
      %get3A_283 = tpu.vector_load %arg6[%get3A_280, %get3A_281, %get3A_282] {strides = array<i32>} : memref<2x640x64xf32, #tpu.memory_space<vmem>>, vector<1x1x16xf32>,
      %get3A_284 = vector.shape_cast %get3A_283 : vector<1x1x16xf32> to vector<16xf32>
      %mul3A_285 = arith.constant 8.000000e+00 : f32
      %mul3A_286 = vector.broadcast %mul3A_285 : f32 to vector<16xf32>
      %mul3A_287 = arith.mulf %get3A_284, %mul3A_286 : vector<16xf32>
      %swap3A_288 = arith.constant 1 : i32
      %swap3A_289 = arith.index_cast %swap3A_288 : i32 to index
      %swap3A_290 = arith.index_cast %add3A_264 : i32 to index
      %swap3A_291 = arith.constant 16 : index
      %swap3A_292 = tpu.vector_load %arg6[%swap3A_289, %swap3A_290, %swap3A_291] {strides = array<i32>} : memref<2x640x64xf32, #tpu.memory_space<vmem>>, vector<1x1x16xf32>,
      %swap3A_293 = vector.shape_cast %swap3A_292 : vector<1x1x16xf32> to vector<16xf32>
      %swap3A_294 = vector.shape_cast %mul3A_287 : vector<16xf32> to vector<1x1x16xf32>
      tpu.vector_store %arg6[%swap3A_289, %swap3A_290, %swap3A_291], %swap3A_294 {strides = array<i32>} : memref<2x640x64xf32, #tpu.memory_space<vmem>>, vector<1x1x16xf32>,
      %get3A_295 = arith.constant 1 : i32
      %get3A_296 = arith.index_cast %get3A_295 : i32 to index
      %get3A_297 = arith.index_cast %add3A_264 : i32 to index
      %get3A_298 = arith.constant 32 : index
      %get3A_299 = tpu.vector_load %arg6[%get3A_296, %get3A_297, %get3A_298] {strides = array<i32>} : memref<2x640x64xf32, #tpu.memory_space<vmem>>, vector<1x1x16xf32>,
      %get3A_300 = vector.shape_cast %get3A_299 : vector<1x1x16xf32> to vector<16xf32>
      %mul3A_301 = arith.constant 8.000000e+00 : f32
      %mul3A_302 = vector.broadcast %mul3A_301 : f32 to vector<16xf32>
      %mul3A_303 = arith.mulf %get3A_300, %mul3A_302 : vector<16xf32>
      %swap3A_304 = arith.constant 1 : i32
      %swap3A_305 = arith.index_cast %swap3A_304 : i32 to index
      %swap3A_306 = arith.index_cast %add3A_264 : i32 to index
      %swap3A_307 = arith.constant 32 : index
      %swap3A_308 = tpu.vector_load %arg6[%swap3A_305, %swap3A_306, %swap3A_307] {strides = array<i32>} : memref<2x640x64xf32, #tpu.memory_space<vmem>>, vector<1x1x16xf32>,
      %swap3A_309 = vector.shape_cast %swap3A_308 : vector<1x1x16xf32> to vector<16xf32>
      %swap3A_310 = vector.shape_cast %mul3A_303 : vector<16xf32> to vector<1x1x16xf32>
      tpu.vector_store %arg6[%swap3A_305, %swap3A_306, %swap3A_307], %swap3A_310 {strides = array<i32>} : memref<2x640x64xf32, #tpu.memory_space<vmem>>, vector<1x1x16xf32>,
      %get3A_311 = arith.constant 1 : i32
      %get3A_312 = arith.index_cast %get3A_311 : i32 to index
      %get3A_313 = arith.index_cast %add3A_264 : i32 to index
      %get3A_314 = arith.constant 48 : index
      %get3A_315 = tpu.vector_load %arg6[%get3A_312, %get3A_313, %get3A_314] {strides = array<i32>} : memref<2x640x64xf32, #tpu.memory_space<vmem>>, vector<1x1x16xf32>,
      %get3A_316 = vector.shape_cast %get3A_315 : vector<1x1x16xf32> to vector<16xf32>
      %mul3A_317 = arith.constant 8.000000e+00 : f32
      %mul3A_318 = vector.broadcast %mul3A_317 : f32 to vector<16xf32>
      %mul3A_319 = arith.mulf %get3A_316, %mul3A_318 : vector<16xf32>
      %swap3A_320 = arith.constant 1 : i32
      %swap3A_321 = arith.index_cast %swap3A_320 : i32 to index
      %swap3A_322 = arith.index_cast %add3A_264 : i32 to index
      %swap3A_323 = arith.constant 48 : index
      %swap3A_324 = tpu.vector_load %arg6[%swap3A_321, %swap3A_322, %swap3A_323] {strides = array<i32>} : memref<2x640x64xf32, #tpu.memory_space<vmem>>, vector<1x1x16xf32>,
      %swap3A_325 = vector.shape_cast %swap3A_324 : vector<1x1x16xf32> to vector<16xf32>
      %swap3A_326 = vector.shape_cast %mul3A_319 : vector<16xf32> to vector<1x1x16xf32>
      tpu.vector_store %arg6[%swap3A_321, %swap3A_322, %swap3A_323], %swap3A_326 {strides = array<i32>} : memref<2x640x64xf32, #tpu.memory_space<vmem>>, vector<1x1x16xf32>,
      %mul3A_327 = arith.constant 8 : i32
      %mul3A_328 = arith.muli %scan3A_260, %mul3A_327 : i32
      %add3A_329 = arith.constant 1 : i32
      %add3A_330 = arith.addi %mul3A_328, %add3A_329 : i32
      %get3A_331 = arith.constant 1 : i32
      %get3A_332 = arith.index_cast %get3A_331 : i32 to index
      %get3A_333 = arith.index_cast %add3A_330 : i32 to index
      %get3A_334 = arith.constant 0 : index
      %get3A_335 = tpu.vector_load %arg6[%get3A_332, %get3A_333, %get3A_334] {strides = array<i32>} : memref<2x640x64xf32, #tpu.memory_space<vmem>>, vector<1x1x16xf32>,
      %get3A_336 = vector.shape_cast %get3A_335 : vector<1x1x16xf32> to vector<16xf32>
      %mul3A_337 = arith.constant 8.000000e+00 : f32
      %mul3A_338 = vector.broadcast %mul3A_337 : f32 to vector<16xf32>
      %mul3A_339 = arith.mulf %get3A_336, %mul3A_338 : vector<16xf32>
      %swap3A_340 = arith.constant 1 : i32
      %swap3A_341 = arith.index_cast %swap3A_340 : i32 to index
      %swap3A_342 = arith.index_cast %add3A_330 : i32 to index
      %swap3A_343 = arith.constant 0 : index
      %swap3A_344 = tpu.vector_load %arg6[%swap3A_341, %swap3A_342, %swap3A_343] {strides = array<i32>} : memref<2x640x64xf32, #tpu.memory_space<vmem>>, vector<1x1x16xf32>,
      %swap3A_345 = vector.shape_cast %swap3A_344 : vector<1x1x16xf32> to vector<16xf32>
      %swap3A_346 = vector.shape_cast %mul3A_339 : vector<16xf32> to vector<1x1x16xf32>
      tpu.vector_store %arg6[%swap3A_341, %swap3A_342, %swap3A_343], %swap3A_346 {strides = array<i32>} : memref<2x640x64xf32, #tpu.memory_space<vmem>>, vector<1x1x16xf32>,
      %get3A_347 = arith.constant 1 : i32
      %get3A_348 = arith.index_cast %get3A_347 : i32 to index
      %get3A_349 = arith.index_cast %add3A_330 : i32 to index
      %get3A_350 = arith.constant 16 : index
      %get3A_351 = tpu.vector_load %arg6[%get3A_348, %get3A_349, %get3A_350] {strides = array<i32>} : memref<2x640x64xf32, #tpu.memory_space<vmem>>, vector<1x1x16xf32>,
      %get3A_352 = vector.shape_cast %get3A_351 : vector<1x1x16xf32> to vector<16xf32>
      %mul3A_353 = arith.constant 8.000000e+00 : f32
      %mul3A_354 = vector.broadcast %mul3A_353 : f32 to vector<16xf32>
      %mul3A_355 = arith.mulf %get3A_352, %mul3A_354 : vector<16xf32>
      %swap3A_356 = arith.constant 1 : i32
      %swap3A_357 = arith.index_cast %swap3A_356 : i32 to index
      %swap3A_358 = arith.index_cast %add3A_330 : i32 to index
      %swap3A_359 = arith.constant 16 : index
      %swap3A_360 = tpu.vector_load %arg6[%swap3A_357, %swap3A_358, %swap3A_359] {strides = array<i32>} : memref<2x640x64xf32, #tpu.memory_space<vmem>>, vector<1x1x16xf32>,
      %swap3A_361 = vector.shape_cast %swap3A_360 : vector<1x1x16xf32> to vector<16xf32>
      %swap3A_362 = vector.shape_cast %mul3A_355 : vector<16xf32> to vector<1x1x16xf32>
      tpu.vector_store %arg6[%swap3A_357, %swap3A_358, %swap3A_359], %swap3A_362 {strides = array<i32>} : memref<2x640x64xf32, #tpu.memory_space<vmem>>, vector<1x1x16xf32>,
      %get3A_363 = arith.constant 1 : i32
      %get3A_364 = arith.index_cast %get3A_363 : i32 to index
      %get3A_365 = arith.index_cast %add3A_330 : i32 to index
      %get3A_366 = arith.constant 32 : index
      %get3A_367 = tpu.vector_load %arg6[%get3A_364, %get3A_365, %get3A_366] {strides = array<i32>} : memref<2x640x64xf32, #tpu.memory_space<vmem>>, vector<1x1x16xf32>,
      %get3A_368 = vector.shape_cast %get3A_367 : vector<1x1x16xf32> to vector<16xf32>
      %mul3A_369 = arith.constant 8.000000e+00 : f32
      %mul3A_370 = vector.broadcast %mul3A_369 : f32 to vector<16xf32>
      %mul3A_371 = arith.mulf %get3A_368, %mul3A_370 : vector<16xf32>
      %swap3A_372 = arith.constant 1 : i32
      %swap3A_373 = arith.index_cast %swap3A_372 : i32 to index
      %swap3A_374 = arith.index_cast %add3A_330 : i32 to index
      %swap3A_375 = arith.constant 32 : index
      %swap3A_376 = tpu.vector_load %arg6[%swap3A_373, %swap3A_374, %swap3A_375] {strides = array<i32>} : memref<2x640x64xf32, #tpu.memory_space<vmem>>, vector<1x1x16xf32>,
      %swap3A_377 = vector.shape_cast %swap3A_376 : vector<1x1x16xf32> to vector<16xf32>
      %swap3A_378 = vector.shape_cast %mul3A_371 : vector<16xf32> to vector<1x1x16xf32>
      tpu.vector_store %arg6[%swap3A_373, %swap3A_374, %swap3A_375], %swap3A_378 {strides = array<i32>} : memref<2x640x64xf32, #tpu.memory_space<vmem>>, vector<1x1x16xf32>,
      %get3A_379 = arith.constant 1 : i32
      %get3A_380 = arith.index_cast %get3A_379 : i32 to index
      %get3A_381 = arith.index_cast %add3A_330 : i32 to index
      %get3A_382 = arith.constant 48 : index
      %get3A_383 = tpu.vector_load %arg6[%get3A_380, %get3A_381, %get3A_382] {strides = array<i32>} : memref<2x640x64xf32, #tpu.memory_space<vmem>>, vector<1x1x16xf32>,
      %get3A_384 = vector.shape_cast %get3A_383 : vector<1x1x16xf32> to vector<16xf32>
      %mul3A_385 = arith.constant 8.000000e+00 : f32
      %mul3A_386 = vector.broadcast %mul3A_385 : f32 to vector<16xf32>
      %mul3A_387 = arith.mulf %get3A_384, %mul3A_386 : vector<16xf32>
      %swap3A_388 = arith.constant 1 : i32
      %swap3A_389 = arith.index_cast %swap3A_388 : i32 to index
      %swap3A_390 = arith.index_cast %add3A_330 : i32 to index
      %swap3A_391 = arith.constant 48 : index
      %swap3A_392 = tpu.vector_load %arg6[%swap3A_389, %swap3A_390, %swap3A_391] {strides = array<i32>} : memref<2x640x64xf32, #tpu.memory_space<vmem>>, vector<1x1x16xf32>,
      %swap3A_393 = vector.shape_cast %swap3A_392 : vector<1x1x16xf32> to vector<16xf32>
      %swap3A_394 = vector.shape_cast %mul3A_387 : vector<16xf32> to vector<1x1x16xf32>
      tpu.vector_store %arg6[%swap3A_389, %swap3A_390, %swap3A_391], %swap3A_394 {strides = array<i32>} : memref<2x640x64xf32, #tpu.memory_space<vmem>>, vector<1x1x16xf32>,
      %mul3A_395 = arith.constant 8 : i32
      %mul3A_396 = arith.muli %scan3A_260, %mul3A_395 : i32
      %add3A_397 = arith.constant 2 : i32
      %add3A_398 = arith.addi %mul3A_396, %add3A_397 : i32
      %get3A_399 = arith.constant 1 : i32
      %get3A_400 = arith.index_cast %get3A_399 : i32 to index
      %get3A_401 = arith.index_cast %add3A_398 : i32 to index
      %get3A_402 = arith.constant 0 : index
      %get3A_403 = tpu.vector_load %arg6[%get3A_400, %get3A_401, %get3A_402] {strides = array<i32>} : memref<2x640x64xf32, #tpu.memory_space<vmem>>, vector<1x1x16xf32>,
      %get3A_404 = vector.shape_cast %get3A_403 : vector<1x1x16xf32> to vector<16xf32>
      %mul3A_405 = arith.constant 8.000000e+00 : f32
      %mul3A_406 = vector.broadcast %mul3A_405 : f32 to vector<16xf32>
      %mul3A_407 = arith.mulf %get3A_404, %mul3A_406 : vector<16xf32>
      %swap3A_408 = arith.constant 1 : i32
      %swap3A_409 = arith.index_cast %swap3A_408 : i32 to index
      %swap3A_410 = arith.index_cast %add3A_398 : i32 to index
      %swap3A_411 = arith.constant 0 : index
      %swap3A_412 = tpu.vector_load %arg6[%swap3A_409, %swap3A_410, %swap3A_411] {strides = array<i32>} : memref<2x640x64xf32, #tpu.memory_space<vmem>>, vector<1x1x16xf32>,
      %swap3A_413 = vector.shape_cast %swap3A_412 : vector<1x1x16xf32> to vector<16xf32>
      %swap3A_414 = vector.shape_cast %mul3A_407 : vector<16xf32> to vector<1x1x16xf32>
      tpu.vector_store %arg6[%swap3A_409, %swap3A_410, %swap3A_411], %swap3A_414 {strides = array<i32>} : memref<2x640x64xf32, #tpu.memory_space<vmem>>, vector<1x1x16xf32>,
      %get3A_415 = arith.constant 1 : i32
      %get3A_416 = arith.index_cast %get3A_415 : i32 to index
      %get3A_417 = arith.index_cast %add3A_398 : i32 to index
      %get3A_418 = arith.constant 16 : index
      %get3A_419 = tpu.vector_load %arg6[%get3A_416, %get3A_417, %get3A_418] {strides = array<i32>} : memref<2x640x64xf32, #tpu.memory_space<vmem>>, vector<1x1x16xf32>,
      %get3A_420 = vector.shape_cast %get3A_419 : vector<1x1x16xf32> to vector<16xf32>
      %mul3A_421 = arith.constant 8.000000e+00 : f32
      %mul3A_422 = vector.broadcast %mul3A_421 : f32 to vector<16xf32>
      %mul3A_423 = arith.mulf %get3A_420, %mul3A_422 : vector<16xf32>
      %swap3A_424 = arith.constant 1 : i32
      %swap3A_425 = arith.index_cast %swap3A_424 : i32 to index
      %swap3A_426 = arith.index_cast %add3A_398 : i32 to index
      %swap3A_427 = arith.constant 16 : index
      %swap3A_428 = tpu.vector_load %arg6[%swap3A_425, %swap3A_426, %swap3A_427] {strides = array<i32>} : memref<2x640x64xf32, #tpu.memory_space<vmem>>, vector<1x1x16xf32>,
      %swap3A_429 = vector.shape_cast %swap3A_428 : vector<1x1x16xf32> to vector<16xf32>
      %swap3A_430 = vector.shape_cast %mul3A_423 : vector<16xf32> to vector<1x1x16xf32>
      tpu.vector_store %arg6[%swap3A_425, %swap3A_426, %swap3A_427], %swap3A_430 {strides = array<i32>} : memref<2x640x64xf32, #tpu.memory_space<vmem>>, vector<1x1x16xf32>,
      %get3A_431 = arith.constant 1 : i32
      %get3A_432 = arith.index_cast %get3A_431 : i32 to index
      %get3A_433 = arith.index_cast %add3A_398 : i32 to index
      %get3A_434 = arith.constant 32 : index
      %get3A_435 = tpu.vector_load %arg6[%get3A_432, %get3A_433, %get3A_434] {strides = array<i32>} : memref<2x640x64xf32, #tpu.memory_space<vmem>>, vector<1x1x16xf32>,
      %get3A_436 = vector.shape_cast %get3A_435 : vector<1x1x16xf32> to vector<16xf32>
      %mul3A_437 = arith.constant 8.000000e+00 : f32
      %mul3A_438 = vector.broadcast %mul3A_437 : f32 to vector<16xf32>
      %mul3A_439 = arith.mulf %get3A_436, %mul3A_438 : vector<16xf32>
      %swap3A_440 = arith.constant 1 : i32
      %swap3A_441 = arith.index_cast %swap3A_440 : i32 to index
      %swap3A_442 = arith.index_cast %add3A_398 : i32 to index
      %swap3A_443 = arith.constant 32 : index
      %swap3A_444 = tpu.vector_load %arg6[%swap3A_441, %swap3A_442, %swap3A_443] {strides = array<i32>} : memref<2x640x64xf32, #tpu.memory_space<vmem>>, vector<1x1x16xf32>,
      %swap3A_445 = vector.shape_cast %swap3A_444 : vector<1x1x16xf32> to vector<16xf32>
      %swap3A_446 = vector.shape_cast %mul3A_439 : vector<16xf32> to vector<1x1x16xf32>
      tpu.vector_store %arg6[%swap3A_441, %swap3A_442, %swap3A_443], %swap3A_446 {strides = array<i32>} : memref<2x640x64xf32, #tpu.memory_space<vmem>>, vector<1x1x16xf32>,
      %get3A_447 = arith.constant 1 : i32
      %get3A_448 = arith.index_cast %get3A_447 : i32 to index
      %get3A_449 = arith.index_cast %add3A_398 : i32 to index
      %get3A_450 = arith.constant 48 : index
      %get3A_451 = tpu.vector_load %arg6[%get3A_448, %get3A_449, %get3A_450] {strides = array<i32>} : memref<2x640x64xf32, #tpu.memory_space<vmem>>, vector<1x1x16xf32>,
      %get3A_452 = vector.shape_cast %get3A_451 : vector<1x1x16xf32> to vector<16xf32>
      %mul3A_453 = arith.constant 8.000000e+00 : f32
      %mul3A_454 = vector.broadcast %mul3A_453 : f32 to vector<16xf32>
      %mul3A_455 = arith.mulf %get3A_452, %mul3A_454 : vector<16xf32>
      %swap3A_456 = arith.constant 1 : i32
      %swap3A_457 = arith.index_cast %swap3A_456 : i32 to index
      %swap3A_458 = arith.index_cast %add3A_398 : i32 to index
      %swap3A_459 = arith.constant 48 : index
      %swap3A_460 = tpu.vector_load %arg6[%swap3A_457, %swap3A_458, %swap3A_459] {strides = array<i32>} : memref<2x640x64xf32, #tpu.memory_space<vmem>>, vector<1x1x16xf32>,
      %swap3A_461 = vector.shape_cast %swap3A_460 : vector<1x1x16xf32> to vector<16xf32>
      %swap3A_462 = vector.shape_cast %mul3A_455 : vector<16xf32> to vector<1x1x16xf32>
      tpu.vector_store %arg6[%swap3A_457, %swap3A_458, %swap3A_459], %swap3A_462 {strides = array<i32>} : memref<2x640x64xf32, #tpu.memory_space<vmem>>, vector<1x1x16xf32>,
      %mul3A_463 = arith.constant 8 : i32
      %mul3A_464 = arith.muli %scan3A_260, %mul3A_463 : i32
      %add3A_465 = arith.constant 3 : i32
      %add3A_466 = arith.addi %mul3A_464, %add3A_465 : i32
      %get3A_467 = arith.constant 1 : i32
      %get3A_468 = arith.index_cast %get3A_467 : i32 to index
      %get3A_469 = arith.index_cast %add3A_466 : i32 to index
      %get3A_470 = arith.constant 0 : index
      %get3A_471 = tpu.vector_load %arg6[%get3A_468, %get3A_469, %get3A_470] {strides = array<i32>} : memref<2x640x64xf32, #tpu.memory_space<vmem>>, vector<1x1x16xf32>,
      %get3A_472 = vector.shape_cast %get3A_471 : vector<1x1x16xf32> to vector<16xf32>
      %mul3A_473 = arith.constant 8.000000e+00 : f32
      %mul3A_474 = vector.broadcast %mul3A_473 : f32 to vector<16xf32>
      %mul3A_475 = arith.mulf %get3A_472, %mul3A_474 : vector<16xf32>
      %swap3A_476 = arith.constant 1 : i32
      %swap3A_477 = arith.index_cast %swap3A_476 : i32 to index
      %swap3A_478 = arith.index_cast %add3A_466 : i32 to index
      %swap3A_479 = arith.constant 0 : index
      %swap3A_480 = tpu.vector_load %arg6[%swap3A_477, %swap3A_478, %swap3A_479] {strides = array<i32>} : memref<2x640x64xf32, #tpu.memory_space<vmem>>, vector<1x1x16xf32>,
      %swap3A_481 = vector.shape_cast %swap3A_480 : vector<1x1x16xf32> to vector<16xf32>
      %swap3A_482 = vector.shape_cast %mul3A_475 : vector<16xf32> to vector<1x1x16xf32>
      tpu.vector_store %arg6[%swap3A_477, %swap3A_478, %swap3A_479], %swap3A_482 {strides = array<i32>} : memref<2x640x64xf32, #tpu.memory_space<vmem>>, vector<1x1x16xf32>,
      %get3A_483 = arith.constant 1 : i32
      %get3A_484 = arith.index_cast %get3A_483 : i32 to index
      %get3A_485 = arith.index_cast %add3A_466 : i32 to index
      %get3A_486 = arith.constant 16 : index
      %get3A_487 = tpu.vector_load %arg6[%get3A_484, %get3A_485, %get3A_486] {strides = array<i32>} : memref<2x640x64xf32, #tpu.memory_space<vmem>>, vector<1x1x16xf32>,
      %get3A_488 = vector.shape_cast %get3A_487 : vector<1x1x16xf32> to vector<16xf32>
      %mul3A_489 = arith.constant 8.000000e+00 : f32
      %mul3A_490 = vector.broadcast %mul3A_489 : f32 to vector<16xf32>
      %mul3A_491 = arith.mulf %get3A_488, %mul3A_490 : vector<16xf32>
      %swap3A_492 = arith.constant 1 : i32
      %swap3A_493 = arith.index_cast %swap3A_492 : i32 to index
      %swap3A_494 = arith.index_cast %add3A_466 : i32 to index
      %swap3A_495 = arith.constant 16 : index
      %swap3A_496 = tpu.vector_load %arg6[%swap3A_493, %swap3A_494, %swap3A_495] {strides = array<i32>} : memref<2x640x64xf32, #tpu.memory_space<vmem>>, vector<1x1x16xf32>,
      %swap3A_497 = vector.shape_cast %swap3A_496 : vector<1x1x16xf32> to vector<16xf32>
      %swap3A_498 = vector.shape_cast %mul3A_491 : vector<16xf32> to vector<1x1x16xf32>
      tpu.vector_store %arg6[%swap3A_493, %swap3A_494, %swap3A_495], %swap3A_498 {strides = array<i32>} : memref<2x640x64xf32, #tpu.memory_space<vmem>>, vector<1x1x16xf32>,
      %get3A_499 = arith.constant 1 : i32
      %get3A_500 = arith.index_cast %get3A_499 : i32 to index
      %get3A_501 = arith.index_cast %add3A_466 : i32 to index
      %get3A_502 = arith.constant 32 : index
      %get3A_503 = tpu.vector_load %arg6[%get3A_500, %get3A_501, %get3A_502] {strides = array<i32>} : memref<2x640x64xf32, #tpu.memory_space<vmem>>, vector<1x1x16xf32>,
      %get3A_504 = vector.shape_cast %get3A_503 : vector<1x1x16xf32> to vector<16xf32>
      %mul3A_505 = arith.constant 8.000000e+00 : f32
      %mul3A_506 = vector.broadcast %mul3A_505 : f32 to vector<16xf32>
      %mul3A_507 = arith.mulf %get3A_504, %mul3A_506 : vector<16xf32>
      %swap3A_508 = arith.constant 1 : i32
      %swap3A_509 = arith.index_cast %swap3A_508 : i32 to index
      %swap3A_510 = arith.index_cast %add3A_466 : i32 to index
      %swap3A_511 = arith.constant 32 : index
      %swap3A_512 = tpu.vector_load %arg6[%swap3A_509, %swap3A_510, %swap3A_511] {strides = array<i32>} : memref<2x640x64xf32, #tpu.memory_space<vmem>>, vector<1x1x16xf32>,
      %swap3A_513 = vector.shape_cast %swap3A_512 : vector<1x1x16xf32> to vector<16xf32>
      %swap3A_514 = vector.shape_cast %mul3A_507 : vector<16xf32> to vector<1x1x16xf32>
      tpu.vector_store %arg6[%swap3A_509, %swap3A_510, %swap3A_511], %swap3A_514 {strides = array<i32>} : memref<2x640x64xf32, #tpu.memory_space<vmem>>, vector<1x1x16xf32>,
      %get3A_515 = arith.constant 1 : i32
      %get3A_516 = arith.index_cast %get3A_515 : i32 to index
      %get3A_517 = arith.index_cast %add3A_466 : i32 to index
      %get3A_518 = arith.constant 48 : index
      %get3A_519 = tpu.vector_load %arg6[%get3A_516, %get3A_517, %get3A_518] {strides = array<i32>} : memref<2x640x64xf32, #tpu.memory_space<vmem>>, vector<1x1x16xf32>,
      %get3A_520 = vector.shape_cast %get3A_519 : vector<1x1x16xf32> to vector<16xf32>
      %mul3A_521 = arith.constant 8.000000e+00 : f32
      %mul3A_522 = vector.broadcast %mul3A_521 : f32 to vector<16xf32>
      %mul3A_523 = arith.mulf %get3A_520, %mul3A_522 : vector<16xf32>
      %swap3A_524 = arith.constant 1 : i32
      %swap3A_525 = arith.index_cast %swap3A_524 : i32 to index
      %swap3A_526 = arith.index_cast %add3A_466 : i32 to index
      %swap3A_527 = arith.constant 48 : index
      %swap3A_528 = tpu.vector_load %arg6[%swap3A_525, %swap3A_526, %swap3A_527] {strides = array<i32>} : memref<2x640x64xf32, #tpu.memory_space<vmem>>, vector<1x1x16xf32>,
      %swap3A_529 = vector.shape_cast %swap3A_528 : vector<1x1x16xf32> to vector<16xf32>
      %swap3A_530 = vector.shape_cast %mul3A_523 : vector<16xf32> to vector<1x1x16xf32>
      tpu.vector_store %arg6[%swap3A_525, %swap3A_526, %swap3A_527], %swap3A_530 {strides = array<i32>} : memref<2x640x64xf32, #tpu.memory_space<vmem>>, vector<1x1x16xf32>,
      %mul3A_531 = arith.constant 8 : i32
      %mul3A_532 = arith.muli %scan3A_260, %mul3A_531 : i32
      %add3A_533 = arith.constant 4 : i32
      %add3A_534 = arith.addi %mul3A_532, %add3A_533 : i32
      %get3A_535 = arith.constant 1 : i32
      %get3A_536 = arith.index_cast %get3A_535 : i32 to index
      %get3A_537 = arith.index_cast %add3A_534 : i32 to index
      %get3A_538 = arith.constant 0 : index
      %get3A_539 = tpu.vector_load %arg6[%get3A_536, %get3A_537, %get3A_538] {strides = array<i32>} : memref<2x640x64xf32, #tpu.memory_space<vmem>>, vector<1x1x16xf32>,
      %get3A_540 = vector.shape_cast %get3A_539 : vector<1x1x16xf32> to vector<16xf32>
      %mul3A_541 = arith.constant 8.000000e+00 : f32
      %mul3A_542 = vector.broadcast %mul3A_541 : f32 to vector<16xf32>
      %mul3A_543 = arith.mulf %get3A_540, %mul3A_542 : vector<16xf32>
      %swap3A_544 = arith.constant 1 : i32
      %swap3A_545 = arith.index_cast %swap3A_544 : i32 to index
      %swap3A_546 = arith.index_cast %add3A_534 : i32 to index
      %swap3A_547 = arith.constant 0 : index
      %swap3A_548 = tpu.vector_load %arg6[%swap3A_545, %swap3A_546, %swap3A_547] {strides = array<i32>} : memref<2x640x64xf32, #tpu.memory_space<vmem>>, vector<1x1x16xf32>,
      %swap3A_549 = vector.shape_cast %swap3A_548 : vector<1x1x16xf32> to vector<16xf32>
      %swap3A_550 = vector.shape_cast %mul3A_543 : vector<16xf32> to vector<1x1x16xf32>
      tpu.vector_store %arg6[%swap3A_545, %swap3A_546, %swap3A_547], %swap3A_550 {strides = array<i32>} : memref<2x640x64xf32, #tpu.memory_space<vmem>>, vector<1x1x16xf32>,
      %get3A_551 = arith.constant 1 : i32
      %get3A_552 = arith.index_cast %get3A_551 : i32 to index
      %get3A_553 = arith.index_cast %add3A_534 : i32 to index
      %get3A_554 = arith.constant 16 : index
      %get3A_555 = tpu.vector_load %arg6[%get3A_552, %get3A_553, %get3A_554] {strides = array<i32>} : memref<2x640x64xf32, #tpu.memory_space<vmem>>, vector<1x1x16xf32>,
      %get3A_556 = vector.shape_cast %get3A_555 : vector<1x1x16xf32> to vector<16xf32>
      %mul3A_557 = arith.constant 8.000000e+00 : f32
      %mul3A_558 = vector.broadcast %mul3A_557 : f32 to vector<16xf32>
      %mul3A_559 = arith.mulf %get3A_556, %mul3A_558 : vector<16xf32>
      %swap3A_560 = arith.constant 1 : i32
      %swap3A_561 = arith.index_cast %swap3A_560 : i32 to index
      %swap3A_562 = arith.index_cast %add3A_534 : i32 to index
      %swap3A_563 = arith.constant 16 : index
      %swap3A_564 = tpu.vector_load %arg6[%swap3A_561, %swap3A_562, %swap3A_563] {strides = array<i32>} : memref<2x640x64xf32, #tpu.memory_space<vmem>>, vector<1x1x16xf32>,
      %swap3A_565 = vector.shape_cast %swap3A_564 : vector<1x1x16xf32> to vector<16xf32>
      %swap3A_566 = vector.shape_cast %mul3A_559 : vector<16xf32> to vector<1x1x16xf32>
      tpu.vector_store %arg6[%swap3A_561, %swap3A_562, %swap3A_563], %swap3A_566 {strides = array<i32>} : memref<2x640x64xf32, #tpu.memory_space<vmem>>, vector<1x1x16xf32>,
      %get3A_567 = arith.constant 1 : i32
      %get3A_568 = arith.index_cast %get3A_567 : i32 to index
      %get3A_569 = arith.index_cast %add3A_534 : i32 to index
      %get3A_570 = arith.constant 32 : index
      %get3A_571 = tpu.vector_load %arg6[%get3A_568, %get3A_569, %get3A_570] {strides = array<i32>} : memref<2x640x64xf32, #tpu.memory_space<vmem>>, vector<1x1x16xf32>,
      %get3A_572 = vector.shape_cast %get3A_571 : vector<1x1x16xf32> to vector<16xf32>
      %mul3A_573 = arith.constant 8.000000e+00 : f32
      %mul3A_574 = vector.broadcast %mul3A_573 : f32 to vector<16xf32>
      %mul3A_575 = arith.mulf %get3A_572, %mul3A_574 : vector<16xf32>
      %swap3A_576 = arith.constant 1 : i32
      %swap3A_577 = arith.index_cast %swap3A_576 : i32 to index
      %swap3A_578 = arith.index_cast %add3A_534 : i32 to index
      %swap3A_579 = arith.constant 32 : index
      %swap3A_580 = tpu.vector_load %arg6[%swap3A_577, %swap3A_578, %swap3A_579] {strides = array<i32>} : memref<2x640x64xf32, #tpu.memory_space<vmem>>, vector<1x1x16xf32>,
      %swap3A_581 = vector.shape_cast %swap3A_580 : vector<1x1x16xf32> to vector<16xf32>
      %swap3A_582 = vector.shape_cast %mul3A_575 : vector<16xf32> to vector<1x1x16xf32>
      tpu.vector_store %arg6[%swap3A_577, %swap3A_578, %swap3A_579], %swap3A_582 {strides = array<i32>} : memref<2x640x64xf32, #tpu.memory_space<vmem>>, vector<1x1x16xf32>,
      %get3A_583 = arith.constant 1 : i32
      %get3A_584 = arith.index_cast %get3A_583 : i32 to index
      %get3A_585 = arith.index_cast %add3A_534 : i32 to index
      %get3A_586 = arith.constant 48 : index
      %get3A_587 = tpu.vector_load %arg6[%get3A_584, %get3A_585, %get3A_586] {strides = array<i32>} : memref<2x640x64xf32, #tpu.memory_space<vmem>>, vector<1x1x16xf32>,
      %get3A_588 = vector.shape_cast %get3A_587 : vector<1x1x16xf32> to vector<16xf32>
      %mul3A_589 = arith.constant 8.000000e+00 : f32
      %mul3A_590 = vector.broadcast %mul3A_589 : f32 to vector<16xf32>
      %mul3A_591 = arith.mulf %get3A_588, %mul3A_590 : vector<16xf32>
      %swap3A_592 = arith.constant 1 : i32
      %swap3A_593 = arith.index_cast %swap3A_592 : i32 to index
      %swap3A_594 = arith.index_cast %add3A_534 : i32 to index
      %swap3A_595 = arith.constant 48 : index
      %swap3A_596 = tpu.vector_load %arg6[%swap3A_593, %swap3A_594, %swap3A_595] {strides = array<i32>} : memref<2x640x64xf32, #tpu.memory_space<vmem>>, vector<1x1x16xf32>,
      %swap3A_597 = vector.shape_cast %swap3A_596 : vector<1x1x16xf32> to vector<16xf32>
      %swap3A_598 = vector.shape_cast %mul3A_591 : vector<16xf32> to vector<1x1x16xf32>
      tpu.vector_store %arg6[%swap3A_593, %swap3A_594, %swap3A_595], %swap3A_598 {strides = array<i32>} : memref<2x640x64xf32, #tpu.memory_space<vmem>>, vector<1x1x16xf32>,
      %mul3A_599 = arith.constant 8 : i32
      %mul3A_600 = arith.muli %scan3A_260, %mul3A_599 : i32
      %add3A_601 = arith.constant 5 : i32
      %add3A_602 = arith.addi %mul3A_600, %add3A_601 : i32
      %get3A_603 = arith.constant 1 : i32
      %get3A_604 = arith.index_cast %get3A_603 : i32 to index
      %get3A_605 = arith.index_cast %add3A_602 : i32 to index
      %get3A_606 = arith.constant 0 : index
      %get3A_607 = tpu.vector_load %arg6[%get3A_604, %get3A_605, %get3A_606] {strides = array<i32>} : memref<2x640x64xf32, #tpu.memory_space<vmem>>, vector<1x1x16xf32>,
      %get3A_608 = vector.shape_cast %get3A_607 : vector<1x1x16xf32> to vector<16xf32>
      %mul3A_609 = arith.constant 8.000000e+00 : f32
      %mul3A_610 = vector.broadcast %mul3A_609 : f32 to vector<16xf32>
      %mul3A_611 = arith.mulf %get3A_608, %mul3A_610 : vector<16xf32>
      %swap3A_612 = arith.constant 1 : i32
      %swap3A_613 = arith.index_cast %swap3A_612 : i32 to index
      %swap3A_614 = arith.index_cast %add3A_602 : i32 to index
      %swap3A_615 = arith.constant 0 : index
      %swap3A_616 = tpu.vector_load %arg6[%swap3A_613, %swap3A_614, %swap3A_615] {strides = array<i32>} : memref<2x640x64xf32, #tpu.memory_space<vmem>>, vector<1x1x16xf32>,
      %swap3A_617 = vector.shape_cast %swap3A_616 : vector<1x1x16xf32> to vector<16xf32>
      %swap3A_618 = vector.shape_cast %mul3A_611 : vector<16xf32> to vector<1x1x16xf32>
      tpu.vector_store %arg6[%swap3A_613, %swap3A_614, %swap3A_615], %swap3A_618 {strides = array<i32>} : memref<2x640x64xf32, #tpu.memory_space<vmem>>, vector<1x1x16xf32>,
      %get3A_619 = arith.constant 1 : i32
      %get3A_620 = arith.index_cast %get3A_619 : i32 to index
      %get3A_621 = arith.index_cast %add3A_602 : i32 to index
      %get3A_622 = arith.constant 16 : index
      %get3A_623 = tpu.vector_load %arg6[%get3A_620, %get3A_621, %get3A_622] {strides = array<i32>} : memref<2x640x64xf32, #tpu.memory_space<vmem>>, vector<1x1x16xf32>,
      %get3A_624 = vector.shape_cast %get3A_623 : vector<1x1x16xf32> to vector<16xf32>
      %mul3A_625 = arith.constant 8.000000e+00 : f32
      %mul3A_626 = vector.broadcast %mul3A_625 : f32 to vector<16xf32>
      %mul3A_627 = arith.mulf %get3A_624, %mul3A_626 : vector<16xf32>
      %swap3A_628 = arith.constant 1 : i32
      %swap3A_629 = arith.index_cast %swap3A_628 : i32 to index
      %swap3A_630 = arith.index_cast %add3A_602 : i32 to index
      %swap3A_631 = arith.constant 16 : index
      %swap3A_632 = tpu.vector_load %arg6[%swap3A_629, %swap3A_630, %swap3A_631] {strides = array<i32>} : memref<2x640x64xf32, #tpu.memory_space<vmem>>, vector<1x1x16xf32>,
      %swap3A_633 = vector.shape_cast %swap3A_632 : vector<1x1x16xf32> to vector<16xf32>
      %swap3A_634 = vector.shape_cast %mul3A_627 : vector<16xf32> to vector<1x1x16xf32>
      tpu.vector_store %arg6[%swap3A_629, %swap3A_630, %swap3A_631], %swap3A_634 {strides = array<i32>} : memref<2x640x64xf32, #tpu.memory_space<vmem>>, vector<1x1x16xf32>,
      %get3A_635 = arith.constant 1 : i32
      %get3A_636 = arith.index_cast %get3A_635 : i32 to index
      %get3A_637 = arith.index_cast %add3A_602 : i32 to index
      %get3A_638 = arith.constant 32 : index
      %get3A_639 = tpu.vector_load %arg6[%get3A_636, %get3A_637, %get3A_638] {strides = array<i32>} : memref<2x640x64xf32, #tpu.memory_space<vmem>>, vector<1x1x16xf32>,
      %get3A_640 = vector.shape_cast %get3A_639 : vector<1x1x16xf32> to vector<16xf32>
      %mul3A_641 = arith.constant 8.000000e+00 : f32
      %mul3A_642 = vector.broadcast %mul3A_641 : f32 to vector<16xf32>
      %mul3A_643 = arith.mulf %get3A_640, %mul3A_642 : vector<16xf32>
      %swap3A_644 = arith.constant 1 : i32
      %swap3A_645 = arith.index_cast %swap3A_644 : i32 to index
      %swap3A_646 = arith.index_cast %add3A_602 : i32 to index
      %swap3A_647 = arith.constant 32 : index
      %swap3A_648 = tpu.vector_load %arg6[%swap3A_645, %swap3A_646, %swap3A_647] {strides = array<i32>} : memref<2x640x64xf32, #tpu.memory_space<vmem>>, vector<1x1x16xf32>,
      %swap3A_649 = vector.shape_cast %swap3A_648 : vector<1x1x16xf32> to vector<16xf32>
      %swap3A_650 = vector.shape_cast %mul3A_643 : vector<16xf32> to vector<1x1x16xf32>
      tpu.vector_store %arg6[%swap3A_645, %swap3A_646, %swap3A_647], %swap3A_650 {strides = array<i32>} : memref<2x640x64xf32, #tpu.memory_space<vmem>>, vector<1x1x16xf32>,
      %get3A_651 = arith.constant 1 : i32
      %get3A_652 = arith.index_cast %get3A_651 : i32 to index
      %get3A_653 = arith.index_cast %add3A_602 : i32 to index
      %get3A_654 = arith.constant 48 : index
      %get3A_655 = tpu.vector_load %arg6[%get3A_652, %get3A_653, %get3A_654] {strides = array<i32>} : memref<2x640x64xf32, #tpu.memory_space<vmem>>, vector<1x1x16xf32>,
      %get3A_656 = vector.shape_cast %get3A_655 : vector<1x1x16xf32> to vector<16xf32>
      %mul3A_657 = arith.constant 8.000000e+00 : f32
      %mul3A_658 = vector.broadcast %mul3A_657 : f32 to vector<16xf32>
      %mul3A_659 = arith.mulf %get3A_656, %mul3A_658 : vector<16xf32>
      %swap3A_660 = arith.constant 1 : i32
      %swap3A_661 = arith.index_cast %swap3A_660 : i32 to index
      %swap3A_662 = arith.index_cast %add3A_602 : i32 to index
      %swap3A_663 = arith.constant 48 : index
      %swap3A_664 = tpu.vector_load %arg6[%swap3A_661, %swap3A_662, %swap3A_663] {strides = array<i32>} : memref<2x640x64xf32, #tpu.memory_space<vmem>>, vector<1x1x16xf32>,
      %swap3A_665 = vector.shape_cast %swap3A_664 : vector<1x1x16xf32> to vector<16xf32>
      %swap3A_666 = vector.shape_cast %mul3A_659 : vector<16xf32> to vector<1x1x16xf32>
      tpu.vector_store %arg6[%swap3A_661, %swap3A_662, %swap3A_663], %swap3A_666 {strides = array<i32>} : memref<2x640x64xf32, #tpu.memory_space<vmem>>, vector<1x1x16xf32>,
      %mul3A_667 = arith.constant 8 : i32
      %mul3A_668 = arith.muli %scan3A_260, %mul3A_667 : i32
      %add3A_669 = arith.constant 6 : i32
      %add3A_670 = arith.addi %mul3A_668, %add3A_669 : i32
      %get3A_671 = arith.constant 1 : i32
      %get3A_672 = arith.index_cast %get3A_671 : i32 to index
      %get3A_673 = arith.index_cast %add3A_670 : i32 to index
      %get3A_674 = arith.constant 0 : index
      %get3A_675 = tpu.vector_load %arg6[%get3A_672, %get3A_673, %get3A_674] {strides = array<i32>} : memref<2x640x64xf32, #tpu.memory_space<vmem>>, vector<1x1x16xf32>,
      %get3A_676 = vector.shape_cast %get3A_675 : vector<1x1x16xf32> to vector<16xf32>
      %mul3A_677 = arith.constant 8.000000e+00 : f32
      %mul3A_678 = vector.broadcast %mul3A_677 : f32 to vector<16xf32>
      %mul3A_679 = arith.mulf %get3A_676, %mul3A_678 : vector<16xf32>
      %swap3A_680 = arith.constant 1 : i32
      %swap3A_681 = arith.index_cast %swap3A_680 : i32 to index
      %swap3A_682 = arith.index_cast %add3A_670 : i32 to index
      %swap3A_683 = arith.constant 0 : index
      %swap3A_684 = tpu.vector_load %arg6[%swap3A_681, %swap3A_682, %swap3A_683] {strides = array<i32>} : memref<2x640x64xf32, #tpu.memory_space<vmem>>, vector<1x1x16xf32>,
      %swap3A_685 = vector.shape_cast %swap3A_684 : vector<1x1x16xf32> to vector<16xf32>
      %swap3A_686 = vector.shape_cast %mul3A_679 : vector<16xf32> to vector<1x1x16xf32>
      tpu.vector_store %arg6[%swap3A_681, %swap3A_682, %swap3A_683], %swap3A_686 {strides = array<i32>} : memref<2x640x64xf32, #tpu.memory_space<vmem>>, vector<1x1x16xf32>,
      %get3A_687 = arith.constant 1 : i32
      %get3A_688 = arith.index_cast %get3A_687 : i32 to index
      %get3A_689 = arith.index_cast %add3A_670 : i32 to index
      %get3A_690 = arith.constant 16 : index
      %get3A_691 = tpu.vector_load %arg6[%get3A_688, %get3A_689, %get3A_690] {strides = array<i32>} : memref<2x640x64xf32, #tpu.memory_space<vmem>>, vector<1x1x16xf32>,
      %get3A_692 = vector.shape_cast %get3A_691 : vector<1x1x16xf32> to vector<16xf32>
      %mul3A_693 = arith.constant 8.000000e+00 : f32
      %mul3A_694 = vector.broadcast %mul3A_693 : f32 to vector<16xf32>
      %mul3A_695 = arith.mulf %get3A_692, %mul3A_694 : vector<16xf32>
      %swap3A_696 = arith.constant 1 : i32
      %swap3A_697 = arith.index_cast %swap3A_696 : i32 to index
      %swap3A_698 = arith.index_cast %add3A_670 : i32 to index
      %swap3A_699 = arith.constant 16 : index
      %swap3A_700 = tpu.vector_load %arg6[%swap3A_697, %swap3A_698, %swap3A_699] {strides = array<i32>} : memref<2x640x64xf32, #tpu.memory_space<vmem>>, vector<1x1x16xf32>,
      %swap3A_701 = vector.shape_cast %swap3A_700 : vector<1x1x16xf32> to vector<16xf32>
      %swap3A_702 = vector.shape_cast %mul3A_695 : vector<16xf32> to vector<1x1x16xf32>
      tpu.vector_store %arg6[%swap3A_697, %swap3A_698, %swap3A_699], %swap3A_702 {strides = array<i32>} : memref<2x640x64xf32, #tpu.memory_space<vmem>>, vector<1x1x16xf32>,
      %get3A_703 = arith.constant 1 : i32
      %get3A_704 = arith.index_cast %get3A_703 : i32 to index
      %get3A_705 = arith.index_cast %add3A_670 : i32 to index
      %get3A_706 = arith.constant 32 : index
      %get3A_707 = tpu.vector_load %arg6[%get3A_704, %get3A_705, %get3A_706] {strides = array<i32>} : memref<2x640x64xf32, #tpu.memory_space<vmem>>, vector<1x1x16xf32>,
      %get3A_708 = vector.shape_cast %get3A_707 : vector<1x1x16xf32> to vector<16xf32>
      %mul3A_709 = arith.constant 8.000000e+00 : f32
      %mul3A_710 = vector.broadcast %mul3A_709 : f32 to vector<16xf32>
      %mul3A_711 = arith.mulf %get3A_708, %mul3A_710 : vector<16xf32>
      %swap3A_712 = arith.constant 1 : i32
      %swap3A_713 = arith.index_cast %swap3A_712 : i32 to index
      %swap3A_714 = arith.index_cast %add3A_670 : i32 to index
      %swap3A_715 = arith.constant 32 : index
      %swap3A_716 = tpu.vector_load %arg6[%swap3A_713, %swap3A_714, %swap3A_715] {strides = array<i32>} : memref<2x640x64xf32, #tpu.memory_space<vmem>>, vector<1x1x16xf32>,
      %swap3A_717 = vector.shape_cast %swap3A_716 : vector<1x1x16xf32> to vector<16xf32>
      %swap3A_718 = vector.shape_cast %mul3A_711 : vector<16xf32> to vector<1x1x16xf32>
      tpu.vector_store %arg6[%swap3A_713, %swap3A_714, %swap3A_715], %swap3A_718 {strides = array<i32>} : memref<2x640x64xf32, #tpu.memory_space<vmem>>, vector<1x1x16xf32>,
      %get3A_719 = arith.constant 1 : i32
      %get3A_720 = arith.index_cast %get3A_719 : i32 to index
      %get3A_721 = arith.index_cast %add3A_670 : i32 to index
      %get3A_722 = arith.constant 48 : index
      %get3A_723 = tpu.vector_load %arg6[%get3A_720, %get3A_721, %get3A_722] {strides = array<i32>} : memref<2x640x64xf32, #tpu.memory_space<vmem>>, vector<1x1x16xf32>,
      %get3A_724 = vector.shape_cast %get3A_723 : vector<1x1x16xf32> to vector<16xf32>
      %mul3A_725 = arith.constant 8.000000e+00 : f32
      %mul3A_726 = vector.broadcast %mul3A_725 : f32 to vector<16xf32>
      %mul3A_727 = arith.mulf %get3A_724, %mul3A_726 : vector<16xf32>
      %swap3A_728 = arith.constant 1 : i32
      %swap3A_729 = arith.index_cast %swap3A_728 : i32 to index
      %swap3A_730 = arith.index_cast %add3A_670 : i32 to index
      %swap3A_731 = arith.constant 48 : index
      %swap3A_732 = tpu.vector_load %arg6[%swap3A_729, %swap3A_730, %swap3A_731] {strides = array<i32>} : memref<2x640x64xf32, #tpu.memory_space<vmem>>, vector<1x1x16xf32>,
      %swap3A_733 = vector.shape_cast %swap3A_732 : vector<1x1x16xf32> to vector<16xf32>
      %swap3A_734 = vector.shape_cast %mul3A_727 : vector<16xf32> to vector<1x1x16xf32>
      tpu.vector_store %arg6[%swap3A_729, %swap3A_730, %swap3A_731], %swap3A_734 {strides = array<i32>} : memref<2x640x64xf32, #tpu.memory_space<vmem>>, vector<1x1x16xf32>,
      %mul3A_735 = arith.constant 8 : i32
      %mul3A_736 = arith.muli %scan3A_260, %mul3A_735 : i32
      %add3A_737 = arith.constant 7 : i32
      %add3A_738 = arith.addi %mul3A_736, %add3A_737 : i32
      %get3A_739 = arith.constant 1 : i32
      %get3A_740 = arith.index_cast %get3A_739 : i32 to index
      %get3A_741 = arith.index_cast %add3A_738 : i32 to index
      %get3A_742 = arith.constant 0 : index
      %get3A_743 = tpu.vector_load %arg6[%get3A_740, %get3A_741, %get3A_742] {strides = array<i32>} : memref<2x640x64xf32, #tpu.memory_space<vmem>>, vector<1x1x16xf32>,
      %get3A_744 = vector.shape_cast %get3A_743 : vector<1x1x16xf32> to vector<16xf32>
      %mul3A_745 = arith.constant 8.000000e+00 : f32
      %mul3A_746 = vector.broadcast %mul3A_745 : f32 to vector<16xf32>
      %mul3A_747 = arith.mulf %get3A_744, %mul3A_746 : vector<16xf32>
      %swap3A_748 = arith.constant 1 : i32
      %swap3A_749 = arith.index_cast %swap3A_748 : i32 to index
      %swap3A_750 = arith.index_cast %add3A_738 : i32 to index
      %swap3A_751 = arith.constant 0 : index
      %swap3A_752 = tpu.vector_load %arg6[%swap3A_749, %swap3A_750, %swap3A_751] {strides = array<i32>} : memref<2x640x64xf32, #tpu.memory_space<vmem>>, vector<1x1x16xf32>,
      %swap3A_753 = vector.shape_cast %swap3A_752 : vector<1x1x16xf32> to vector<16xf32>
      %swap3A_754 = vector.shape_cast %mul3A_747 : vector<16xf32> to vector<1x1x16xf32>
      tpu.vector_store %arg6[%swap3A_749, %swap3A_750, %swap3A_751], %swap3A_754 {strides = array<i32>} : memref<2x640x64xf32, #tpu.memory_space<vmem>>, vector<1x1x16xf32>,
      %get3A_755 = arith.constant 1 : i32
      %get3A_756 = arith.index_cast %get3A_755 : i32 to index
      %get3A_757 = arith.index_cast %add3A_738 : i32 to index
      %get3A_758 = arith.constant 16 : index
      %get3A_759 = tpu.vector_load %arg6[%get3A_756, %get3A_757, %get3A_758] {strides = array<i32>} : memref<2x640x64xf32, #tpu.memory_space<vmem>>, vector<1x1x16xf32>,
      %get3A_760 = vector.shape_cast %get3A_759 : vector<1x1x16xf32> to vector<16xf32>
      %mul3A_761 = arith.constant 8.000000e+00 : f32
      %mul3A_762 = vector.broadcast %mul3A_761 : f32 to vector<16xf32>
      %mul3A_763 = arith.mulf %get3A_760, %mul3A_762 : vector<16xf32>
      %swap3A_764 = arith.constant 1 : i32
      %swap3A_765 = arith.index_cast %swap3A_764 : i32 to index
      %swap3A_766 = arith.index_cast %add3A_738 : i32 to index
      %swap3A_767 = arith.constant 16 : index
      %swap3A_768 = tpu.vector_load %arg6[%swap3A_765, %swap3A_766, %swap3A_767] {strides = array<i32>} : memref<2x640x64xf32, #tpu.memory_space<vmem>>, vector<1x1x16xf32>,
      %swap3A_769 = vector.shape_cast %swap3A_768 : vector<1x1x16xf32> to vector<16xf32>
      %swap3A_770 = vector.shape_cast %mul3A_763 : vector<16xf32> to vector<1x1x16xf32>
      tpu.vector_store %arg6[%swap3A_765, %swap3A_766, %swap3A_767], %swap3A_770 {strides = array<i32>} : memref<2x640x64xf32, #tpu.memory_space<vmem>>, vector<1x1x16xf32>,
      %get3A_771 = arith.constant 1 : i32
      %get3A_772 = arith.index_cast %get3A_771 : i32 to index
      %get3A_773 = arith.index_cast %add3A_738 : i32 to index
      %get3A_774 = arith.constant 32 : index
      %get3A_775 = tpu.vector_load %arg6[%get3A_772, %get3A_773, %get3A_774] {strides = array<i32>} : memref<2x640x64xf32, #tpu.memory_space<vmem>>, vector<1x1x16xf32>,
      %get3A_776 = vector.shape_cast %get3A_775 : vector<1x1x16xf32> to vector<16xf32>
      %mul3A_777 = arith.constant 8.000000e+00 : f32
      %mul3A_778 = vector.broadcast %mul3A_777 : f32 to vector<16xf32>
      %mul3A_779 = arith.mulf %get3A_776, %mul3A_778 : vector<16xf32>
      %swap3A_780 = arith.constant 1 : i32
      %swap3A_781 = arith.index_cast %swap3A_780 : i32 to index
      %swap3A_782 = arith.index_cast %add3A_738 : i32 to index
      %swap3A_783 = arith.constant 32 : index
      %swap3A_784 = tpu.vector_load %arg6[%swap3A_781, %swap3A_782, %swap3A_783] {strides = array<i32>} : memref<2x640x64xf32, #tpu.memory_space<vmem>>, vector<1x1x16xf32>,
      %swap3A_785 = vector.shape_cast %swap3A_784 : vector<1x1x16xf32> to vector<16xf32>
      %swap3A_786 = vector.shape_cast %mul3A_779 : vector<16xf32> to vector<1x1x16xf32>
      tpu.vector_store %arg6[%swap3A_781, %swap3A_782, %swap3A_783], %swap3A_786 {strides = array<i32>} : memref<2x640x64xf32, #tpu.memory_space<vmem>>, vector<1x1x16xf32>,
      %get3A_787 = arith.constant 1 : i32
      %get3A_788 = arith.index_cast %get3A_787 : i32 to index
      %get3A_789 = arith.index_cast %add3A_738 : i32 to index
      %get3A_790 = arith.constant 48 : index
      %get3A_791 = tpu.vector_load %arg6[%get3A_788, %get3A_789, %get3A_790] {strides = array<i32>} : memref<2x640x64xf32, #tpu.memory_space<vmem>>, vector<1x1x16xf32>,
      %get3A_792 = vector.shape_cast %get3A_791 : vector<1x1x16xf32> to vector<16xf32>
      %mul3A_793 = arith.constant 8.000000e+00 : f32
      %mul3A_794 = vector.broadcast %mul3A_793 : f32 to vector<16xf32>
      %mul3A_795 = arith.mulf %get3A_792, %mul3A_794 : vector<16xf32>
      %swap3A_796 = arith.constant 1 : i32
      %swap3A_797 = arith.index_cast %swap3A_796 : i32 to index
      %swap3A_798 = arith.index_cast %add3A_738 : i32 to index
      %swap3A_799 = arith.constant 48 : index
      %swap3A_800 = tpu.vector_load %arg6[%swap3A_797, %swap3A_798, %swap3A_799] {strides = array<i32>} : memref<2x640x64xf32, #tpu.memory_space<vmem>>, vector<1x1x16xf32>,
      %swap3A_801 = vector.shape_cast %swap3A_800 : vector<1x1x16xf32> to vector<16xf32>
      %swap3A_802 = vector.shape_cast %mul3A_795 : vector<16xf32> to vector<1x1x16xf32>
      tpu.vector_store %arg6[%swap3A_797, %swap3A_798, %swap3A_799], %swap3A_802 {strides = array<i32>} : memref<2x640x64xf32, #tpu.memory_space<vmem>>, vector<1x1x16xf32>,
    }
    %scan3A_214 = arith.constant 80 : i32
    %add3A_215 = arith.constant 24960 : i32
    %add3A_216 = arith.addi %mul3A_4, %add3A_215 : i32
    %dma_start3A_217 = arith.constant 1 : i32
    %dma_start3A_218 = arith.constant 0 : i32
    %dma_start3A_219 = arith.constant 0 : i32
    %dma_start3A_220 = tpu.memref_slice %arg6[%dma_start3A_217, %dma_start3A_218, %dma_start3A_219] : memref<2x640x64xf32, #tpu.memory_space<vmem>> -> memref<1x640x64xf32, #tpu.memory_space<vmem>>
    %dma_start3A_221 = tpu.memref_squeeze %dma_start3A_220 : memref<1x640x64xf32, #tpu.memory_space<vmem>> -> memref<640x64xf32, #tpu.memory_space<vmem>>
    %dma_start3A_222 = arith.constant 0 : i32
    %dma_start3A_223 = tpu.memref_slice %arg4[%add3A_216, %dma_start3A_222] : memref<819200x64xf32, #tpu.memory_space<hbm>> -> memref<640x64xf32, #tpu.memory_space<hbm>>
    %dma_start3A_224 = arith.constant 0 : i32
    %dma_start3A_225 = tpu.memref_slice %arg4[%add3A_216, %dma_start3A_224] : memref<819200x64xf32, #tpu.memory_space<hbm>> -> memref<640x64xf32, #tpu.memory_space<hbm>>
    %dma_start3A_226 = arith.constant 0 : i32
    %dma_start3A_227 = arith.constant 0 : i32
    %dma_start3A_228 = tpu.memref_slice %arg6[%dma_start3A_217, %dma_start3A_226, %dma_start3A_227] : memref<2x640x64xf32, #tpu.memory_space<vmem>> -> memref<1x640x64xf32, #tpu.memory_space<vmem>>
    %dma_start3A_229 = tpu.memref_squeeze %dma_start3A_228 : memref<1x640x64xf32, #tpu.memory_space<vmem>> -> memref<640x64xf32, #tpu.memory_space<vmem>>
    tpu.enqueue_dma source(%dma_start3A_229 : memref<640x64xf32, #tpu.memory_space<vmem>>) target(%dma_start3A_225 : memref<640x64xf32, #tpu.memory_space<hbm>>) target_semaphore(%arg10 : memref<!tpu.dma_semaphore, #tpu.memory_space<semaphore_mem>>)
    %dma_wait3A_230 = arith.constant 0 : i32
    %dma_wait3A_231 = arith.constant 0 : i32
    %dma_wait3A_232 = arith.constant 0 : i32
    %dma_wait3A_233 = tpu.memref_slice %arg6[%dma_wait3A_230, %dma_wait3A_231, %dma_wait3A_232] : memref<2x640x64xf32, #tpu.memory_space<vmem>> -> memref<1x640x64xf32, #tpu.memory_space<vmem>>
    %dma_wait3A_234 = tpu.memref_squeeze %dma_wait3A_233 : memref<1x640x64xf32, #tpu.memory_space<vmem>> -> memref<640x64xf32, #tpu.memory_space<vmem>>
    %dma_wait3A_235 = arith.constant 0 : i32
    %dma_wait3A_236 = arith.constant 0 : i32
    %dma_wait3A_237 = tpu.memref_slice %arg4[%dma_wait3A_235, %dma_wait3A_236] : memref<819200x64xf32, #tpu.memory_space<hbm>> -> memref<640x64xf32, #tpu.memory_space<hbm>>
    %dma_wait3A_238 = arith.constant 0 : i32
    %dma_wait3A_239 = arith.constant 0 : i32
    %dma_wait3A_240 = tpu.memref_slice %arg4[%dma_wait3A_238, %dma_wait3A_239] : memref<819200x64xf32, #tpu.memory_space<hbm>> -> memref<640x64xf32, #tpu.memory_space<hbm>>
    %dma_wait3A_241 = arith.constant 0 : i32
    %dma_wait3A_242 = arith.constant 0 : i32
    %dma_wait3A_243 = tpu.memref_slice %arg6[%dma_wait3A_230, %dma_wait3A_241, %dma_wait3A_242] : memref<2x640x64xf32, #tpu.memory_space<vmem>> -> memref<1x640x64xf32, #tpu.memory_space<vmem>>
    %dma_wait3A_244 = tpu.memref_squeeze %dma_wait3A_243 : memref<1x640x64xf32, #tpu.memory_space<vmem>> -> memref<640x64xf32, #tpu.memory_space<vmem>>
    tpu.wait_dma2 semaphore(%arg9 : memref<!tpu.dma_semaphore, #tpu.memory_space<semaphore_mem>>) src(%dma_wait3A_244 : memref<640x64xf32, #tpu.memory_space<vmem>>) dst(%dma_wait3A_240 : memref<640x64xf32, #tpu.memory_space<hbm>>)
    %dma_wait3A_245 = arith.constant 1 : i32
    %dma_wait3A_246 = arith.constant 0 : i32
    %dma_wait3A_247 = arith.constant 0 : i32
    %dma_wait3A_248 = tpu.memref_slice %arg6[%dma_wait3A_245, %dma_wait3A_246, %dma_wait3A_247] : memref<2x640x64xf32, #tpu.memory_space<vmem>> -> memref<1x640x64xf32, #tpu.memory_space<vmem>>
    %dma_wait3A_249 = tpu.memref_squeeze %dma_wait3A_248 : memref<1x640x64xf32, #tpu.memory_space<vmem>> -> memref<640x64xf32, #tpu.memory_space<vmem>>
    %dma_wait3A_250 = arith.constant 0 : i32
    %dma_wait3A_251 = arith.constant 0 : i32
    %dma_wait3A_252 = tpu.memref_slice %arg4[%dma_wait3A_250, %dma_wait3A_251] : memref<819200x64xf32, #tpu.memory_space<hbm>> -> memref<640x64xf32, #tpu.memory_space<hbm>>
    %dma_wait3A_253 = arith.constant 0 : i32
    %dma_wait3A_254 = arith.constant 0 : i32
    %dma_wait3A_255 = tpu.memref_slice %arg4[%dma_wait3A_253, %dma_wait3A_254] : memref<819200x64xf32, #tpu.memory_space<hbm>> -> memref<640x64xf32, #tpu.memory_space<hbm>>
    %dma_wait3A_256 = arith.constant 0 : i32
    %dma_wait3A_257 = arith.constant 0 : i32
    %dma_wait3A_258 = tpu.memref_slice %arg6[%dma_wait3A_245, %dma_wait3A_256, %dma_wait3A_257] : memref<2x640x64xf32, #tpu.memory_space<vmem>> -> memref<1x640x64xf32, #tpu.memory_space<vmem>>
    %dma_wait3A_259 = tpu.memref_squeeze %dma_wait3A_258 : memref<1x640x64xf32, #tpu.memory_space<vmem>> -> memref<640x64xf32, #tpu.memory_space<vmem>>
    tpu.wait_dma2 semaphore(%arg10 : memref<!tpu.dma_semaphore, #tpu.memory_space<semaphore_mem>>) src(%dma_wait3A_259 : memref<640x64xf32, #tpu.memory_space<vmem>>) dst(%dma_wait3A_255 : memref<640x64xf32, #tpu.memory_space<hbm>>)
    return
  }
}

</mosaic_0001>

<sc_bundles>
// kernel: kernel.3.cloned.1.call-start
scs
__scs_entry_jumppad:
0x0: {  	(pc) =	sbr.rel $0x88, $3  }
0x1: {  	(tag) =	ssettag $0x0;
	lr =	simm.s32 $0x1  }
0x2: {  	[smem:$0x3F9F] =	sst lr;
	_ =	strace $0xD0000000  }
0x3: {  	_ = 	snop  }
0x4: {  	_ = 	snop  }
0x5: {  	_ = 	snop  }
0x6: {  	_ = 	snop  }
0x7: {  	_ = 	snop  }
__scs_overlays_trampoline_lowered:
0x8: {  	[smem:$0x3FAE] =	sst s0  }
0x9: {  	[smem:$0x3FAF] =	sst s1  }
0xa: {  	[smem:$0x3FB0] =	sst s2  }
0xb: {  	[smem:$0x3FB1] =	sst s3  }
0xc: {  	[smem:$0x3FB2] =	sst s4  }
0xd: {  	[smem:$0x3FB3] =	sst s5  }
0xe: {  	[smem:$0x3FB4] =	sst s6  }
0xf: {  	[smem:$0x3FB5] =	sst s7  }
0x10: {  	[smem:$0x3FB6] =	sst s8  }
0x11: {  	[smem:$0x3FB7] =	sst s9;
	s0 =	simm.s32 @!p0 $0x0  }
0x12: {  	s1 =	sld [smem:$0x3F9D];
	s0 =	simm.s32 @p0 $0x1  }
0x13: {  	[smem:$0x3FB8] =	sst s0;
	s0 =	simm.s32 @!p1 $0x0  }
0x14: {  	s2 =	sld [smem:$0x3F9C];
	s0 =	simm.s32 @p1 $0x1  }
0x15: {  	[smem:$0x3FB9] =	sst s0;
	s0 =	simm.s32 @!p2 $0x0  }
0x16: {  	s3 =	sld [smem:$0x3FDB];
	s0 =	simm.s32 @p2 $0x1  }
0x17: {  	s4 =	simm.s32 $0x1BF5;
	[smem:$0x3FBB] =	sst s0  }
0x18: {  	s0 =	sld [smem:$0x3F9E];
	_ =	swait.ge [sflag:s4], $0x0  }
0x19: {  	s7 =	sld [smem:$0x3F9F]  }
0x1a: {  	s8 =	sadd.s32 $0xFFFFE003, lr  }
0x1b: {  	s9 =	sadd.s32 $0xFFFFFEF7, lr;
	s5 =	simm.s32 $0xFFFFFFFF;
	p2 =	slt.u32 s8, $0xFFFFF086  }
0x1c: {  	p1 =	slt.u32 s9, $0xF7A;
	s5 =	simm.s32 @!p2 $0x0  }
0x1d: {  	s5 =	simm.s32 @p1 $0x1;
	p0 =	seq.s32 s7, s2  }
0x1e: {  	s7 =	smul.u32 @!p0 $0xF7A, s2;
	p2 =	seq.s32 @!p0 s5, $0x0  }
0x1f: {  	s9 =	smul.u32 $0xF7A, s1;
	s8 =	simm.s32 @!p0 $0x1BF5;
	p2 =	por !p2, p0  }
0x20: {  	[sflag:s8] =	ssyncset.s32 @!p0 $0xFFFFF086;
	s6 =	sadd.s32 @!p0 s3, s7;
	s7 =	simm.s32 @!p0 $0x108  }
0x21: {  	s3 =	sadd.s32 s3, s9;
	s6 =	sadd.s32 @!p0 $0x88, s6;
	s7 =	simm.s32 @p2 $0x1082  }
0x22: {  	[simem:s7], [sflag:s8] =	dma.local @!p0 [hbm:s6], $0xF7A  }
0x23: {  	s9 =	sor.u32 $0xD0000000, s2;
	s6 =	simm.s32 $0x108;
	_ =	swait.ge @!p0 [sflag:s8], $0x0  }
0x24: {  	s3 =	sadd.s32 $0x88, s3;
	s6 =	simm.s32 @!p1 $0x1082;
	[sflag:s4] =	ssyncset.s32 $0xFFFFF086  }
0x25: {  	[simem:s6], [sflag:s4] =	dma.local [hbm:s3], $0xF7A  }
0x26: {  	[smem:$0x3F9F] =	sst s1;
	(tag) =	ssettag s2;
	_ =	strace s9  }
0x27: {  	s1 =	sld [smem:$0x3FAF]  }
0x28: {  	s2 =	sld [smem:$0x3FB0]  }
0x29: {  	s4 =	sld [smem:$0x3FB2]  }
0x2a: {  	p0 =	seq.s32 s5, $0x0;
	s5 =	sld [smem:$0x3FB3]  }
0x2b: {  	s6 =	sld [smem:$0x3FB4]  }
0x2c: {  	s7 =	sld [smem:$0x3FB5]  }
0x2d: {  	s3 =	simm.s32 $0x108;
	s8 =	sld [smem:$0x3FB6]  }
0x2e: {  	s3 =	simm.s32 @!p0 $0x1082;
	s9 =	sld [smem:$0x3FB7]  }
0x2f: {  	lr =	sadd.s32 s0, s3;
	s0 =	sld [smem:$0x3FAE]  }
0x30: {  	s3 =	sld [smem:$0x3FB1]  }
0x31: {  	[smem:$0x3FBA] =	sst s10  }
0x32: {  	s10 =	sld [smem:$0x3FB8];
	_ =	sdelay $0x3  }
0x33: {  	p0 =	seq.s32 s10, $0x1;
	s10 =	sld [smem:$0x3FBA];
	_ =	sdelay $0x3  }
0x34: {  	[smem:$0x3FBA] =	sst s10  }
0x35: {  	s10 =	sld [smem:$0x3FB9];
	_ =	sdelay $0x3  }
0x36: {  	p1 =	seq.s32 s10, $0x1;
	s10 =	sld [smem:$0x3FBA];
	_ =	sdelay $0x3  }
0x37: {  	[smem:$0x3FBA] =	sst s10  }
0x38: {  	s10 =	sld [smem:$0x3FBB]  }
0x39: {  	_ = 	snop;
	(pc) =	sbr.ind lr, $3  }
0x3a: {  	_ = 	snop  }
0x3b: {  	_ = 	snop  }
0x3c: {  	p2 =	seq.s32 s10, $0x1;
	s10 =	sld [smem:$0x3FBA]  }
0x3d: {  	_ =	shalt  }
0x3e: {  	_ =	shalt  }
0x3f: {  	_ =	shalt  }
0x40: {  	_ =	shalt  }
0x41: {  	_ =	shalt  }
0x42: {  	_ =	shalt  }
0x43: {  	_ =	shalt  }
0x44: {  	_ =	shalt  }
0x45: {  	_ =	shalt  }
0x46: {  	_ =	shalt  }
0x47: {  	_ =	shalt  }
0x48: {  	_ =	shalt  }
0x49: {  	_ =	shalt  }
0x4a: {  	_ =	shalt  }
0x4b: {  	_ =	shalt  }
0x4c: {  	_ =	shalt  }
0x4d: {  	_ =	shalt  }
0x4e: {  	_ =	shalt  }
0x4f: {  	_ =	shalt  }
0x50: {  	_ =	shalt  }
0x51: {  	_ =	shalt  }
0x52: {  	_ =	shalt  }
0x53: {  	_ =	shalt  }
0x54: {  	_ =	shalt  }
0x55: {  	_ =	shalt  }
0x56: {  	_ =	shalt  }
0x57: {  	_ =	shalt  }
0x58: {  	_ =	shalt  }
0x59: {  	_ =	shalt  }
0x5a: {  	_ =	shalt  }
0x5b: {  	_ =	shalt  }
0x5c: {  	_ =	shalt  }
0x5d: {  	_ =	shalt  }
0x5e: {  	_ =	shalt  }
0x5f: {  	_ =	shalt  }
0x60: {  	_ =	shalt  }
0x61: {  	_ =	shalt  }
0x62: {  	_ =	shalt  }
0x63: {  	_ =	shalt  }
0x64: {  	_ =	shalt  }
0x65: {  	_ =	shalt  }
0x66: {  	_ =	shalt  }
0x67: {  	_ =	shalt  }
0x68: {  	_ =	shalt  }
0x69: {  	_ =	shalt  }
0x6a: {  	_ =	shalt  }
0x6b: {  	_ =	shalt  }
0x6c: {  	_ =	shalt  }
0x6d: {  	_ =	shalt  }
0x6e: {  	_ =	shalt  }
0x6f: {  	_ =	shalt  }
0x70: {  	_ =	shalt  }
0x71: {  	_ =	shalt  }
0x72: {  	_ =	shalt  }
0x73: {  	_ =	shalt  }
0x74: {  	_ =	shalt  }
0x75: {  	_ =	shalt  }
0x76: {  	_ =	shalt  }
0x77: {  	_ =	shalt  }
0x78: {  	_ =	shalt  }
0x79: {  	_ =	shalt  }
0x7a: {  	_ =	shalt  }
0x7b: {  	_ =	shalt  }
0x7c: {  	_ =	shalt  }
0x7d: {  	_ =	shalt  }
0x7e: {  	_ =	shalt  }
0x7f: {  	_ =	shalt  }
0x80: {  	_ =	shalt  }
0x81: {  	_ =	shalt  }
0x82: {  	_ =	shalt  }
0x83: {  	_ =	shalt  }
0x84: {  	_ =	shalt  }
0x85: {  	_ =	shalt  }
0x86: {  	_ =	shalt  }
0x87: {  	_ =	shalt  }
.Lfunc_end0:
.L_simem_size_0:
called_computation.1_lowered:
.L_overlay_start_0:
0x88: {  	s2 =	sld [smem:$0x3FD9]  }
0x89: {  	s3 =	sld [smem:$0x3FFE];
	_ =	sdelay $0x1  }
0x8a: {  	s1 =	srdreg.scid  }
0x8b: {  	s0 =	sand.u32 $0x1, s1  }
0x8c: {  	s17 =	sshll.u32 s0, $0xA;
	s2 =	sadd.s32 s3, s2  }
0x8d: {  	s2 =	sadd.s32 s2, s17  }
0x8e: {  	[smem:$0x3FC6] =	sst s2  }
0x8f: {  	_ = 	snop  }
0x90: {  	s2 =	sld [smem:$0x3FD0];
	(tm) =	ssettm $0x1  }
0x91: {  	s18 =	sld [smem:$0x3FFB];
	_ =	sdelay $0x3  }
0x92: {  	_ =	strace s18  }
0x93: {  	s3 =	sld [smem:$0x3FFC];
	_ =	sdelay $0x3  }
0x94: {  	_ =	strace s3  }
0x95: {  	s3 =	sld [smem:$0x3FFD];
	_ =	sdelay $0x3  }
0x96: {  	_ =	strace s3  }
0x97: {  	_ =	strace $0x8FFFFFFF  }
0x98: {  	s19 =	sld [smem:$0x3FDB];
	_ =	sdelay $0x1  }
0x99: {  	s4 =	simm.s32 $_scs_section_size  }
0x9a: {  	s5 =	simm.s32 $_size__tile_overlayer_lowered;
	s6 =	simm.s32 $_tile_overlayer_lowered  }
0x9b: {  	s22 =	simm.s32 $0x1BFF;
	s21 =	sshll.u32 s6, $0x1;
	s3 =	sadd.s32 s4, s19  }
0x9c: {  	s7 =	simm.s32 $0x0;
	s20 =	sshll.u32 s5, $0x1;
	s5 =	sadd.s32 s21, s3  }
0x9d: {  	[timem:s7], [sflag:s22] =	dma.local [hbm:s5], s20  }
0x9e: {  	_ =	swait.ge [sflag:s22], s20  }
0x9f: {  	s4 =	ssub.s32 $0x0, s20;
	[sflag:s22] =	ssyncset.done $0x0  }
0xa0: {  	[sflag:s22] =	ssyncadd.s32 s4;
	_ =	sdelay $0x1  }
0xa1: {  	s23 =	simm.s32 $0x1B8B  }
0xa2: {  	_ =	swait.ge [sflag:s23], $0x1  }
0xa3: {  	[sflag:s23] =	ssyncset.done $0x0  }
0xa4: {  	s25 =	simm.s32 $0x1B8E;
	s24 =	sld [smem:$0x3FFE];
	[sflag:s23] =	ssyncadd.s32 $0xFFFFFFFF  }
0xa5: {  	s26 =	simm.s32 $execute0_lowered;
	[smem:$0x3FD2] =	sst s25  }
0xa6: {  	s5 =	sshll.u32 s26, $0x1;
	_ =	strace $0x80000046;
	[dreg:$0x1] =	wrdreg $0xFFFFFFFF  }
0xa7: {  	s28 =	simm.s32 $_size_execute0_lowered;
	s3 =	sadd.s32 s3, s5;
	[dreg:$0x0] =	wrdreg $0x0  }
0xa8: {  	s5 =	sshll.u32 s28, $0x1;
	[dreg:$0x2] =	wrdreg s3  }
0xa9: {  	[dreg:$0x3] =	wrdreg s5  }
0xaa: {  	[dreg:$0x4] =	wrdreg $0xC0  }
0xab: {  	_ =	task [dreg:s7], $0x5FFFF  }
0xac: {  	[dreg:$0x1] =	wrdreg $0xFFFFFFFF  }
0xad: {  	[dreg:$0x0] =	wrdreg $0x60  }
0xae: {  	[dreg:$0x2] =	wrdreg s24  }
0xaf: {  	[dreg:$0x3] =	wrdreg s2  }
0xb0: {  	[dreg:$0x4] =	wrdreg $0x9  }
0xb1: {  	_ =	task.clear_ibuf [dreg:s7], $0x5FFFF;
	_ =	strace $0x90000046  }
0xb2: {  	s29 =	simm.s32 $0x9;
	_ =	strace $0x80000048  }
0xb3: {  	_ =	swait.ge [sflag:s29], $0x1  }
0xb4: {  	[sflag:s29] =	ssyncadd.s32 $0xFFFFFFFF  }
0xb5: {  	_ =	strace $0x90000048  }
0xb6: {  	_ =	sfence  }
0xb7: {  	s30 =	sld [smem:$0x0];
	_ =	sdelay $0x2  }
0xb8: {  	s31 =	sshll.u32 s1, $0xD;
	s1 =	sshrl.u32 s1, $0x2  }
0xb9: {  	s3 =	sand.u32 $0x4000, s31;
	s1 =	sadd.s32 s1, s30  }
0xba: {  	s0 =	sor.u32 s3, s0;
	s1 =	sshll.u32 s1, $0x11  }
0xbb: {  	s0 =	sor.u32 s1, s0  }
0xbc: {  	s0 =	sadd.s32 $0x8F2B, s0  }
0xbd: {  	[sflag:s0] =	ssyncadd.remote.s32 $0x1  }
0xbe: {  	_ =	sfence.sel $0xFFFF  }
0xbf: {  	[dreg:$0x0] =	wrdreg $0xFFFFFFFF;
	(pc) =	sbr.abs _section_cstart, $3  }
0xc0: {  	[dreg:$0x1] =	wrdreg $0xFFFFFFFF  }
0xc1: {  	_ =	task.clear_ibuf [dreg:s7], $0x2FFFF;
	_ =	strace $0x9FFFFFFF  }
0xc2: {  	(tm) =	ssettm $0x7FFFFFFF  }
0xc3: {  	_ =	shalt  }
tec
execute0_lowered:
.L_overlay_start_1:
0x0: {  	(tag) =	ssettag $0x1  }
0x1: {  	s0 =	rddreg [dreg:$0x0];
	s1 =	srdreg.scid  }
0x2: {  	s3 =	stileid.u32;
	s2 =	rddreg [dreg:$0x1]  }
0x3: {  	s11 =	simm.s32 $0x5;
	s12 =	simm.s32 $0x80;
	s13 =	simm.s32 $0x6400  }
0x4: {  	s14 =	simm.s32 $0x8400;
	s16 =	simm.s32 $0xA400;
	s18 =	simm.s32 $0xC400  }
0x5: {  	s20 =	simm.s32 $0xE400;
	s22 =	simm.s32 $0x10400;
	s24 =	simm.s32 $0x12400  }
0x6: {  	s26 =	simm.s32 $0x14400;
	s1 =	sand.u32 $0x1, s1;
	s4 =	sshll.u32 s3, $0x1  }
0x7: {  	s29 =	simm.s32 $0x16400;
	s31 =	simm.s32 $0x18400;
	s6 =	sor.u32 s1, s4  }
0x8: {  	s15 =	simm.s32 $0x2;
	s17 =	simm.s32 $0x4;
	s5 =	smul.u32 $0xC80, s6  }
0x9: {  	s19 =	simm.s32 $0x0;
	s3 =	simm.s32 $0x0;
	s4 =	smul.u32 $0x6400, s6  }
0xa: {  	[smem:$0x7FF] =	sst s3;
	s1 =	ssub.s32 $0x2, s1;
	s8 =	smul.u32 $0x190000, s6  }
0xb: {  	_ =	strace $0x80000047;
	s28 =	sshrl.u32 s1, $0x1;
	s9 =	smul.u32 $0x32000, s6  }
0xc: {  	s7 =	sadd.s32 s5, s0;
	s5 =	sadd.s32 $0xF42E00, s0;
	s0 =	ssub.s32 s1, s28  }
0xd: {  	s30 =	sshrl.u32 s8, $0x3;
	s8 =	sor.u32 $0x280, s4;
	s6 =	sadd.s32 $0xA00, s7  }
0xe: {  	s7 =	sadd.s32 s2, s9;
	s1 =	sadd.s32 s2, s30;
	s10 =	smax.u32 s0, $0x1  }
0xf: {  	s0 =	simm.s32 $0x3;
	s9 =	sadd.s32 $0x30C00, s1;
	s1 =	simm.s32 $0x1  }
.LBB2_1:
0x10: {  	[tilespmem:s3], [sflag:$0x5] =	stream.linear.gather [hbm4b:s6+s3], $0x6400, $0x38;
	[tilespmem:$0x1A400] =	vst v63  }
0x11: {  	_ =	swait.ge [sflag:s11], $0x6400  }
0x12: {  	[sflag:s11] =	ssyncset.done $0x0  }
0x13: {  	[sflag:s11] =	ssyncadd.s32 $0xFFFF9C00  }
0x14: {  	[tilespmem:s13], [sflag:$0x1] =	stream.indirect.gather [hbm4b:s5+s12], $0x40, s3, s12, $0xb8;
	[tilespmem:$0x1A400] =	vst v63  }
0x15: {  	_ = 	snop  }
0x16: {  	[tilespmem:s14], [sflag:$0x1] =	stream.indirect.gather [hbm4b:s5+s12], $0x40, s12, s12, $0xb8;
	[tilespmem:$0x1A400] =	vst v63  }
0x17: {  	s21 =	simm.s32 $0x100  }
0x18: {  	[tilespmem:s16], [sflag:$0x1] =	stream.indirect.gather [hbm4b:s5+s12], $0x40, s21, s12, $0xb8;
	[tilespmem:$0x1A400] =	vst v63  }
0x19: {  	s25 =	simm.s32 $0x180  }
0x1a: {  	[tilespmem:s18], [sflag:$0x1] =	stream.indirect.gather [hbm4b:s5+s12], $0x40, s25, s12, $0xb8;
	[tilespmem:$0x1A400] =	vst v63  }
0x1b: {  	s28 =	simm.s32 $0x200  }
0x1c: {  	[tilespmem:s20], [sflag:$0x1] =	stream.indirect.gather [hbm4b:s5+s12], $0x40, s28, s12, $0xb8;
	[tilespmem:$0x1A400] =	vst v63  }
0x1d: {  	s30 =	simm.s32 $0x280  }
0x1e: {  	[tilespmem:s22], [sflag:$0x2] =	stream.indirect.gather [hbm4b:s5+s12], $0x40, s30, s12, $0xb8;
	[tilespmem:$0x1A400] =	vst v63  }
0x1f: {  	s23 =	simm.s32 $0x300  }
0x20: {  	[tilespmem:s24], [sflag:$0x2] =	stream.indirect.gather [hbm4b:s5+s12], $0x40, s23, s12, $0xb8;
	[tilespmem:$0x1A400] =	vst v63  }
0x21: {  	s25 =	simm.s32 $0x380  }
0x22: {  	[tilespmem:s26], [sflag:$0x2] =	stream.indirect.gather [hbm4b:s5+s12], $0x40, s25, s12, $0xb8;
	[tilespmem:$0x1A400] =	vst v63  }
0x23: {  	s28 =	simm.s32 $0x400  }
0x24: {  	[tilespmem:s29], [sflag:$0x2] =	stream.indirect.gather [hbm4b:s5+s12], $0x40, s28, s12, $0xb8;
	[tilespmem:$0x1A400] =	vst v63  }
0x25: {  	s30 =	simm.s32 $0x480  }
0x26: {  	[tilespmem:s31], [sflag:$0x2] =	stream.indirect.gather [hbm4b:s5+s12], $0x40, s30, s12, $0xb8;
	[tilespmem:$0x1A400] =	vst v63  }
0x27: {  	_ =	swait.ge [sflag:s1], $0xA000  }
0x28: {  	[sflag:s1] =	ssyncset.done $0x0  }
0x29: {  	s21 =	simm.s32 $0x0;
	[sflag:s1] =	ssyncadd.s32 $0xFFFF6000  }
0x2a: {  	v0 =	vld [tilespmem:s21+$0x6400]  }
0x2b: {  	v1 =	vld [tilespmem:s21+$0x6410]  }
0x2c: {  	v2 =	vld [tilespmem:s21+$0x6420]  }
0x2d: {  	v3 =	vld [tilespmem:s21+$0x6430]  }
0x2e: {  	v4 =	vld [tilespmem:s21+$0x6440]  }
0x2f: {  	v5 =	vld [tilespmem:s21+$0x6450];
	v0 =	vmul.f32 $8.000000000e+00, v0  }
0x30: {  	v6 =	vld [tilespmem:s21+$0x6460];
	v1 =	vmul.f32 $8.000000000e+00, v1  }
0x31: {  	v2 =	vmul.f32 $8.000000000e+00, v2;
	[tilespmem:s21+$0x6400] =	vst v0;
	v0 =	vld [tilespmem:s21+$0x6470]  }
0x32: {  	v3 =	vmul.f32 $8.000000000e+00, v3;
	[tilespmem:s21+$0x6410] =	vst v1;
	v1 =	vld [tilespmem:s21+$0x6480]  }
0x33: {  	v4 =	vmul.f32 $8.000000000e+00, v4;
	[tilespmem:s21+$0x6420] =	vst v2;
	v2 =	vld [tilespmem:s21+$0x6490]  }
0x34: {  	v5 =	vmul.f32 $8.000000000e+00, v5;
	[tilespmem:s21+$0x6430] =	vst v3;
	v3 =	vld [tilespmem:s21+$0x64A0]  }
0x35: {  	v6 =	vmul.f32 $8.000000000e+00, v6;
	[tilespmem:s21+$0x6440] =	vst v4;
	v4 =	vld [tilespmem:s21+$0x64B0]  }
0x36: {  	[tilespmem:s21+$0x6450] =	vst v5;
	v5 =	vld [tilespmem:s21+$0x64C0];
	v0 =	vmul.f32 $8.000000000e+00, v0  }
0x37: {  	[tilespmem:s21+$0x6460] =	vst v6;
	v6 =	vld [tilespmem:s21+$0x64D0];
	v1 =	vmul.f32 $8.000000000e+00, v1  }
0x38: {  	v2 =	vmul.f32 $8.000000000e+00, v2;
	[tilespmem:s21+$0x6470] =	vst v0;
	v0 =	vld [tilespmem:s21+$0x64E0]  }
0x39: {  	v3 =	vmul.f32 $8.000000000e+00, v3;
	[tilespmem:s21+$0x6480] =	vst v1;
	v1 =	vld [tilespmem:s21+$0x64F0]  }
0x3a: {  	v4 =	vmul.f32 $8.000000000e+00, v4;
	[tilespmem:s21+$0x6490] =	vst v2;
	v2 =	vld [tilespmem:s21+$0x6500]  }
0x3b: {  	v5 =	vmul.f32 $8.000000000e+00, v5;
	[tilespmem:s21+$0x64A0] =	vst v3;
	v3 =	vld [tilespmem:s21+$0x6510]  }
0x3c: {  	v6 =	vmul.f32 $8.000000000e+00, v6;
	[tilespmem:s21+$0x64B0] =	vst v4;
	v4 =	vld [tilespmem:s21+$0x6520]  }
0x3d: {  	[tilespmem:s21+$0x64C0] =	vst v5;
	v5 =	vld [tilespmem:s21+$0x6530];
	v0 =	vmul.f32 $8.000000000e+00, v0  }
0x3e: {  	[tilespmem:s21+$0x64D0] =	vst v6;
	v6 =	vld [tilespmem:s21+$0x6540]  }
0x3f: {  	v1 =	vmul.f32 $8.000000000e+00, v1;
	[tilespmem:s21+$0x64E0] =	vst v0;
	v0 =	vld [tilespmem:s21+$0x6550]  }
0x40: {  	v2 =	vmul.f32 $8.000000000e+00, v2  }
0x41: {  	[tilespmem:s21+$0x64F0] =	vst v1;
	v1 =	vmul.f32 $8.000000000e+00, v3;
	v3 =	vld [tilespmem:s21+$0x6570]  }
0x42: {  	v7 =	vld [tilespmem:s21+$0x6560];
	[tilespmem:s21+$0x6500] =	vst v2;
	v2 =	vmul.f32 $8.000000000e+00, v4  }
0x43: {  	v4 =	vld [tilespmem:s21+$0x6580];
	[tilespmem:s21+$0x6510] =	vst v1;
	v1 =	vmul.f32 $8.000000000e+00, v5  }
0x44: {  	[tilespmem:s21+$0x6520] =	vst v2;
	v5 =	vld [tilespmem:s21+$0x6590];
	v2 =	vmul.f32 $8.000000000e+00, v6;
	v6 =	vmul.f32 $8.000000000e+00, v0  }
0x45: {  	[tilespmem:s21+$0x6530] =	vst v1;
	v1 =	vld [tilespmem:s21+$0x65A0]  }
0x46: {  	v0 =	vld [tilespmem:s21+$0x65B0];
	[tilespmem:s21+$0x6550] =	vst v6;
	v6 =	vmul.f32 $8.000000000e+00, v3  }
0x47: {  	v7 =	vmul.f32 $8.000000000e+00, v7;
	[tilespmem:s21+$0x6540] =	vst v2;
	v2 =	vld [tilespmem:s21+$0x65C0]  }
0x48: {  	v3 =	vld [tilespmem:s21+$0x65D0];
	[tilespmem:s21+$0x6570] =	vst v6;
	v6 =	vmul.f32 $8.000000000e+00, v4  }
0x49: {  	s23 =	simm.s32 $0x800;
	[tilespmem:s21+$0x6560] =	vst v7;
	v5 =	vmul.f32 $8.000000000e+00, v5;
	v4 =	vld [tilespmem:s21+$0x65E0]  }
.LBB2_2:
0x4a: {  	s25 =	sshra.s32 s23, $0x2;
	p0 =	sne.s32 s23, $0x27800;
	[tilespmem:s21+$0x6580] =	vst v6;
	v1 =	vmul.f32 $8.000000000e+00, v1;
	v6 =	vld [tilespmem:s21+$0x65F0]  }
0x4b: {  	v7 =	vld [tilespmem:s25+$0x6400];
	[tilespmem:s21+$0x6590] =	vst v5;
	v0 =	vmul.f32 $8.000000000e+00, v0  }
0x4c: {  	v5 =	vld [tilespmem:s25+$0x6410];
	[tilespmem:s21+$0x65A0] =	vst v1;
	v1 =	vmul.f32 $8.000000000e+00, v2  }
0x4d: {  	v2 =	vld [tilespmem:s25+$0x6420];
	[tilespmem:s21+$0x65B0] =	vst v0;
	v0 =	vmul.f32 $8.000000000e+00, v3  }
0x4e: {  	v3 =	vld [tilespmem:s25+$0x6430];
	[tilespmem:s21+$0x65C0] =	vst v1;
	v1 =	vmul.f32 $8.000000000e+00, v4  }
0x4f: {  	v4 =	vld [tilespmem:s25+$0x6440];
	[tilespmem:s21+$0x65D0] =	vst v0;
	v0 =	vmul.f32 $8.000000000e+00, v6  }
0x50: {  	v6 =	vmul.f32 $8.000000000e+00, v7;
	v7 =	vld [tilespmem:s25+$0x6450];
	[tilespmem:s21+$0x65E0] =	vst v1  }
0x51: {  	v1 =	vmul.f32 $8.000000000e+00, v5;
	v5 =	vld [tilespmem:s25+$0x6460];
	[tilespmem:s21+$0x65F0] =	vst v0;
	s21 =	smov.u32 s25  }
0x52: {  	[tilespmem:s21+$0x6400] =	vst v6;
	v0 =	vmul.f32 $8.000000000e+00, v2;
	v2 =	vld [tilespmem:s21+$0x6470]  }
0x53: {  	[tilespmem:s21+$0x6410] =	vst v1;
	v1 =	vmul.f32 $8.000000000e+00, v3;
	v3 =	vld [tilespmem:s21+$0x6480]  }
0x54: {  	[tilespmem:s21+$0x6420] =	vst v0;
	v0 =	vmul.f32 $8.000000000e+00, v4;
	v4 =	vld [tilespmem:s21+$0x6490]  }
0x55: {  	[tilespmem:s21+$0x6430] =	vst v1;
	v1 =	vmul.f32 $8.000000000e+00, v7;
	v6 =	vld [tilespmem:s21+$0x64A0]  }
0x56: {  	[tilespmem:s21+$0x6440] =	vst v0;
	v0 =	vmul.f32 $8.000000000e+00, v5;
	v5 =	vld [tilespmem:s21+$0x64B0]  }
0x57: {  	[tilespmem:s21+$0x6450] =	vst v1;
	v1 =	vmul.f32 $8.000000000e+00, v2;
	v2 =	vld [tilespmem:s21+$0x64C0]  }
0x58: {  	[tilespmem:s21+$0x6460] =	vst v0;
	v0 =	vmul.f32 $8.000000000e+00, v3;
	v3 =	vld [tilespmem:s21+$0x64D0]  }
0x59: {  	[tilespmem:s21+$0x6470] =	vst v1;
	v1 =	vmul.f32 $8.000000000e+00, v4;
	v4 =	vld [tilespmem:s21+$0x64E0]  }
0x5a: {  	[tilespmem:s21+$0x6480] =	vst v0;
	v0 =	vmul.f32 $8.000000000e+00, v6;
	v6 =	vld [tilespmem:s21+$0x64F0]  }
0x5b: {  	[tilespmem:s21+$0x6490] =	vst v1;
	v1 =	vmul.f32 $8.000000000e+00, v5;
	v5 =	vld [tilespmem:s21+$0x6500]  }
0x5c: {  	[tilespmem:s21+$0x64A0] =	vst v0;
	v0 =	vmul.f32 $8.000000000e+00, v2;
	v2 =	vld [tilespmem:s21+$0x6510]  }
0x5d: {  	[tilespmem:s21+$0x64B0] =	vst v1;
	v1 =	vmul.f32 $8.000000000e+00, v3;
	v3 =	vld [tilespmem:s21+$0x6520]  }
0x5e: {  	[tilespmem:s21+$0x64C0] =	vst v0;
	v0 =	vmul.f32 $8.000000000e+00, v4;
	v4 =	vld [tilespmem:s21+$0x6530]  }
0x5f: {  	[tilespmem:s21+$0x64D0] =	vst v1;
	v1 =	vmul.f32 $8.000000000e+00, v6;
	v6 =	vld [tilespmem:s21+$0x6540]  }
0x60: {  	[tilespmem:s21+$0x64E0] =	vst v0;
	v0 =	vmul.f32 $8.000000000e+00, v5;
	v5 =	vld [tilespmem:s21+$0x6550]  }
0x61: {  	[tilespmem:s21+$0x64F0] =	vst v1;
	v1 =	vmul.f32 $8.000000000e+00, v2;
	v2 =	vld [tilespmem:s21+$0x6560]  }
0x62: {  	[tilespmem:s21+$0x6500] =	vst v0;
	v0 =	vmul.f32 $8.000000000e+00, v3;
	v3 =	vld [tilespmem:s21+$0x6570]  }
0x63: {  	[tilespmem:s21+$0x6510] =	vst v1;
	v1 =	vmul.f32 $8.000000000e+00, v4;
	v4 =	vld [tilespmem:s21+$0x6580]  }
0x64: {  	[tilespmem:s21+$0x6520] =	vst v0;
	v0 =	vmul.f32 $8.000000000e+00, v6;
	v7 =	vld [tilespmem:s21+$0x6590]  }
.Ltmp0:
0x65: {  	[tilespmem:s21+$0x6530] =	vst v1;
	v5 =	vmul.f32 $8.000000000e+00, v5;
	v1 =	vld [tilespmem:s21+$0x65A0];
	(pc) =	sbr.rel @p0 .LBB2_2-.Ltmp0, $4  }
0x66: {  	[tilespmem:s21+$0x6540] =	vst v0;
	v6 =	vmul.f32 $8.000000000e+00, v2;
	v0 =	vld [tilespmem:s21+$0x65B0]  }
0x67: {  	[tilespmem:s21+$0x6550] =	vst v5;
	v5 =	vmul.f32 $8.000000000e+00, v3;
	v2 =	vld [tilespmem:s21+$0x65C0]  }
0x68: {  	[tilespmem:s21+$0x6560] =	vst v6;
	v6 =	vmul.f32 $8.000000000e+00, v4;
	v3 =	vld [tilespmem:s21+$0x65D0]  }
0x69: {  	s23 =	sadd.s32 $0x800, s23;
	[tilespmem:s21+$0x6570] =	vst v5;
	v5 =	vmul.f32 $8.000000000e+00, v7;
	v4 =	vld [tilespmem:s21+$0x65E0]  }
0x6a: {  	[tilespmem:s21+$0x6580] =	vst v6;
	v1 =	vmul.f32 $8.000000000e+00, v1;
	v59 =	vld [tilespmem:s21+$0x65F0]  }
0x6b: {  	[tilespmem:s21+$0x6590] =	vst v5;
	v0 =	vmul.f32 $8.000000000e+00, v0  }
0x6c: {  	[tilespmem:s21+$0x65A0] =	vst v1;
	v60 =	vmul.f32 $8.000000000e+00, v2  }
0x6d: {  	[tilespmem:s21+$0x65B0] =	vst v0;
	v61 =	vmul.f32 $8.000000000e+00, v3  }
0x6e: {  	[tilespmem:s21+$0x65C0] =	vst v60;
	v62 =	vmul.f32 $8.000000000e+00, v4  }
0x6f: {  	[tilespmem:s21+$0x65D0] =	vst v61;
	v63 =	vmul.f32 $8.000000000e+00, v59  }
0x70: {  	[tilespmem:s21+$0x65E0] =	vst v62  }
0x71: {  	[tilespmem:s21+$0x65F0] =	vst v63;
	s21 =	simm.s32 $0x0  }
0x72: {  	[hbm4b:s7+s21] =	stream.linear.scatter [tilespmem:s13], [sflag:$0x3], $0xA000, $0x38;
	[tilespmem:$0x1A400] =	vst v63  }
.LBB2_4:
0x73: {  	s23 =	sshll.u32 s21, $0x1  }
0x74: {  	s23 =	sadd.s32 $0x2, s23  }
0x75: {  	_ =	swait.ge [sflag:s0], $0xA000;
	s25 =	smul.u32 $0xA00, s23  }
0x76: {  	[sflag:s0] =	ssyncset.done $0x0  }
0x77: {  	[sflag:s0] =	ssyncadd.s32 $0xFFFF6000;
	s25 =	sshra.s32 s25, $0x2  }
0x78: {  	[tilespmem:s13], [sflag:$0x1] =	stream.indirect.gather [hbm4b:s5+s12], $0x40, s25, s12, $0xb8;
	[tilespmem:$0x1A400] =	vst v63  }
0x79: {  	s28 =	sor.u32 $0x80, s25  }
0x7a: {  	[tilespmem:s14], [sflag:$0x1] =	stream.indirect.gather [hbm4b:s5+s12], $0x40, s28, s12, $0xb8;
	[tilespmem:$0x1A400] =	vst v63  }
0x7b: {  	s28 =	sadd.s32 $0x100, s25  }
0x7c: {  	[tilespmem:s16], [sflag:$0x1] =	stream.indirect.gather [hbm4b:s5+s12], $0x40, s28, s12, $0xb8;
	[tilespmem:$0x1A400] =	vst v63  }
0x7d: {  	s28 =	sadd.s32 $0x180, s25  }
0x7e: {  	[tilespmem:s18], [sflag:$0x1] =	stream.indirect.gather [hbm4b:s5+s12], $0x40, s28, s12, $0xb8;
	[tilespmem:$0x1A400] =	vst v63  }
0x7f: {  	s25 =	sadd.s32 $0x200, s25  }
0x80: {  	[tilespmem:s20], [sflag:$0x1] =	stream.indirect.gather [hbm4b:s5+s12], $0x40, s25, s12, $0xb8;
	[tilespmem:$0x1A400] =	vst v63  }
0x81: {  	_ =	swait.ge [sflag:s15], $0xA000  }
0x82: {  	[sflag:s15] =	ssyncset.done $0x0  }
0x83: {  	s25 =	simm.s32 $0x0;
	[sflag:s15] =	ssyncadd.s32 $0xFFFF6000  }
0x84: {  	v0 =	vld [tilespmem:s25+$0x10400]  }
0x85: {  	v1 =	vld [tilespmem:s25+$0x10410]  }
0x86: {  	v2 =	vld [tilespmem:s25+$0x10420]  }
0x87: {  	v3 =	vld [tilespmem:s25+$0x10430]  }
0x88: {  	v4 =	vld [tilespmem:s25+$0x10440]  }
0x89: {  	v5 =	vld [tilespmem:s25+$0x10450];
	v0 =	vmul.f32 $8.000000000e+00, v0  }
0x8a: {  	v6 =	vld [tilespmem:s25+$0x10460];
	v1 =	vmul.f32 $8.000000000e+00, v1  }
0x8b: {  	v2 =	vmul.f32 $8.000000000e+00, v2;
	[tilespmem:s25+$0x10400] =	vst v0;
	v0 =	vld [tilespmem:s25+$0x10470]  }
0x8c: {  	v3 =	vmul.f32 $8.000000000e+00, v3;
	[tilespmem:s25+$0x10410] =	vst v1;
	v1 =	vld [tilespmem:s25+$0x10480]  }
0x8d: {  	v4 =	vmul.f32 $8.000000000e+00, v4;
	[tilespmem:s25+$0x10420] =	vst v2;
	v2 =	vld [tilespmem:s25+$0x10490]  }
0x8e: {  	v5 =	vmul.f32 $8.000000000e+00, v5;
	[tilespmem:s25+$0x10430] =	vst v3;
	v3 =	vld [tilespmem:s25+$0x104A0]  }
0x8f: {  	v6 =	vmul.f32 $8.000000000e+00, v6;
	[tilespmem:s25+$0x10440] =	vst v4;
	v4 =	vld [tilespmem:s25+$0x104B0]  }
0x90: {  	[tilespmem:s25+$0x10450] =	vst v5;
	v5 =	vld [tilespmem:s25+$0x104C0];
	v0 =	vmul.f32 $8.000000000e+00, v0  }
0x91: {  	[tilespmem:s25+$0x10460] =	vst v6;
	v6 =	vld [tilespmem:s25+$0x104D0];
	v1 =	vmul.f32 $8.000000000e+00, v1  }
0x92: {  	v2 =	vmul.f32 $8.000000000e+00, v2;
	[tilespmem:s25+$0x10470] =	vst v0;
	v0 =	vld [tilespmem:s25+$0x104E0]  }
0x93: {  	v3 =	vmul.f32 $8.000000000e+00, v3;
	[tilespmem:s25+$0x10480] =	vst v1;
	v1 =	vld [tilespmem:s25+$0x104F0]  }
0x94: {  	v4 =	vmul.f32 $8.000000000e+00, v4;
	[tilespmem:s25+$0x10490] =	vst v2;
	v2 =	vld [tilespmem:s25+$0x10500]  }
0x95: {  	v5 =	vmul.f32 $8.000000000e+00, v5;
	[tilespmem:s25+$0x104A0] =	vst v3;
	v3 =	vld [tilespmem:s25+$0x10510]  }
0x96: {  	v6 =	vmul.f32 $8.000000000e+00, v6;
	[tilespmem:s25+$0x104B0] =	vst v4;
	v4 =	vld [tilespmem:s25+$0x10520]  }
0x97: {  	[tilespmem:s25+$0x104C0] =	vst v5;
	v5 =	vld [tilespmem:s25+$0x10530];
	v0 =	vmul.f32 $8.000000000e+00, v0  }
0x98: {  	[tilespmem:s25+$0x104D0] =	vst v6;
	v6 =	vld [tilespmem:s25+$0x10540]  }
0x99: {  	v1 =	vmul.f32 $8.000000000e+00, v1;
	[tilespmem:s25+$0x104E0] =	vst v0;
	v0 =	vld [tilespmem:s25+$0x10550]  }
0x9a: {  	v2 =	vmul.f32 $8.000000000e+00, v2  }
0x9b: {  	[tilespmem:s25+$0x104F0] =	vst v1;
	v1 =	vmul.f32 $8.000000000e+00, v3;
	v3 =	vld [tilespmem:s25+$0x10570]  }
0x9c: {  	v7 =	vld [tilespmem:s25+$0x10560];
	[tilespmem:s25+$0x10500] =	vst v2;
	v2 =	vmul.f32 $8.000000000e+00, v4  }
0x9d: {  	v4 =	vld [tilespmem:s25+$0x10580];
	[tilespmem:s25+$0x10510] =	vst v1;
	v1 =	vmul.f32 $8.000000000e+00, v5  }
0x9e: {  	[tilespmem:s25+$0x10520] =	vst v2;
	v5 =	vld [tilespmem:s25+$0x10590];
	v2 =	vmul.f32 $8.000000000e+00, v6;
	v6 =	vmul.f32 $8.000000000e+00, v0  }
0x9f: {  	[tilespmem:s25+$0x10530] =	vst v1;
	v1 =	vld [tilespmem:s25+$0x105A0]  }
0xa0: {  	v0 =	vld [tilespmem:s25+$0x105B0];
	[tilespmem:s25+$0x10550] =	vst v6;
	v6 =	vmul.f32 $8.000000000e+00, v3  }
0xa1: {  	v7 =	vmul.f32 $8.000000000e+00, v7;
	[tilespmem:s25+$0x10540] =	vst v2;
	v2 =	vld [tilespmem:s25+$0x105C0]  }
0xa2: {  	v3 =	vld [tilespmem:s25+$0x105D0];
	[tilespmem:s25+$0x10570] =	vst v6;
	v6 =	vmul.f32 $8.000000000e+00, v4  }
0xa3: {  	s28 =	simm.s32 $0x800;
	[tilespmem:s25+$0x10560] =	vst v7;
	v5 =	vmul.f32 $8.000000000e+00, v5;
	v4 =	vld [tilespmem:s25+$0x105E0]  }
.LBB2_5:
0xa4: {  	s30 =	sshra.s32 s28, $0x2;
	p0 =	sne.s32 s28, $0x27800;
	[tilespmem:s25+$0x10580] =	vst v6;
	v1 =	vmul.f32 $8.000000000e+00, v1;
	v6 =	vld [tilespmem:s25+$0x105F0]  }
0xa5: {  	v7 =	vld [tilespmem:s30+$0x10400];
	[tilespmem:s25+$0x10590] =	vst v5;
	v0 =	vmul.f32 $8.000000000e+00, v0  }
0xa6: {  	v5 =	vld [tilespmem:s30+$0x10410];
	[tilespmem:s25+$0x105A0] =	vst v1;
	v1 =	vmul.f32 $8.000000000e+00, v2  }
0xa7: {  	v2 =	vld [tilespmem:s30+$0x10420];
	[tilespmem:s25+$0x105B0] =	vst v0;
	v0 =	vmul.f32 $8.000000000e+00, v3  }
0xa8: {  	v3 =	vld [tilespmem:s30+$0x10430];
	[tilespmem:s25+$0x105C0] =	vst v1;
	v1 =	vmul.f32 $8.000000000e+00, v4  }
0xa9: {  	v4 =	vld [tilespmem:s30+$0x10440];
	[tilespmem:s25+$0x105D0] =	vst v0;
	v0 =	vmul.f32 $8.000000000e+00, v6  }
0xaa: {  	v6 =	vmul.f32 $8.000000000e+00, v7;
	v7 =	vld [tilespmem:s30+$0x10450];
	[tilespmem:s25+$0x105E0] =	vst v1  }
0xab: {  	v1 =	vmul.f32 $8.000000000e+00, v5;
	v5 =	vld [tilespmem:s30+$0x10460];
	[tilespmem:s25+$0x105F0] =	vst v0;
	s25 =	smov.u32 s30  }
0xac: {  	[tilespmem:s25+$0x10400] =	vst v6;
	v0 =	vmul.f32 $8.000000000e+00, v2;
	v2 =	vld [tilespmem:s25+$0x10470]  }
0xad: {  	[tilespmem:s25+$0x10410] =	vst v1;
	v1 =	vmul.f32 $8.000000000e+00, v3;
	v3 =	vld [tilespmem:s25+$0x10480]  }
0xae: {  	[tilespmem:s25+$0x10420] =	vst v0;
	v0 =	vmul.f32 $8.000000000e+00, v4;
	v4 =	vld [tilespmem:s25+$0x10490]  }
0xaf: {  	[tilespmem:s25+$0x10430] =	vst v1;
	v1 =	vmul.f32 $8.000000000e+00, v7;
	v6 =	vld [tilespmem:s25+$0x104A0]  }
0xb0: {  	[tilespmem:s25+$0x10440] =	vst v0;
	v0 =	vmul.f32 $8.000000000e+00, v5;
	v5 =	vld [tilespmem:s25+$0x104B0]  }
0xb1: {  	[tilespmem:s25+$0x10450] =	vst v1;
	v1 =	vmul.f32 $8.000000000e+00, v2;
	v2 =	vld [tilespmem:s25+$0x104C0]  }
0xb2: {  	[tilespmem:s25+$0x10460] =	vst v0;
	v0 =	vmul.f32 $8.000000000e+00, v3;
	v3 =	vld [tilespmem:s25+$0x104D0]  }
0xb3: {  	[tilespmem:s25+$0x10470] =	vst v1;
	v1 =	vmul.f32 $8.000000000e+00, v4;
	v4 =	vld [tilespmem:s25+$0x104E0]  }
0xb4: {  	[tilespmem:s25+$0x10480] =	vst v0;
	v0 =	vmul.f32 $8.000000000e+00, v6;
	v6 =	vld [tilespmem:s25+$0x104F0]  }
0xb5: {  	[tilespmem:s25+$0x10490] =	vst v1;
	v1 =	vmul.f32 $8.000000000e+00, v5;
	v5 =	vld [tilespmem:s25+$0x10500]  }
0xb6: {  	[tilespmem:s25+$0x104A0] =	vst v0;
	v0 =	vmul.f32 $8.000000000e+00, v2;
	v2 =	vld [tilespmem:s25+$0x10510]  }
0xb7: {  	[tilespmem:s25+$0x104B0] =	vst v1;
	v1 =	vmul.f32 $8.000000000e+00, v3;
	v3 =	vld [tilespmem:s25+$0x10520]  }
0xb8: {  	[tilespmem:s25+$0x104C0] =	vst v0;
	v0 =	vmul.f32 $8.000000000e+00, v4;
	v4 =	vld [tilespmem:s25+$0x10530]  }
0xb9: {  	[tilespmem:s25+$0x104D0] =	vst v1;
	v1 =	vmul.f32 $8.000000000e+00, v6;
	v6 =	vld [tilespmem:s25+$0x10540]  }
0xba: {  	[tilespmem:s25+$0x104E0] =	vst v0;
	v0 =	vmul.f32 $8.000000000e+00, v5;
	v5 =	vld [tilespmem:s25+$0x10550]  }
0xbb: {  	[tilespmem:s25+$0x104F0] =	vst v1;
	v1 =	vmul.f32 $8.000000000e+00, v2;
	v2 =	vld [tilespmem:s25+$0x10560]  }
0xbc: {  	[tilespmem:s25+$0x10500] =	vst v0;
	v0 =	vmul.f32 $8.000000000e+00, v3;
	v3 =	vld [tilespmem:s25+$0x10570]  }
0xbd: {  	[tilespmem:s25+$0x10510] =	vst v1;
	v1 =	vmul.f32 $8.000000000e+00, v4;
	v4 =	vld [tilespmem:s25+$0x10580]  }
0xbe: {  	[tilespmem:s25+$0x10520] =	vst v0;
	v0 =	vmul.f32 $8.000000000e+00, v6;
	v7 =	vld [tilespmem:s25+$0x10590]  }
.Ltmp1:
0xbf: {  	[tilespmem:s25+$0x10530] =	vst v1;
	v5 =	vmul.f32 $8.000000000e+00, v5;
	v1 =	vld [tilespmem:s25+$0x105A0];
	(pc) =	sbr.rel @p0 .LBB2_5-.Ltmp1, $4  }
0xc0: {  	[tilespmem:s25+$0x10540] =	vst v0;
	v6 =	vmul.f32 $8.000000000e+00, v2;
	v0 =	vld [tilespmem:s25+$0x105B0]  }
0xc1: {  	[tilespmem:s25+$0x10550] =	vst v5;
	v5 =	vmul.f32 $8.000000000e+00, v3;
	v2 =	vld [tilespmem:s25+$0x105C0]  }
0xc2: {  	[tilespmem:s25+$0x10560] =	vst v6;
	v6 =	vmul.f32 $8.000000000e+00, v4;
	v3 =	vld [tilespmem:s25+$0x105D0]  }
0xc3: {  	s28 =	sadd.s32 $0x800, s28;
	[tilespmem:s25+$0x10570] =	vst v5;
	v5 =	vmul.f32 $8.000000000e+00, v7;
	v4 =	vld [tilespmem:s25+$0x105E0]  }
0xc4: {  	[tilespmem:s25+$0x10580] =	vst v6;
	v1 =	vmul.f32 $8.000000000e+00, v1;
	v6 =	vld [tilespmem:s25+$0x105F0]  }
0xc5: {  	[tilespmem:s25+$0x10590] =	vst v5;
	v0 =	vmul.f32 $8.000000000e+00, v0  }
0xc6: {  	s28 =	smul.u32 $0x500, s21;
	[tilespmem:s25+$0x105A0] =	vst v1;
	v1 =	vmul.f32 $8.000000000e+00, v2  }
0xc7: {  	[tilespmem:s25+$0x105B0] =	vst v0;
	v0 =	vmul.f32 $8.000000000e+00, v3  }
0xc8: {  	s28 =	sadd.s32 s28, s8;
	[tilespmem:s25+$0x105C0] =	vst v1;
	v1 =	vmul.f32 $8.000000000e+00, v4  }
0xc9: {  	s28 =	sshll.u32 s28, $0x3;
	[tilespmem:s25+$0x105D0] =	vst v0;
	v0 =	vmul.f32 $8.000000000e+00, v6  }
0xca: {  	s28 =	sand.u32 $0x1FFFFC00, s28;
	[tilespmem:s25+$0x105E0] =	vst v1  }
0xcb: {  	s30 =	sadd.s32 s2, s28;
	s28 =	simm.s32 $0x0;
	[tilespmem:s25+$0x105F0] =	vst v0  }
0xcc: {  	[hbm4b:s30+s28] =	stream.linear.scatter [tilespmem:s22], [sflag:$0x4], $0xA000, $0x38;
	[tilespmem:$0x1A400] =	vst v63  }
0xcd: {  	s30 =	smul.u32 $0x1400, s21  }
0xce: {  	_ =	swait.ge [sflag:s17], $0xA000  }
0xcf: {  	[sflag:s17] =	ssyncset.done $0x0;
	s25 =	sshra.s32 s30, $0x2  }
0xd0: {  	[sflag:s17] =	ssyncadd.s32 $0xFFFF6000;
	s28 =	sadd.s32 $0x780, s25  }
0xd1: {  	[tilespmem:s22], [sflag:$0x2] =	stream.indirect.gather [hbm4b:s5+s12], $0x40, s28, s12, $0xb8;
	[tilespmem:$0x1A400] =	vst v63  }
0xd2: {  	s28 =	sadd.s32 $0x800, s25  }
0xd3: {  	[tilespmem:s24], [sflag:$0x2] =	stream.indirect.gather [hbm4b:s5+s12], $0x40, s28, s12, $0xb8;
	[tilespmem:$0x1A400] =	vst v63  }
0xd4: {  	s28 =	sadd.s32 $0x880, s25  }
0xd5: {  	[tilespmem:s26], [sflag:$0x2] =	stream.indirect.gather [hbm4b:s5+s12], $0x40, s28, s12, $0xb8;
	[tilespmem:$0x1A400] =	vst v63  }
0xd6: {  	s28 =	sadd.s32 $0x900, s25  }
0xd7: {  	[tilespmem:s29], [sflag:$0x2] =	stream.indirect.gather [hbm4b:s5+s12], $0x40, s28, s12, $0xb8;
	[tilespmem:$0x1A400] =	vst v63  }
0xd8: {  	s25 =	sadd.s32 $0x980, s25  }
0xd9: {  	[tilespmem:s31], [sflag:$0x2] =	stream.indirect.gather [hbm4b:s5+s12], $0x40, s25, s12, $0xb8;
	[tilespmem:$0x1A400] =	vst v63  }
0xda: {  	_ =	swait.ge [sflag:s1], $0xA000  }
0xdb: {  	[sflag:s1] =	ssyncset.done $0x0  }
0xdc: {  	s25 =	simm.s32 $0x0;
	[sflag:s1] =	ssyncadd.s32 $0xFFFF6000  }
0xdd: {  	v0 =	vld [tilespmem:s25+$0x6400]  }
0xde: {  	v1 =	vld [tilespmem:s25+$0x6410]  }
0xdf: {  	v2 =	vld [tilespmem:s25+$0x6420]  }
0xe0: {  	v3 =	vld [tilespmem:s25+$0x6430]  }
0xe1: {  	v4 =	vld [tilespmem:s25+$0x6440]  }
0xe2: {  	v5 =	vld [tilespmem:s25+$0x6450];
	v0 =	vmul.f32 $8.000000000e+00, v0  }
0xe3: {  	v6 =	vld [tilespmem:s25+$0x6460];
	v1 =	vmul.f32 $8.000000000e+00, v1  }
0xe4: {  	v2 =	vmul.f32 $8.000000000e+00, v2;
	[tilespmem:s25+$0x6400] =	vst v0;
	v0 =	vld [tilespmem:s25+$0x6470]  }
0xe5: {  	v3 =	vmul.f32 $8.000000000e+00, v3;
	[tilespmem:s25+$0x6410] =	vst v1;
	v1 =	vld [tilespmem:s25+$0x6480]  }
0xe6: {  	v4 =	vmul.f32 $8.000000000e+00, v4;
	[tilespmem:s25+$0x6420] =	vst v2;
	v2 =	vld [tilespmem:s25+$0x6490]  }
0xe7: {  	v5 =	vmul.f32 $8.000000000e+00, v5;
	[tilespmem:s25+$0x6430] =	vst v3;
	v3 =	vld [tilespmem:s25+$0x64A0]  }
0xe8: {  	v6 =	vmul.f32 $8.000000000e+00, v6;
	[tilespmem:s25+$0x6440] =	vst v4;
	v4 =	vld [tilespmem:s25+$0x64B0]  }
0xe9: {  	[tilespmem:s25+$0x6450] =	vst v5;
	v5 =	vld [tilespmem:s25+$0x64C0];
	v0 =	vmul.f32 $8.000000000e+00, v0  }
0xea: {  	[tilespmem:s25+$0x6460] =	vst v6;
	v6 =	vld [tilespmem:s25+$0x64D0];
	v1 =	vmul.f32 $8.000000000e+00, v1  }
0xeb: {  	v2 =	vmul.f32 $8.000000000e+00, v2;
	[tilespmem:s25+$0x6470] =	vst v0;
	v0 =	vld [tilespmem:s25+$0x64E0]  }
0xec: {  	v3 =	vmul.f32 $8.000000000e+00, v3;
	[tilespmem:s25+$0x6480] =	vst v1;
	v1 =	vld [tilespmem:s25+$0x64F0]  }
0xed: {  	v4 =	vmul.f32 $8.000000000e+00, v4;
	[tilespmem:s25+$0x6490] =	vst v2;
	v2 =	vld [tilespmem:s25+$0x6500]  }
0xee: {  	v5 =	vmul.f32 $8.000000000e+00, v5;
	[tilespmem:s25+$0x64A0] =	vst v3;
	v3 =	vld [tilespmem:s25+$0x6510]  }
0xef: {  	v6 =	vmul.f32 $8.000000000e+00, v6;
	[tilespmem:s25+$0x64B0] =	vst v4;
	v4 =	vld [tilespmem:s25+$0x6520]  }
0xf0: {  	[tilespmem:s25+$0x64C0] =	vst v5;
	v5 =	vld [tilespmem:s25+$0x6530];
	v0 =	vmul.f32 $8.000000000e+00, v0  }
0xf1: {  	[tilespmem:s25+$0x64D0] =	vst v6;
	v6 =	vld [tilespmem:s25+$0x6540]  }
0xf2: {  	v1 =	vmul.f32 $8.000000000e+00, v1;
	[tilespmem:s25+$0x64E0] =	vst v0;
	v0 =	vld [tilespmem:s25+$0x6550]  }
0xf3: {  	v2 =	vmul.f32 $8.000000000e+00, v2  }
0xf4: {  	[tilespmem:s25+$0x64F0] =	vst v1;
	v1 =	vmul.f32 $8.000000000e+00, v3;
	v3 =	vld [tilespmem:s25+$0x6570]  }
0xf5: {  	v7 =	vld [tilespmem:s25+$0x6560];
	[tilespmem:s25+$0x6500] =	vst v2;
	v2 =	vmul.f32 $8.000000000e+00, v4  }
0xf6: {  	v4 =	vld [tilespmem:s25+$0x6580];
	[tilespmem:s25+$0x6510] =	vst v1;
	v1 =	vmul.f32 $8.000000000e+00, v5  }
0xf7: {  	[tilespmem:s25+$0x6520] =	vst v2;
	v5 =	vld [tilespmem:s25+$0x6590];
	v2 =	vmul.f32 $8.000000000e+00, v6;
	v6 =	vmul.f32 $8.000000000e+00, v0  }
0xf8: {  	[tilespmem:s25+$0x6530] =	vst v1;
	v1 =	vld [tilespmem:s25+$0x65A0]  }
0xf9: {  	v0 =	vld [tilespmem:s25+$0x65B0];
	[tilespmem:s25+$0x6550] =	vst v6;
	v6 =	vmul.f32 $8.000000000e+00, v3  }
0xfa: {  	v7 =	vmul.f32 $8.000000000e+00, v7;
	[tilespmem:s25+$0x6540] =	vst v2;
	v2 =	vld [tilespmem:s25+$0x65C0]  }
0xfb: {  	v3 =	vld [tilespmem:s25+$0x65D0];
	[tilespmem:s25+$0x6570] =	vst v6;
	v6 =	vmul.f32 $8.000000000e+00, v4  }
0xfc: {  	s28 =	simm.s32 $0x800;
	[tilespmem:s25+$0x6560] =	vst v7;
	v5 =	vmul.f32 $8.000000000e+00, v5;
	v4 =	vld [tilespmem:s25+$0x65E0]  }
.LBB2_7:
0xfd: {  	s30 =	sshra.s32 s28, $0x2;
	p0 =	sne.s32 s28, $0x27800;
	[tilespmem:s25+$0x6580] =	vst v6;
	v1 =	vmul.f32 $8.000000000e+00, v1;
	v6 =	vld [tilespmem:s25+$0x65F0]  }
0xfe: {  	v7 =	vld [tilespmem:s30+$0x6400];
	[tilespmem:s25+$0x6590] =	vst v5;
	v0 =	vmul.f32 $8.000000000e+00, v0  }
0xff: {  	v5 =	vld [tilespmem:s30+$0x6410];
	[tilespmem:s25+$0x65A0] =	vst v1;
	v1 =	vmul.f32 $8.000000000e+00, v2  }
0x100: {  	v2 =	vld [tilespmem:s30+$0x6420];
	[tilespmem:s25+$0x65B0] =	vst v0;
	v0 =	vmul.f32 $8.000000000e+00, v3  }
0x101: {  	v3 =	vld [tilespmem:s30+$0x6430];
	[tilespmem:s25+$0x65C0] =	vst v1;
	v1 =	vmul.f32 $8.000000000e+00, v4  }
0x102: {  	v4 =	vld [tilespmem:s30+$0x6440];
	[tilespmem:s25+$0x65D0] =	vst v0;
	v0 =	vmul.f32 $8.000000000e+00, v6  }
0x103: {  	v6 =	vmul.f32 $8.000000000e+00, v7;
	v7 =	vld [tilespmem:s30+$0x6450];
	[tilespmem:s25+$0x65E0] =	vst v1  }
0x104: {  	v1 =	vmul.f32 $8.000000000e+00, v5;
	v5 =	vld [tilespmem:s30+$0x6460];
	[tilespmem:s25+$0x65F0] =	vst v0;
	s25 =	smov.u32 s30  }
0x105: {  	[tilespmem:s25+$0x6400] =	vst v6;
	v0 =	vmul.f32 $8.000000000e+00, v2;
	v2 =	vld [tilespmem:s25+$0x6470]  }
0x106: {  	[tilespmem:s25+$0x6410] =	vst v1;
	v1 =	vmul.f32 $8.000000000e+00, v3;
	v3 =	vld [tilespmem:s25+$0x6480]  }
0x107: {  	[tilespmem:s25+$0x6420] =	vst v0;
	v0 =	vmul.f32 $8.000000000e+00, v4;
	v4 =	vld [tilespmem:s25+$0x6490]  }
0x108: {  	[tilespmem:s25+$0x6430] =	vst v1;
	v1 =	vmul.f32 $8.000000000e+00, v7;
	v6 =	vld [tilespmem:s25+$0x64A0]  }
0x109: {  	[tilespmem:s25+$0x6440] =	vst v0;
	v0 =	vmul.f32 $8.000000000e+00, v5;
	v5 =	vld [tilespmem:s25+$0x64B0]  }
0x10a: {  	[tilespmem:s25+$0x6450] =	vst v1;
	v1 =	vmul.f32 $8.000000000e+00, v2;
	v2 =	vld [tilespmem:s25+$0x64C0]  }
0x10b: {  	[tilespmem:s25+$0x6460] =	vst v0;
	v0 =	vmul.f32 $8.000000000e+00, v3;
	v3 =	vld [tilespmem:s25+$0x64D0]  }
0x10c: {  	[tilespmem:s25+$0x6470] =	vst v1;
	v1 =	vmul.f32 $8.000000000e+00, v4;
	v4 =	vld [tilespmem:s25+$0x64E0]  }
0x10d: {  	[tilespmem:s25+$0x6480] =	vst v0;
	v0 =	vmul.f32 $8.000000000e+00, v6;
	v6 =	vld [tilespmem:s25+$0x64F0]  }
0x10e: {  	[tilespmem:s25+$0x6490] =	vst v1;
	v1 =	vmul.f32 $8.000000000e+00, v5;
	v5 =	vld [tilespmem:s25+$0x6500]  }
0x10f: {  	[tilespmem:s25+$0x64A0] =	vst v0;
	v0 =	vmul.f32 $8.000000000e+00, v2;
	v2 =	vld [tilespmem:s25+$0x6510]  }
0x110: {  	[tilespmem:s25+$0x64B0] =	vst v1;
	v1 =	vmul.f32 $8.000000000e+00, v3;
	v3 =	vld [tilespmem:s25+$0x6520]  }
0x111: {  	[tilespmem:s25+$0x64C0] =	vst v0;
	v0 =	vmul.f32 $8.000000000e+00, v4;
	v4 =	vld [tilespmem:s25+$0x6530]  }
0x112: {  	[tilespmem:s25+$0x64D0] =	vst v1;
	v1 =	vmul.f32 $8.000000000e+00, v6;
	v6 =	vld [tilespmem:s25+$0x6540]  }
0x113: {  	[tilespmem:s25+$0x64E0] =	vst v0;
	v0 =	vmul.f32 $8.000000000e+00, v5;
	v5 =	vld [tilespmem:s25+$0x6550]  }
0x114: {  	[tilespmem:s25+$0x64F0] =	vst v1;
	v1 =	vmul.f32 $8.000000000e+00, v2;
	v2 =	vld [tilespmem:s25+$0x6560]  }
0x115: {  	[tilespmem:s25+$0x6500] =	vst v0;
	v0 =	vmul.f32 $8.000000000e+00, v3;
	v3 =	vld [tilespmem:s25+$0x6570]  }
0x116: {  	[tilespmem:s25+$0x6510] =	vst v1;
	v1 =	vmul.f32 $8.000000000e+00, v4;
	v4 =	vld [tilespmem:s25+$0x6580]  }
0x117: {  	[tilespmem:s25+$0x6520] =	vst v0;
	v0 =	vmul.f32 $8.000000000e+00, v6;
	v7 =	vld [tilespmem:s25+$0x6590]  }
.Ltmp2:
0x118: {  	[tilespmem:s25+$0x6530] =	vst v1;
	v5 =	vmul.f32 $8.000000000e+00, v5;
	v1 =	vld [tilespmem:s25+$0x65A0];
	(pc) =	sbr.rel @p0 .LBB2_7-.Ltmp2, $4  }
0x119: {  	[tilespmem:s25+$0x6540] =	vst v0;
	v6 =	vmul.f32 $8.000000000e+00, v2;
	v0 =	vld [tilespmem:s25+$0x65B0]  }
0x11a: {  	[tilespmem:s25+$0x6550] =	vst v5;
	v5 =	vmul.f32 $8.000000000e+00, v3;
	v2 =	vld [tilespmem:s25+$0x65C0]  }
0x11b: {  	[tilespmem:s25+$0x6560] =	vst v6;
	v6 =	vmul.f32 $8.000000000e+00, v4;
	v3 =	vld [tilespmem:s25+$0x65D0]  }
0x11c: {  	s28 =	sadd.s32 $0x800, s28;
	[tilespmem:s25+$0x6570] =	vst v5;
	v5 =	vmul.f32 $8.000000000e+00, v7;
	v4 =	vld [tilespmem:s25+$0x65E0]  }
0x11d: {  	[tilespmem:s25+$0x6580] =	vst v6;
	v1 =	vmul.f32 $8.000000000e+00, v1;
	v59 =	vld [tilespmem:s25+$0x65F0]  }
0x11e: {  	[tilespmem:s25+$0x6590] =	vst v5;
	v0 =	vmul.f32 $8.000000000e+00, v0  }
0x11f: {  	s23 =	smul.u32 $0x280, s23;
	s21 =	sadd.s32 $0x1, s21;
	[tilespmem:s25+$0x65A0] =	vst v1;
	v60 =	vmul.f32 $8.000000000e+00, v2  }
0x120: {  	p0 =	sne.s32 s21, $0x13;
	[tilespmem:s25+$0x65B0] =	vst v0;
	v61 =	vmul.f32 $8.000000000e+00, v3  }
.Ltmp3:
0x121: {  	s23 =	sadd.s32 s4, s23;
	[tilespmem:s25+$0x65C0] =	vst v60;
	v62 =	vmul.f32 $8.000000000e+00, v4;
	(pc) =	sbr.rel @p0 .LBB2_4-.Ltmp3, $4  }
0x122: {  	s23 =	sshll.u32 s23, $0x3;
	[tilespmem:s25+$0x65D0] =	vst v61;
	v63 =	vmul.f32 $8.000000000e+00, v59  }
0x123: {  	s23 =	sand.u32 $0x1FFFF800, s23;
	[tilespmem:s25+$0x65E0] =	vst v62  }
0x124: {  	s23 =	sadd.s32 s2, s23;
	[tilespmem:s25+$0x65F0] =	vst v63  }
0x125: {  	[hbm4b:s23+s3] =	stream.linear.scatter [tilespmem:s13], [sflag:$0x3], $0xA000, $0x38;
	[tilespmem:$0x1A400] =	vst v63  }
0x126: {  	_ =	swait.ge [sflag:s15], $0xA000  }
0x127: {  	[sflag:s15] =	ssyncset.done $0x0  }
0x128: {  	s21 =	simm.s32 $0x0;
	[sflag:s15] =	ssyncadd.s32 $0xFFFF6000  }
0x129: {  	v0 =	vld [tilespmem:s21+$0x10400]  }
0x12a: {  	v1 =	vld [tilespmem:s21+$0x10410]  }
0x12b: {  	v2 =	vld [tilespmem:s21+$0x10420]  }
0x12c: {  	v3 =	vld [tilespmem:s21+$0x10430]  }
0x12d: {  	v4 =	vld [tilespmem:s21+$0x10440]  }
0x12e: {  	v5 =	vld [tilespmem:s21+$0x10450];
	v0 =	vmul.f32 $8.000000000e+00, v0  }
0x12f: {  	v6 =	vld [tilespmem:s21+$0x10460];
	v1 =	vmul.f32 $8.000000000e+00, v1  }
0x130: {  	v2 =	vmul.f32 $8.000000000e+00, v2;
	[tilespmem:s21+$0x10400] =	vst v0;
	v0 =	vld [tilespmem:s21+$0x10470]  }
0x131: {  	v3 =	vmul.f32 $8.000000000e+00, v3;
	[tilespmem:s21+$0x10410] =	vst v1;
	v1 =	vld [tilespmem:s21+$0x10480]  }
0x132: {  	v4 =	vmul.f32 $8.000000000e+00, v4;
	[tilespmem:s21+$0x10420] =	vst v2;
	v2 =	vld [tilespmem:s21+$0x10490]  }
0x133: {  	v5 =	vmul.f32 $8.000000000e+00, v5;
	[tilespmem:s21+$0x10430] =	vst v3;
	v3 =	vld [tilespmem:s21+$0x104A0]  }
0x134: {  	v6 =	vmul.f32 $8.000000000e+00, v6;
	[tilespmem:s21+$0x10440] =	vst v4;
	v4 =	vld [tilespmem:s21+$0x104B0]  }
0x135: {  	[tilespmem:s21+$0x10450] =	vst v5;
	v5 =	vld [tilespmem:s21+$0x104C0];
	v0 =	vmul.f32 $8.000000000e+00, v0  }
0x136: {  	[tilespmem:s21+$0x10460] =	vst v6;
	v6 =	vld [tilespmem:s21+$0x104D0];
	v1 =	vmul.f32 $8.000000000e+00, v1  }
0x137: {  	v2 =	vmul.f32 $8.000000000e+00, v2;
	[tilespmem:s21+$0x10470] =	vst v0;
	v0 =	vld [tilespmem:s21+$0x104E0]  }
0x138: {  	v3 =	vmul.f32 $8.000000000e+00, v3;
	[tilespmem:s21+$0x10480] =	vst v1;
	v1 =	vld [tilespmem:s21+$0x104F0]  }
0x139: {  	v4 =	vmul.f32 $8.000000000e+00, v4;
	[tilespmem:s21+$0x10490] =	vst v2;
	v2 =	vld [tilespmem:s21+$0x10500]  }
0x13a: {  	v5 =	vmul.f32 $8.000000000e+00, v5;
	[tilespmem:s21+$0x104A0] =	vst v3;
	v3 =	vld [tilespmem:s21+$0x10510]  }
0x13b: {  	v6 =	vmul.f32 $8.000000000e+00, v6;
	[tilespmem:s21+$0x104B0] =	vst v4;
	v4 =	vld [tilespmem:s21+$0x10520]  }
0x13c: {  	[tilespmem:s21+$0x104C0] =	vst v5;
	v5 =	vld [tilespmem:s21+$0x10530];
	v0 =	vmul.f32 $8.000000000e+00, v0  }
0x13d: {  	[tilespmem:s21+$0x104D0] =	vst v6;
	v6 =	vld [tilespmem:s21+$0x10540]  }
0x13e: {  	v1 =	vmul.f32 $8.000000000e+00, v1;
	[tilespmem:s21+$0x104E0] =	vst v0;
	v0 =	vld [tilespmem:s21+$0x10550]  }
0x13f: {  	v2 =	vmul.f32 $8.000000000e+00, v2  }
0x140: {  	[tilespmem:s21+$0x104F0] =	vst v1;
	v1 =	vmul.f32 $8.000000000e+00, v3;
	v3 =	vld [tilespmem:s21+$0x10570]  }
0x141: {  	v7 =	vld [tilespmem:s21+$0x10560];
	[tilespmem:s21+$0x10500] =	vst v2;
	v2 =	vmul.f32 $8.000000000e+00, v4  }
0x142: {  	v4 =	vld [tilespmem:s21+$0x10580];
	[tilespmem:s21+$0x10510] =	vst v1;
	v1 =	vmul.f32 $8.000000000e+00, v5  }
0x143: {  	[tilespmem:s21+$0x10520] =	vst v2;
	v5 =	vld [tilespmem:s21+$0x10590];
	v2 =	vmul.f32 $8.000000000e+00, v6;
	v6 =	vmul.f32 $8.000000000e+00, v0  }
0x144: {  	[tilespmem:s21+$0x10530] =	vst v1;
	v1 =	vld [tilespmem:s21+$0x105A0]  }
0x145: {  	v0 =	vld [tilespmem:s21+$0x105B0];
	[tilespmem:s21+$0x10550] =	vst v6;
	v6 =	vmul.f32 $8.000000000e+00, v3  }
0x146: {  	v7 =	vmul.f32 $8.000000000e+00, v7;
	[tilespmem:s21+$0x10540] =	vst v2;
	v2 =	vld [tilespmem:s21+$0x105C0]  }
0x147: {  	v3 =	vld [tilespmem:s21+$0x105D0];
	[tilespmem:s21+$0x10570] =	vst v6;
	v6 =	vmul.f32 $8.000000000e+00, v4  }
0x148: {  	s23 =	simm.s32 $0x800;
	[tilespmem:s21+$0x10560] =	vst v7;
	v5 =	vmul.f32 $8.000000000e+00, v5;
	v4 =	vld [tilespmem:s21+$0x105E0]  }
.LBB2_10:
0x149: {  	s25 =	sshra.s32 s23, $0x2;
	p0 =	sne.s32 s23, $0x27800;
	[tilespmem:s21+$0x10580] =	vst v6;
	v1 =	vmul.f32 $8.000000000e+00, v1;
	v6 =	vld [tilespmem:s21+$0x105F0]  }
0x14a: {  	v7 =	vld [tilespmem:s25+$0x10400];
	[tilespmem:s21+$0x10590] =	vst v5;
	v0 =	vmul.f32 $8.000000000e+00, v0  }
0x14b: {  	v5 =	vld [tilespmem:s25+$0x10410];
	[tilespmem:s21+$0x105A0] =	vst v1;
	v1 =	vmul.f32 $8.000000000e+00, v2  }
0x14c: {  	v2 =	vld [tilespmem:s25+$0x10420];
	[tilespmem:s21+$0x105B0] =	vst v0;
	v0 =	vmul.f32 $8.000000000e+00, v3  }
0x14d: {  	v3 =	vld [tilespmem:s25+$0x10430];
	[tilespmem:s21+$0x105C0] =	vst v1;
	v1 =	vmul.f32 $8.000000000e+00, v4  }
0x14e: {  	v4 =	vld [tilespmem:s25+$0x10440];
	[tilespmem:s21+$0x105D0] =	vst v0;
	v0 =	vmul.f32 $8.000000000e+00, v6  }
0x14f: {  	v6 =	vmul.f32 $8.000000000e+00, v7;
	v7 =	vld [tilespmem:s25+$0x10450];
	[tilespmem:s21+$0x105E0] =	vst v1  }
0x150: {  	v1 =	vmul.f32 $8.000000000e+00, v5;
	v5 =	vld [tilespmem:s25+$0x10460];
	[tilespmem:s21+$0x105F0] =	vst v0;
	s21 =	smov.u32 s25  }
0x151: {  	[tilespmem:s21+$0x10400] =	vst v6;
	v0 =	vmul.f32 $8.000000000e+00, v2;
	v2 =	vld [tilespmem:s21+$0x10470]  }
0x152: {  	[tilespmem:s21+$0x10410] =	vst v1;
	v1 =	vmul.f32 $8.000000000e+00, v3;
	v3 =	vld [tilespmem:s21+$0x10480]  }
0x153: {  	[tilespmem:s21+$0x10420] =	vst v0;
	v0 =	vmul.f32 $8.000000000e+00, v4;
	v4 =	vld [tilespmem:s21+$0x10490]  }
0x154: {  	[tilespmem:s21+$0x10430] =	vst v1;
	v1 =	vmul.f32 $8.000000000e+00, v7;
	v6 =	vld [tilespmem:s21+$0x104A0]  }
0x155: {  	[tilespmem:s21+$0x10440] =	vst v0;
	v0 =	vmul.f32 $8.000000000e+00, v5;
	v5 =	vld [tilespmem:s21+$0x104B0]  }
0x156: {  	[tilespmem:s21+$0x10450] =	vst v1;
	v1 =	vmul.f32 $8.000000000e+00, v2;
	v2 =	vld [tilespmem:s21+$0x104C0]  }
0x157: {  	[tilespmem:s21+$0x10460] =	vst v0;
	v0 =	vmul.f32 $8.000000000e+00, v3;
	v3 =	vld [tilespmem:s21+$0x104D0]  }
0x158: {  	[tilespmem:s21+$0x10470] =	vst v1;
	v1 =	vmul.f32 $8.000000000e+00, v4;
	v4 =	vld [tilespmem:s21+$0x104E0]  }
0x159: {  	[tilespmem:s21+$0x10480] =	vst v0;
	v0 =	vmul.f32 $8.000000000e+00, v6;
	v6 =	vld [tilespmem:s21+$0x104F0]  }
0x15a: {  	[tilespmem:s21+$0x10490] =	vst v1;
	v1 =	vmul.f32 $8.000000000e+00, v5;
	v5 =	vld [tilespmem:s21+$0x10500]  }
0x15b: {  	[tilespmem:s21+$0x104A0] =	vst v0;
	v0 =	vmul.f32 $8.000000000e+00, v2;
	v2 =	vld [tilespmem:s21+$0x10510]  }
0x15c: {  	[tilespmem:s21+$0x104B0] =	vst v1;
	v1 =	vmul.f32 $8.000000000e+00, v3;
	v3 =	vld [tilespmem:s21+$0x10520]  }
0x15d: {  	[tilespmem:s21+$0x104C0] =	vst v0;
	v0 =	vmul.f32 $8.000000000e+00, v4;
	v4 =	vld [tilespmem:s21+$0x10530]  }
0x15e: {  	[tilespmem:s21+$0x104D0] =	vst v1;
	v1 =	vmul.f32 $8.000000000e+00, v6;
	v6 =	vld [tilespmem:s21+$0x10540]  }
0x15f: {  	[tilespmem:s21+$0x104E0] =	vst v0;
	v0 =	vmul.f32 $8.000000000e+00, v5;
	v5 =	vld [tilespmem:s21+$0x10550]  }
0x160: {  	[tilespmem:s21+$0x104F0] =	vst v1;
	v1 =	vmul.f32 $8.000000000e+00, v2;
	v2 =	vld [tilespmem:s21+$0x10560]  }
0x161: {  	[tilespmem:s21+$0x10500] =	vst v0;
	v0 =	vmul.f32 $8.000000000e+00, v3;
	v3 =	vld [tilespmem:s21+$0x10570]  }
0x162: {  	[tilespmem:s21+$0x10510] =	vst v1;
	v1 =	vmul.f32 $8.000000000e+00, v4;
	v4 =	vld [tilespmem:s21+$0x10580]  }
0x163: {  	[tilespmem:s21+$0x10520] =	vst v0;
	v0 =	vmul.f32 $8.000000000e+00, v6;
	v7 =	vld [tilespmem:s21+$0x10590]  }
.Ltmp4:
0x164: {  	[tilespmem:s21+$0x10530] =	vst v1;
	v5 =	vmul.f32 $8.000000000e+00, v5;
	v1 =	vld [tilespmem:s21+$0x105A0];
	(pc) =	sbr.rel @p0 .LBB2_10-.Ltmp4, $4  }
0x165: {  	[tilespmem:s21+$0x10540] =	vst v0;
	v6 =	vmul.f32 $8.000000000e+00, v2;
	v0 =	vld [tilespmem:s21+$0x105B0]  }
0x166: {  	[tilespmem:s21+$0x10550] =	vst v5;
	v5 =	vmul.f32 $8.000000000e+00, v3;
	v2 =	vld [tilespmem:s21+$0x105C0]  }
0x167: {  	[tilespmem:s21+$0x10560] =	vst v6;
	v6 =	vmul.f32 $8.000000000e+00, v4;
	v3 =	vld [tilespmem:s21+$0x105D0]  }
0x168: {  	s23 =	sadd.s32 $0x800, s23;
	[tilespmem:s21+$0x10570] =	vst v5;
	v5 =	vmul.f32 $8.000000000e+00, v7;
	v4 =	vld [tilespmem:s21+$0x105E0]  }
0x169: {  	[tilespmem:s21+$0x10580] =	vst v6;
	v1 =	vmul.f32 $8.000000000e+00, v1;
	v59 =	vld [tilespmem:s21+$0x105F0]  }
0x16a: {  	[tilespmem:s21+$0x10590] =	vst v5;
	v0 =	vmul.f32 $8.000000000e+00, v0  }
0x16b: {  	[tilespmem:s21+$0x105A0] =	vst v1;
	v60 =	vmul.f32 $8.000000000e+00, v2  }
0x16c: {  	[tilespmem:s21+$0x105B0] =	vst v0;
	v61 =	vmul.f32 $8.000000000e+00, v3  }
0x16d: {  	[tilespmem:s21+$0x105C0] =	vst v60;
	v62 =	vmul.f32 $8.000000000e+00, v4  }
0x16e: {  	[tilespmem:s21+$0x105D0] =	vst v61;
	v63 =	vmul.f32 $8.000000000e+00, v59  }
0x16f: {  	[tilespmem:s21+$0x105E0] =	vst v62  }
0x170: {  	s19 =	sadd.s32 $0x1, s19;
	[tilespmem:s21+$0x105F0] =	vst v63  }
0x171: {  	[hbm4b:s9+s3] =	stream.linear.scatter [tilespmem:s22], [sflag:$0x4], $0xA000, $0x38;
	[tilespmem:$0x1A400] =	vst v63  }
0x172: {  	p0 =	sne.s32 s19, s10;
	_ =	swait.ge [sflag:s0], $0xA000  }
.Ltmp5:
0x173: {  	[sflag:s0] =	ssyncset.done $0x0;
	(pc) =	sbr.rel @p0 .LBB2_1-.Ltmp5, $4  }
0x174: {  	[sflag:s0] =	ssyncadd.s32 $0xFFFF6000  }
0x175: {  	_ =	swait.ge [sflag:s17], $0xA000  }
0x176: {  	[sflag:s17] =	ssyncset.done $0x0  }
0x177: {  	[sflag:s17] =	ssyncadd.s32 $0xFFFF6000  }
0x178: {  	_ =	sfence.sel $0x180000  }
0x179: {  	[bflag:$0x0] =	sbarrier.arrive $0xFFFF  }
0x17a: {  	_ =	strace $0x90000047  }
0x17b: {  	s0 =	stileid.u32;
	[bflag:$0x2] =	sbarrier.arrive $0xFFFF  }
0x17c: {  	p0 =	sne.s32 s0, $0x0;
	s0 =	rddreg [dreg:$0x2]  }
0x17d: {  	s0 =	sadd.s32 @!p0 $0x100000, s0  }
0x17e: {  	[sflag:s0] =	ssyncadd.tile.s32 @!p0 $0x1;
	_ =	shalt  }
.Lfunc_end2:
_tile_overlayer_lowered:
.L_overlay_start_2:
0x17f: {  	(tag) =	ssettag $0x2  }
0x180: {  	s0 =	rddreg [dreg:$0x0];
	s2 =	stileid.u32  }
0x181: {  	s1 =	rddreg [dreg:$0x1];
	p0 =	sne.s32 s2, $0x0  }
0x182: {  	s3 =	rddreg [dreg:$0x2];
	[bflag:$0x3] =	sbarrier.arrive $0xFFFF;
	s2 =	simm.s32 @!p0 $0x1C05  }
0x183: {  	[timem:s3], [sflag:s2] =	dma.local @!p0 [hbm:s0], s1  }
0x184: {  	s0 =	simm.s32 @!p0 $0x5  }
0x185: {  	_ =	swait.ge @!p0 [sflag:s0], s1  }
0x186: {  	s1 =	ssub.s32 @!p0 $0x0, s1;
	[sflag:s0] =	ssyncset.done @!p0 $0x0  }
0x187: {  	[sflag:s0] =	ssyncadd.s32 @!p0 s1  }
0x188: {  	[bflag:$0x3] =	sbarrier.arrive $0xFFFF  }
0x189: {  	_ =	shalt  }

// kernel: sparse-core-data-format-call.cloned.1.call-start
scs
called_computation_lowered:
.L_overlay_start_0:
0x0: {  	s2 =	sld [smem:$0x3FD9]  }
0x1: {  	s3 =	sld [smem:$0x3FFE];
	_ =	sdelay $0x1  }
0x2: {  	s1 =	srdreg.scid  }
0x3: {  	s0 =	sand.u32 $0x1, s1  }
0x4: {  	s18 =	sshll.u32 s0, $0xA;
	s2 =	sadd.s32 s3, s2  }
0x5: {  	s2 =	sadd.s32 s2, s18  }
0x6: {  	[smem:$0x3FC6] =	sst s2  }
0x7: {  	_ = 	snop  }
0x8: {  	s2 =	sld [smem:$0x3FD0];
	(tm) =	ssettm $0x1  }
0x9: {  	s19 =	sld [smem:$0x3FFB];
	_ =	sdelay $0x3  }
0xa: {  	_ =	strace s19  }
0xb: {  	s3 =	sld [smem:$0x3FFC];
	_ =	sdelay $0x3  }
0xc: {  	_ =	strace s3  }
0xd: {  	s3 =	sld [smem:$0x3FFD];
	_ =	sdelay $0x3  }
0xe: {  	_ =	strace s3  }
0xf: {  	_ =	strace $0x8FFFFFFF  }
0x10: {  	s20 =	sld [smem:$0x3FDB];
	_ =	sdelay $0x1  }
0x11: {  	s4 =	simm.s32 $_scs_section_size  }
0x12: {  	s5 =	simm.s32 $_size__tile_overlayer_lowered;
	s6 =	simm.s32 $_tile_overlayer_lowered  }
0x13: {  	s23 =	simm.s32 $0x1BFF;
	s22 =	sshll.u32 s6, $0x1;
	s3 =	sadd.s32 s4, s20  }
0x14: {  	s7 =	simm.s32 $0x0;
	s21 =	sshll.u32 s5, $0x1;
	s5 =	sadd.s32 s22, s3  }
0x15: {  	[timem:s7], [sflag:s23] =	dma.local [hbm:s5], s21  }
0x16: {  	_ =	swait.ge [sflag:s23], s21  }
0x17: {  	s4 =	ssub.s32 $0x0, s21;
	[sflag:s23] =	ssyncset.done $0x0  }
0x18: {  	[sflag:s23] =	ssyncadd.s32 s4;
	_ =	sdelay $0x1  }
0x19: {  	s24 =	simm.s32 $0x1B8B  }
0x1a: {  	_ =	swait.ge [sflag:s24], $0x1  }
0x1b: {  	[sflag:s24] =	ssyncset.done $0x0  }
0x1c: {  	s26 =	simm.s32 $0x1B8E;
	s25 =	sld [smem:$0x3FFE];
	[sflag:s24] =	ssyncadd.s32 $0xFFFFFFFF  }
0x1d: {  	s27 =	simm.s32 $execute0_lowered;
	[smem:$0x3FD2] =	sst s26  }
0x1e: {  	s5 =	sshll.u32 s27, $0x1;
	_ =	strace $0x80000049;
	[dreg:$0x1] =	wrdreg $0xFFFFFFFF  }
0x1f: {  	s28 =	simm.s32 $_size_execute0_lowered;
	s3 =	sadd.s32 s3, s5;
	[dreg:$0x0] =	wrdreg $0x0  }
0x20: {  	s5 =	sshll.u32 s28, $0x1;
	[dreg:$0x2] =	wrdreg s3  }
0x21: {  	[dreg:$0x3] =	wrdreg s5  }
0x22: {  	[dreg:$0x4] =	wrdreg $0xC0  }
0x23: {  	_ =	task [dreg:s7], $0x5FFFF  }
0x24: {  	[dreg:$0x1] =	wrdreg $0xFFFFFFFF  }
0x25: {  	[dreg:$0x0] =	wrdreg $0x60  }
0x26: {  	[dreg:$0x2] =	wrdreg s25  }
0x27: {  	[dreg:$0x3] =	wrdreg s2  }
0x28: {  	[dreg:$0x4] =	wrdreg $0x9  }
0x29: {  	_ =	task.clear_ibuf [dreg:s7], $0x5FFFF;
	_ =	strace $0x90000049  }
0x2a: {  	s29 =	simm.s32 $0x9;
	_ =	strace $0x8000004B  }
0x2b: {  	_ =	swait.ge [sflag:s29], $0x1  }
0x2c: {  	[sflag:s29] =	ssyncadd.s32 $0xFFFFFFFF  }
0x2d: {  	_ =	strace $0x9000004B  }
0x2e: {  	_ =	sfence  }
0x2f: {  	s30 =	sld [smem:$0x0];
	_ =	sdelay $0x2  }
0x30: {  	s31 =	sshll.u32 s1, $0xD;
	s1 =	sshrl.u32 s1, $0x2  }
0x31: {  	s3 =	sand.u32 $0x4000, s31;
	s1 =	sadd.s32 s1, s30  }
0x32: {  	s0 =	sor.u32 s3, s0;
	s1 =	sshll.u32 s1, $0x11  }
0x33: {  	s0 =	sor.u32 s1, s0  }
0x34: {  	s0 =	sadd.s32 $0x8F2B, s0  }
0x35: {  	[sflag:s0] =	ssyncadd.remote.s32 $0x1  }
0x36: {  	_ =	sfence.sel $0xFFFF  }
0x37: {  	[dreg:$0x0] =	wrdreg $0xFFFFFFFF;
	(pc) =	sbr.abs _section_cstart, $3  }
0x38: {  	[dreg:$0x1] =	wrdreg $0xFFFFFFFF  }
0x39: {  	_ =	task.clear_ibuf [dreg:s7], $0x2FFFF;
	_ =	strace $0x9FFFFFFF  }
0x3a: {  	(tm) =	ssettm $0x7FFFFFFF  }
0x3b: {  	_ =	shalt  }
tec
execute0_lowered:
.L_overlay_start_1:
0x0: {  	(tag) =	ssettag $0x1  }
0x1: {  	s0 =	srdreg.scid  }
0x2: {  	s1 =	sshll.u32 s0, $0x4  }
0x3: {  	s0 =	stileid.u32;
	s1 =	sand.u32 $0x10, s1  }
0x4: {  	s1 =	sor.u32 s0, s1  }
0x5: {  	s6 =	rddreg [dreg:$0x0];
	s4 =	simm.s32 $0x1;
	s2 =	sshll.u32 s1, $0x7  }
0x6: {  	s7 =	simm.s32 $0x2;
	s12 =	simm.s32 $0x0;
	s1 =	ssub.s32 $0x1000, s2  }
0x7: {  	s8 =	simm.s32 $0x8000;
	s13 =	simm.s32 $0x0;
	s3 =	sand.u32 $0xF80, s1  }
0x8: {  	s9 =	simm.s32 $0x0;
	s5 =	sshrl.u32 s1, $0xC;
	p0 =	sne.s32 s3, $0x0  }
.Ltmp0:
0x9: {  	s1 =	rddreg [dreg:$0x2];
	s4 =	simm.s32 @!p0 $0x0;
	(pc) =	sbr.rel .LBB1_1-.Ltmp0, $4  }
0xa: {  	s11 =	simm.s32 $0x0;
	s3 =	rddreg [dreg:$0x1];
	s5 =	sadd.s32 s4, s5  }
0xb: {  	_ =	strace $0x8000004A;
	s4 =	simm.s32 $0x1;
	s5 =	smul.u32 $0xC8, s5  }
0xc: {  	s6 =	sadd.s32 $0xA00, s6;
	s10 =	smov.u32 s2;
	[sflag:s4] =	ssyncpa.u1 $0x0  }
0xd: {  	p0 =	por $0x0, $0x0;
	[sflag:s7] =	ssyncpa.u1 $0x0;
	s7 =	sor.u32 $0x1, s5  }
.LBB1_4:
0xe: {  	s16 =	sshll.u32 s13, $0x3;
	s17 =	sand.u32 $0x78, s13  }
0xf: {  	s30 =	sand.u32 $0x7E00, s13;
	s12 =	sshll.u32 s12, $0xF;
	s16 =	sand.u32 $0xC00, s16  }
0x10: {  	[tilespmem:s15+$0x810 ss:$0x81] =	vst.msk $0xffff, v2;
	s31 =	sand.u32 $0x7, s13;
	s16 =	sor.u32 s17, s16;
	s17 =	sadd.s32 s3, s30  }
0x11: {  	[tilespmem:s15+$0x1020 ss:$0x81] =	vst.msk $0xffff, v0;
	s13 =	sshll.u32 s31, $0x12;
	s12 =	sadd.s32 s12, s17;
	s16 =	sshrl.u32 s16, $0x3  }
0x12: {  	[tilespmem:s15+$0x0 ss:$0x81] =	vst.msk $0xffff, v1;
	s13 =	sor.u32 $0x400, s13;
	s12 =	sadd.s32 s16, s12  }
0x13: {  	[hbm4b:s12+s13] =	stream.strided.scatter [tilespmem:s14], [sflag:$0x2], $0x2000, s8, s13, $0x20;
	[tilespmem:$0x8080] =	vst v63  }
.LBB1_5:
0x14: {  	s14 =	sadd.s32 $0x1, s9  }
0x15: {  	s12 =	sadd.s32 $0x1000, s10;
	s16 =	smov.u32 s10;
	p2 =	sgt.s32 s14, $0xC7  }
0x16: {  	s16 =	smov.u32 @p2 s12  }
0x17: {  	s14 =	simm.s32 @p2 $0x0;
	p2 =	sgt.s32 s16, $0xFFF  }
0x18: {  	s16 =	smov.u32 @p2 s2;
	p2 =	sne.s32 s11, s7  }
.Ltmp1:
0x19: {  	p1 =	slt.u32 s11, $0x2;
	(pc) =	sbr.rel @!p2 .LBB1_6-.Ltmp1, $4  }
0x1a: {  	s15 =	simm.s32 @!p1 $0x2  }
0x1b: {  	s13 =	smov.u32 s10;
	p0 =	por !p0, !p0;
	_ =	swait.ge @!p1 [sflag:s15], $0x2000  }
0x1c: {  	s12 =	smov.u32 s9;
	[sflag:s15] =	ssyncset.done @!p1 $0x0;
	s9 =	smov.u32 s14  }
0x1d: {  	s11 =	sadd.s32 $0x1, s11;
	[sflag:s15] =	ssyncadd.s32 @!p1 $0xFFFFE000;
	s10 =	smov.u32 s16  }
.LBB1_1:
0x1e: {  	p1 =	sge.u32 s11, s5  }
0x1f: {  	s14 =	sand.u32 @!p1 $0x1FFFFFF, s9  }
0x20: {  	s15 =	smulhi.u32 @!p1 $0x147AE15, s14;
	_ =	sdelay $0x1  }
0x21: {  	s15 =	smul.u32 @!p1 $0xC8, s15  }
0x22: {  	s16 =	sxor.u32 @!p1 $0xFFFFFFFF, s11;
	s17 =	smul.u32 @!p1 $0xC80, s10  }
0x23: {  	s31 =	sadd.s32 $0xFFFFFFFF, s11;
	s16 =	sshll.u32 @!p1 s16, $0xD;
	s14 =	ssub.s32 @!p1 s14, s15  }
0x24: {  	s15 =	sand.u32 @!p1 $0x2000, s16;
	s16 =	sadd.s32 @!p1 s6, s17;
	s14 =	sshll.u32 @!p1 s14, $0x4  }
0x25: {  	s17 =	simm.s32 @!p1 $0x6400;
	s14 =	sadd.s32 @!p1 s14, s16;
	s16 =	simm.s32 @!p1 $0x40  }
0x26: {  	[tilespmem:s15], [sflag:$0x1] =	stream.strided.gather @!p1 [hbm4b:s14+s16], $0x2000, s17, s16, $0x38;
	[tilespmem:$0x8080] =	vst v63  }
0x27: {  	p1 =	sge.u32 s31, s5  }
.Ltmp2:
0x28: {  	_ = 	snop;
	(pc) =	sbr.rel @p1 .LBB1_5-.Ltmp2, $1  }
0x29: {  	_ =	sdelay $0x3  }
0x2a: {  	s14 =	simm.s32 $0x1  }
0x2b: {  	_ =	swait.ge [sflag:s4], $0x2000;
	s14 =	simm.s32 @!p0 $0x0  }
0x2c: {  	[sflag:s4] =	ssyncset.done $0x0;
	s15 =	sshll.u32 s14, $0xD  }
0x2d: {  	[sflag:s4] =	ssyncadd.s32 $0xFFFFE000;
	s18 =	sor.u32 $0x20, s15  }
0x2e: {  	s14 =	smul.u32 $0x8100, s14;
	v3 =	vld [tilespmem:s18+$0x10]  }
0x2f: {  	s30 =	sand.u32 $0x1, s11;
	v2 =	vld [tilespmem:s18+$0xFFFFFFF0]  }
0x30: {  	s15 =	smul.u32 $0x8100, s30;
	s14 =	sshrl.u32 s14, $0x2;
	v0 =	vld [tilespmem:s18+$0x0]  }
0x31: {  	v1 =	vld [tilespmem:s18+$0xFFFFFFE0];
	s16 =	sor.u32 $0x4000, s14  }
0x32: {  	s31 =	sshrl.u32 s15, $0x2;
	s15 =	sadd.s32 $0x0, s16  }
0x33: {  	s17 =	simm.s32 $0x4;
	s18 =	sadd.s32 $0x40, s18;
	s14 =	sor.u32 $0x4000, s31;
	[tilespmem:s15+$0x1830 ss:$0x81] =	vst.msk $0xffff, v3  }
.LBB1_3:
0x34: {  	v3 =	vld [tilespmem:s18+$0x10];
	p1 =	sne.s32 s17, $0x1FC;
	[tilespmem:s15+$0x810 ss:$0x81] =	vst.msk $0xffff, v2;
	s19 =	smov.u32 s17;
	s17 =	sadd.s32 $0x4, s17  }
.Ltmp3:
0x35: {  	v2 =	vld [tilespmem:s18+$0xFFFFFFF0];
	[tilespmem:s15+$0x1020 ss:$0x81] =	vst.msk $0xffff, v0;
	(pc) =	sbr.rel @p1 .LBB1_3-.Ltmp3, $4  }
0x36: {  	v0 =	vld [tilespmem:s18+$0x0];
	[tilespmem:s15+$0x0 ss:$0x81] =	vst.msk $0xffff, v1  }
0x37: {  	s15 =	sshra.s32 s19, $0x2;
	v1 =	vld [tilespmem:s18+$0xFFFFFFE0]  }
0x38: {  	s15 =	sadd.s32 s15, s16  }
0x39: {  	s18 =	sadd.s32 $0x40, s18;
	[tilespmem:s15+$0x1830 ss:$0x81] =	vst.msk $0xffff, v3  }
.Ltmp4:
0x3a: {  	_ = 	snop;
	(pc) =	sbr.rel .LBB1_4-.Ltmp4, $1  }
0x3b: {  	_ =	sdelay $0x3  }
.LBB1_6:
0x3c: {  	_ =	sfence.sel $0x180000  }
0x3d: {  	s2 =	simm.s32 $0x1;
	[bflag:$0x0] =	sbarrier.arrive $0xFFFF  }
0x3e: {  	s31 =	simm.s32 $0x2;
	[sflag:s2] =	ssyncpa.u1 $0x1  }
0x3f: {  	[sflag:s31] =	ssyncpa.u1 $0x1  }
0x40: {  	p0 =	sne.s32 s0, $0x0;
	_ =	strace $0x9000004A  }
0x41: {  	s0 =	sadd.s32 @!p0 $0x100000, s1;
	[bflag:$0x2] =	sbarrier.arrive $0xFFFF  }
0x42: {  	[sflag:s0] =	ssyncadd.tile.s32 @!p0 $0x1;
	_ =	shalt  }
.Lfunc_end1:
_tile_overlayer_lowered:
.L_overlay_start_2:
0x43: {  	(tag) =	ssettag $0x2  }
0x44: {  	s0 =	rddreg [dreg:$0x0];
	s2 =	stileid.u32  }
0x45: {  	s1 =	rddreg [dreg:$0x1];
	p0 =	sne.s32 s2, $0x0  }
0x46: {  	s3 =	rddreg [dreg:$0x2];
	[bflag:$0x3] =	sbarrier.arrive $0xFFFF;
	s2 =	simm.s32 @!p0 $0x1C01  }
0x47: {  	[timem:s3], [sflag:s2] =	dma.local @!p0 [hbm:s0], s1  }
0x48: {  	s0 =	simm.s32 @!p0 $0x1  }
0x49: {  	_ =	swait.ge @!p0 [sflag:s0], s1  }
0x4a: {  	s1 =	ssub.s32 @!p0 $0x0, s1;
	[sflag:s0] =	ssyncset.done @!p0 $0x0  }
0x4b: {  	[sflag:s0] =	ssyncadd.s32 @!p0 s1  }
0x4c: {  	[bflag:$0x3] =	sbarrier.arrive $0xFFFF  }
0x4d: {  	_ =	shalt  }

</sc_bundles>
